<compile_context>
chip_gen: v7x
topology: tpu7x:2x2x1
jax: 0.10.2.dev20260603
libtpu: 0.0.44.dev20260713+nightly
codegen_flags: <defaults>
</compile_context>

<pallas_src>
import jax
import jax.numpy as jnp
from jax import lax
from jax.experimental import pallas as pl
from jax.experimental.pallas import tpu as pltpu
from jax.experimental.pallas import tpu_sc as plsc

VOCAB = 1000000
EMB = 32
B = 4096
L = 200

NC = 2
NS = 16
NW = NC * NS
BPW = B // NW
IPW = BPW * L
S0 = 96
S1 = L - S0
W = 128
PR = VOCAB // 4
CW = 512
NFULL = 999936 // CW
TAILBASE = NFULL * CW


def _repack_body(tt_hbm, tail_hbm, out_hbm, in_a, in_b, out_a, out_b,
                 sem_ia, sem_ib, sem_oa, sem_ob):
    c = lax.axis_index("c")
    s = lax.axis_index("s")
    wid = s * NC + c

    lane = lax.iota(jnp.int32, 16)

    n_my = jnp.where(wid < NFULL - (NFULL // NW) * NW, NFULL // NW + 1,
                     NFULL // NW)

    def cbase(k):
        return (wid + jnp.minimum(k, n_my - 1) * NW) * CW

    def fire_in(k, buf, sem):
        pltpu.async_copy(tt_hbm.at[:, pl.ds(cbase(k), CW)], buf, sem)

    def wait_in(buf, sem):
        pltpu.make_async_copy(tt_hbm.at[:, pl.ds(0, CW)], buf, sem).wait()

    def fire_out(k, buf, sem):
        pltpu.async_copy(buf, out_hbm.at[pl.ds(cbase(k) * EMB, CW * EMB)], sem)

    def wait_out(buf, sem):
        pltpu.make_async_copy(buf, out_hbm.at[pl.ds(0, CW * EMB)], sem).wait()

    cs = [(lane + k) & 15 for k in range(16)]
    out_idx = [c * EMB + lane for c in cs]

    def shuffle(src, dst):
        def g_loop(g, _):
            vl0 = g * 16
            csg = [vl0 + c for c in cs]
            for e0 in (0, 16):
                sslice = src.at[pl.ds(e0, 16)]
                dslice = dst.at[pl.ds(g * 512 + e0, 496)]
                for k0 in range(0, 16, 8):
                    vals = [plsc.load_gather(sslice, [lane, csg[k0 + t]])
                            for t in range(8)]
                    for t in range(8):
                        plsc.store_scatter(dslice, [out_idx[k0 + t]], vals[t])
            return 0

        lax.fori_loop(0, CW // 16, g_loop, 0)

    fire_in(0, in_a, sem_ia)
    fire_in(1, in_b, sem_ib)

    def step(i, _):
        k = 2 * i
        wait_in(in_a, sem_ia)

        @pl.when(i > 0)
        def _():
            wait_out(out_a, sem_oa)

        shuffle(in_a, out_a)
        fire_out(k, out_a, sem_oa)
        fire_in(k + 2, in_a, sem_ia)

        wait_in(in_b, sem_ib)

        @pl.when(i > 0)
        def _():
            wait_out(out_b, sem_ob)

        shuffle(in_b, out_b)
        fire_out(k + 1, out_b, sem_ob)
        fire_in(k + 3, in_b, sem_ib)
        return 0

    lax.fori_loop(0, (n_my + 1) // 2, step, 0)

    wait_in(in_a, sem_ia)
    wait_in(in_b, sem_ib)
    wait_out(out_a, sem_oa)
    wait_out(out_b, sem_ob)

    @pl.when(wid == 17)
    def _():
        pltpu.sync_copy(tail_hbm, out_hbm.at[pl.ds(TAILBASE * EMB, 64 * EMB)])


def _gather_body(ids_hbm, tbl_hbm, out_hbm, idx_v, buf_a, buf_b, out_v, sem_a, sem_b):
    c = lax.axis_index("c")
    s = lax.axis_index("s")
    wid = s * NC + c

    pltpu.sync_copy(ids_hbm.at[pl.ds(wid * IPW, IPW)], idx_v)

    def fire(r, buf, sem):
        pltpu.async_copy(tbl_hbm.at[idx_v.at[pl.ds(L * r, S0)]],
                         buf.at[pl.ds(0, S0)], sem)
        pltpu.async_copy(tbl_hbm.at[idx_v.at[pl.ds(L * r + S0, S1)]],
                         buf.at[pl.ds(S0, S1)], sem)

    def drain(buf, sem):
        pltpu.make_async_copy(tbl_hbm.at[pl.ds(0, L)], buf, sem).wait()

    def accum(buf, r):
        zero = jnp.zeros((16,), jnp.float32)

        def body(j, carry):
            a0, a1 = carry
            a0 = a0 + buf[j, pl.ds(0, 16)]
            a1 = a1 + buf[j, pl.ds(16, 16)]
            return a0, a1

        a0, a1 = lax.fori_loop(0, L, body, (zero, zero), unroll=8)
        out_v[pl.ds(EMB * r, 16)] = a0
        out_v[pl.ds(EMB * r + 16, 16)] = a1

    fire(0, buf_a, sem_a)
    fire(1, buf_b, sem_b)

    def step(i, _):
        g = 2 * i
        drain(buf_a, sem_a)
        accum(buf_a, g)
        fire(jnp.minimum(g + 2, BPW - 1), buf_a, sem_a)
        drain(buf_b, sem_b)
        accum(buf_b, g + 1)
        fire(jnp.minimum(g + 3, BPW - 1), buf_b, sem_b)
        return 0

    lax.fori_loop(0, BPW // 2, step, 0)
    drain(buf_a, sem_a)
    drain(buf_b, sem_b)

    pltpu.sync_copy(out_v, out_hbm.at[pl.ds(wid * BPW * EMB, BPW * EMB)])


@jax.jit
def _encode(ids1, table_t, tail_packed):
    mesh = plsc.VectorSubcoreMesh(core_axis_name="c", subcore_axis_name="s")
    repack = pl.kernel(
        _repack_body,
        out_type=jax.ShapeDtypeStruct((PR * W,), jnp.float32),
        mesh=mesh,
        scratch_types=[
            pltpu.VMEM((EMB, CW), jnp.float32),
            pltpu.VMEM((EMB, CW), jnp.float32),
            pltpu.VMEM((CW * EMB,), jnp.float32),
            pltpu.VMEM((CW * EMB,), jnp.float32),
            pltpu.SemaphoreType.DMA,
            pltpu.SemaphoreType.DMA,
            pltpu.SemaphoreType.DMA,
            pltpu.SemaphoreType.DMA,
        ],
        name="repack",
        compiler_params=pltpu.CompilerParams(use_tc_tiling_on_sc=True,
                                             disable_bounds_checks=True,
                                             needs_layout_passes=False),
    )
    packed = repack(table_t, tail_packed)

    gather = pl.kernel(
        _gather_body,
        out_type=jax.ShapeDtypeStruct((B * EMB,), jnp.float32),
        mesh=mesh,
        scratch_types=[
            pltpu.VMEM((IPW,), jnp.int32),
            pltpu.VMEM((L, EMB), jnp.float32),
            pltpu.VMEM((L, EMB), jnp.float32),
            pltpu.VMEM((BPW * EMB,), jnp.float32),
            pltpu.SemaphoreType.DMA,
            pltpu.SemaphoreType.DMA,
        ],
        compiler_params=pltpu.CompilerParams(use_tc_tiling_on_sc=False),
    )
    return gather(ids1, packed.reshape(VOCAB, EMB))


def kernel(input_ids, embedding_table):
    ids1 = input_ids.astype(jnp.int32).reshape(B * L)
    tail_packed = embedding_table[VOCAB - 64:, :].reshape(64 * EMB)
    out = _encode(ids1, embedding_table.T, tail_packed)
    return (out.reshape(B, 1, EMB),)

# --- scband reference (transcript-rebuilt; emitter-appended) ---
"""Pipeline reference for scband-pre-trained-embedding-encoder-28166395527844 (READ-ONLY COPY).

The authoritative reference and input builder live on the scoring server;
editing this copy changes nothing except your own understanding.
"""

import jax, jax.numpy as jnp
import numpy as np

VOCAB = 1000000
EMB = 32
B = 4096
L = 200

def setup_inputs(seed: int = 0) -> dict:
    key = jax.random.key(seed)
    k1, k2 = jax.random.split(key)
    input_ids = jax.random.randint(k1, (B, L), 0, VOCAB, dtype=jnp.int64 if jax.config.jax_enable_x64 else jnp.int32)
    embedding_table = jax.random.normal(k2, (VOCAB, EMB), dtype=jnp.float32)
    return {"input_ids": input_ids, "embedding_table": embedding_table}

def reference(input_ids, embedding_table):
    # nn.Embedding lookup: gather rows of the table
    emb = jnp.take(embedding_table, input_ids, axis=0)  # [B, L, EMB]
    # torch.sum(emb, dim=1, keepdim=True)
    out = jnp.sum(emb, axis=1, keepdims=True)  # [B, 1, EMB]
    return (out,)

if __name__ == "__main__":
    import jax
    _d = setup_inputs()
    print(jax.jit(kernel)(*tuple(_d.values())))

</pallas_src>

<mosaic_0001>
#map = affine_map<(d0, d1) -> (0)>
#map1 = affine_map<(d0, d1) -> (0, 0)>
module attributes {stable_mosaic.version = 14 : i64} {
  func.func @_gather_body(%arg0: i32, %arg1: i32, %arg2: memref<819200xi32, #tpu.memory_space<hbm>>, %arg3: memref<1000000x32xf32, #tpu.memory_space<hbm>>, %arg4: memref<131072xf32, #tpu.memory_space<hbm>>, %arg5: memref<25600xi32, #tpu.memory_space<vmem>>, %arg6: memref<200x32xf32, #tpu.memory_space<vmem>>, %arg7: memref<200x32xf32, #tpu.memory_space<vmem>>, %arg8: memref<4096xf32, #tpu.memory_space<vmem>>, %arg9: memref<!tpu.dma_semaphore, #tpu.memory_space<semaphore_mem>>, %arg10: memref<!tpu.dma_semaphore, #tpu.memory_space<semaphore_mem>>) attributes {dimension_semantics = [#tpu.dimension_semantics<core_parallel>, #tpu.dimension_semantics<subcore_parallel>], iteration_bounds = array<i64: 2, 16>, scalar_prefetch = 0 : i64, scratch_operands = 6 : i64, tpu.core_type = #tpu.core_type<sc_vector_subcore>, window_params = [{transform_indices = #map}, {transform_indices = #map1}, {transform_indices = #map}]} {
    %mul3A = arith.constant 2 : i32
    %mul3A_0 = arith.muli %arg1, %mul3A : i32
    %add3A = arith.addi %mul3A_0, %arg0 : i32
    %mul3A_1 = arith.constant 25600 : i32
    %mul3A_2 = arith.muli %add3A, %mul3A_1 : i32
    "tpu.region"() ({
      %run_scoped3A = tpu.sem_alloc : memref<!tpu.dma_semaphore, #tpu.memory_space<semaphore_mem>>
      %dma_start3A_55 = tpu.memref_slice %arg2[%mul3A_2] : memref<819200xi32, #tpu.memory_space<hbm>> -> memref<25600xi32, #tpu.memory_space<hbm>>
      %dma_start3A_56 = tpu.memref_slice %arg2[%mul3A_2] : memref<819200xi32, #tpu.memory_space<hbm>> -> memref<25600xi32, #tpu.memory_space<hbm>>
      tpu.enqueue_dma source(%dma_start3A_56 : memref<25600xi32, #tpu.memory_space<hbm>>) target(%arg5 : memref<25600xi32, #tpu.memory_space<vmem>>) target_semaphore(%run_scoped3A : memref<!tpu.dma_semaphore, #tpu.memory_space<semaphore_mem>>)
      %dma_wait3A_57 = tpu.memref_slice %arg2[%mul3A_2] : memref<819200xi32, #tpu.memory_space<hbm>> -> memref<25600xi32, #tpu.memory_space<hbm>>
      %dma_wait3A_58 = tpu.memref_slice %arg2[%mul3A_2] : memref<819200xi32, #tpu.memory_space<hbm>> -> memref<25600xi32, #tpu.memory_space<hbm>>
      tpu.wait_dma2 semaphore(%run_scoped3A : memref<!tpu.dma_semaphore, #tpu.memory_space<semaphore_mem>>) src(%dma_wait3A_58 : memref<25600xi32, #tpu.memory_space<hbm>>) dst(%arg5 : memref<25600xi32, #tpu.memory_space<vmem>>)
      tpu.yield
    }) : () -> ()
    %dma_start3A = arith.constant 0 : i32
    %dma_start3A_3 = arith.constant 0 : i32
    %dma_start3A_4 = tpu.memref_slice %arg6[%dma_start3A, %dma_start3A_3] : memref<200x32xf32, #tpu.memory_space<vmem>> -> memref<96x32xf32, #tpu.memory_space<vmem>>
    %dma_start3A_5 = arith.constant 0 : i32
    %dma_start3A_6 = tpu.memref_slice %arg5[%dma_start3A_5] : memref<25600xi32, #tpu.memory_space<vmem>> -> memref<96xi32, #tpu.memory_space<vmem>>
    %dma_start3A_7 = arith.constant 0 : i32
    %dma_start3A_8 = arith.constant 0 : i32
    %dma_start3A_9 = tpu.memref_slice %arg3[%dma_start3A_7, %dma_start3A_8] : memref<1000000x32xf32, #tpu.memory_space<hbm>> -> memref<1000000x32xf32, #tpu.memory_space<hbm>>
    tpu.enqueue_indirect_dma source(%dma_start3A_9 : memref<1000000x32xf32, #tpu.memory_space<hbm>>) target(%dma_start3A_4 : memref<96x32xf32, #tpu.memory_space<vmem>>) offsets(%dma_start3A_6 : memref<96xi32, #tpu.memory_space<vmem>>) semaphore(%arg9 : memref<!tpu.dma_semaphore, #tpu.memory_space<semaphore_mem>>)
    %dma_start3A_10 = arith.constant 96 : i32
    %dma_start3A_11 = arith.constant 0 : i32
    %dma_start3A_12 = tpu.memref_slice %arg6[%dma_start3A_10, %dma_start3A_11] : memref<200x32xf32, #tpu.memory_space<vmem>> -> memref<104x32xf32, #tpu.memory_space<vmem>>
    %dma_start3A_13 = arith.constant 96 : i32
    %dma_start3A_14 = tpu.memref_slice %arg5[%dma_start3A_13] : memref<25600xi32, #tpu.memory_space<vmem>> -> memref<104xi32, #tpu.memory_space<vmem>>
    %dma_start3A_15 = arith.constant 0 : i32
    %dma_start3A_16 = arith.constant 0 : i32
    %dma_start3A_17 = tpu.memref_slice %arg3[%dma_start3A_15, %dma_start3A_16] : memref<1000000x32xf32, #tpu.memory_space<hbm>> -> memref<1000000x32xf32, #tpu.memory_space<hbm>>
    tpu.enqueue_indirect_dma source(%dma_start3A_17 : memref<1000000x32xf32, #tpu.memory_space<hbm>>) target(%dma_start3A_12 : memref<104x32xf32, #tpu.memory_space<vmem>>) offsets(%dma_start3A_14 : memref<104xi32, #tpu.memory_space<vmem>>) semaphore(%arg9 : memref<!tpu.dma_semaphore, #tpu.memory_space<semaphore_mem>>)
    %dma_start3A_18 = arith.constant 0 : i32
    %dma_start3A_19 = arith.constant 0 : i32
    %dma_start3A_20 = tpu.memref_slice %arg7[%dma_start3A_18, %dma_start3A_19] : memref<200x32xf32, #tpu.memory_space<vmem>> -> memref<96x32xf32, #tpu.memory_space<vmem>>
    %dma_start3A_21 = arith.constant 200 : i32
    %dma_start3A_22 = tpu.memref_slice %arg5[%dma_start3A_21] : memref<25600xi32, #tpu.memory_space<vmem>> -> memref<96xi32, #tpu.memory_space<vmem>>
    %dma_start3A_23 = arith.constant 0 : i32
    %dma_start3A_24 = arith.constant 0 : i32
    %dma_start3A_25 = tpu.memref_slice %arg3[%dma_start3A_23, %dma_start3A_24] : memref<1000000x32xf32, #tpu.memory_space<hbm>> -> memref<1000000x32xf32, #tpu.memory_space<hbm>>
    tpu.enqueue_indirect_dma source(%dma_start3A_25 : memref<1000000x32xf32, #tpu.memory_space<hbm>>) target(%dma_start3A_20 : memref<96x32xf32, #tpu.memory_space<vmem>>) offsets(%dma_start3A_22 : memref<96xi32, #tpu.memory_space<vmem>>) semaphore(%arg10 : memref<!tpu.dma_semaphore, #tpu.memory_space<semaphore_mem>>)
    %dma_start3A_26 = arith.constant 96 : i32
    %dma_start3A_27 = arith.constant 0 : i32
    %dma_start3A_28 = tpu.memref_slice %arg7[%dma_start3A_26, %dma_start3A_27] : memref<200x32xf32, #tpu.memory_space<vmem>> -> memref<104x32xf32, #tpu.memory_space<vmem>>
    %dma_start3A_29 = arith.constant 296 : i32
    %dma_start3A_30 = tpu.memref_slice %arg5[%dma_start3A_29] : memref<25600xi32, #tpu.memory_space<vmem>> -> memref<104xi32, #tpu.memory_space<vmem>>
    %dma_start3A_31 = arith.constant 0 : i32
    %dma_start3A_32 = arith.constant 0 : i32
    %dma_start3A_33 = tpu.memref_slice %arg3[%dma_start3A_31, %dma_start3A_32] : memref<1000000x32xf32, #tpu.memory_space<hbm>> -> memref<1000000x32xf32, #tpu.memory_space<hbm>>
    tpu.enqueue_indirect_dma source(%dma_start3A_33 : memref<1000000x32xf32, #tpu.memory_space<hbm>>) target(%dma_start3A_28 : memref<104x32xf32, #tpu.memory_space<vmem>>) offsets(%dma_start3A_30 : memref<104xi32, #tpu.memory_space<vmem>>) semaphore(%arg10 : memref<!tpu.dma_semaphore, #tpu.memory_space<semaphore_mem>>)
    %scan3A = arith.constant 0 : i32
    %scan3A_34 = arith.constant 0 : i32
    %scan3A_35 = arith.constant 64 : i32
    %scan3A_36 = arith.addi %scan3A_34, %scan3A_35 : i32
    %scan3A_37 = arith.constant 1 : i32
    %scan3A_38 = scf.for %scan3A_55 = %scan3A_34 to %scan3A_36 step %scan3A_37 iter_args(%scan3A_56 = %scan3A) -> (i32)  : i32 {
      %mul3A_57 = arith.constant 2 : i32
      %mul3A_58 = arith.muli %mul3A_57, %scan3A_55 : i32
      %dma_wait3A_59 = arith.constant 0 : i32
      %dma_wait3A_60 = arith.constant 0 : i32
      %dma_wait3A_61 = tpu.memref_slice %arg3[%dma_wait3A_59, %dma_wait3A_60] : memref<1000000x32xf32, #tpu.memory_space<hbm>> -> memref<200x32xf32, #tpu.memory_space<hbm>>
      %dma_wait3A_62 = arith.constant 0 : i32
      %dma_wait3A_63 = arith.constant 0 : i32
      %dma_wait3A_64 = tpu.memref_slice %arg3[%dma_wait3A_62, %dma_wait3A_63] : memref<1000000x32xf32, #tpu.memory_space<hbm>> -> memref<200x32xf32, #tpu.memory_space<hbm>>
      tpu.wait_dma2 semaphore(%arg9 : memref<!tpu.dma_semaphore, #tpu.memory_space<semaphore_mem>>) src(%dma_wait3A_64 : memref<200x32xf32, #tpu.memory_space<hbm>>) dst(%arg6 : memref<200x32xf32, #tpu.memory_space<vmem>>)
      %broadcast_in_dim3A = arith.constant 0.000000e+00 : f32
      %broadcast_in_dim3A_65 = vector.broadcast %broadcast_in_dim3A : f32 to vector<16xf32>
      %scan3A_66 = arith.constant 0 : i32
      %scan3A_67 = arith.constant 200 : i32
      %scan3A_68 = arith.addi %scan3A_66, %scan3A_67 : i32
      %scan3A_69 = arith.constant 8 : i32
      %scan3A_70:2 = scf.for %scan3A_163 = %scan3A_66 to %scan3A_68 step %scan3A_69 iter_args(%scan3A_164 = %broadcast_in_dim3A_65, %scan3A_165 = %broadcast_in_dim3A_65) -> (vector<16xf32>, vector<16xf32>)  : i32 {
        %get3A = arith.index_cast %scan3A_163 : i32 to index
        %get3A_166 = arith.constant 0 : index
        %get3A_167 = tpu.vector_load %arg6[%get3A, %get3A_166] {strides = array<i32>} : memref<200x32xf32, #tpu.memory_space<vmem>>, vector<1x16xf32>,
        %get3A_168 = vector.shape_cast %get3A_167 : vector<1x16xf32> to vector<16xf32>
        %add3A_169 = arith.addf %scan3A_164, %get3A_168 : vector<16xf32>
        %get3A_170 = arith.index_cast %scan3A_163 : i32 to index
        %get3A_171 = arith.constant 16 : index
        %get3A_172 = tpu.vector_load %arg6[%get3A_170, %get3A_171] {strides = array<i32>} : memref<200x32xf32, #tpu.memory_space<vmem>>, vector<1x16xf32>,
        %get3A_173 = vector.shape_cast %get3A_172 : vector<1x16xf32> to vector<16xf32>
        %add3A_174 = arith.addf %scan3A_165, %get3A_173 : vector<16xf32>
        %scan3A_175 = arith.constant 1 : i32
        %scan3A_176 = arith.addi %scan3A_163, %scan3A_175 : i32
        %get3A_177 = arith.index_cast %scan3A_176 : i32 to index
        %get3A_178 = arith.constant 0 : index
        %get3A_179 = tpu.vector_load %arg6[%get3A_177, %get3A_178] {strides = array<i32>} : memref<200x32xf32, #tpu.memory_space<vmem>>, vector<1x16xf32>,
        %get3A_180 = vector.shape_cast %get3A_179 : vector<1x16xf32> to vector<16xf32>
        %add3A_181 = arith.addf %add3A_169, %get3A_180 : vector<16xf32>
        %get3A_182 = arith.index_cast %scan3A_176 : i32 to index
        %get3A_183 = arith.constant 16 : index
        %get3A_184 = tpu.vector_load %arg6[%get3A_182, %get3A_183] {strides = array<i32>} : memref<200x32xf32, #tpu.memory_space<vmem>>, vector<1x16xf32>,
        %get3A_185 = vector.shape_cast %get3A_184 : vector<1x16xf32> to vector<16xf32>
        %add3A_186 = arith.addf %add3A_174, %get3A_185 : vector<16xf32>
        %scan3A_187 = arith.constant 2 : i32
        %scan3A_188 = arith.addi %scan3A_163, %scan3A_187 : i32
        %get3A_189 = arith.index_cast %scan3A_188 : i32 to index
        %get3A_190 = arith.constant 0 : index
        %get3A_191 = tpu.vector_load %arg6[%get3A_189, %get3A_190] {strides = array<i32>} : memref<200x32xf32, #tpu.memory_space<vmem>>, vector<1x16xf32>,
        %get3A_192 = vector.shape_cast %get3A_191 : vector<1x16xf32> to vector<16xf32>
        %add3A_193 = arith.addf %add3A_181, %get3A_192 : vector<16xf32>
        %get3A_194 = arith.index_cast %scan3A_188 : i32 to index
        %get3A_195 = arith.constant 16 : index
        %get3A_196 = tpu.vector_load %arg6[%get3A_194, %get3A_195] {strides = array<i32>} : memref<200x32xf32, #tpu.memory_space<vmem>>, vector<1x16xf32>,
        %get3A_197 = vector.shape_cast %get3A_196 : vector<1x16xf32> to vector<16xf32>
        %add3A_198 = arith.addf %add3A_186, %get3A_197 : vector<16xf32>
        %scan3A_199 = arith.constant 3 : i32
        %scan3A_200 = arith.addi %scan3A_163, %scan3A_199 : i32
        %get3A_201 = arith.index_cast %scan3A_200 : i32 to index
        %get3A_202 = arith.constant 0 : index
        %get3A_203 = tpu.vector_load %arg6[%get3A_201, %get3A_202] {strides = array<i32>} : memref<200x32xf32, #tpu.memory_space<vmem>>, vector<1x16xf32>,
        %get3A_204 = vector.shape_cast %get3A_203 : vector<1x16xf32> to vector<16xf32>
        %add3A_205 = arith.addf %add3A_193, %get3A_204 : vector<16xf32>
        %get3A_206 = arith.index_cast %scan3A_200 : i32 to index
        %get3A_207 = arith.constant 16 : index
        %get3A_208 = tpu.vector_load %arg6[%get3A_206, %get3A_207] {strides = array<i32>} : memref<200x32xf32, #tpu.memory_space<vmem>>, vector<1x16xf32>,
        %get3A_209 = vector.shape_cast %get3A_208 : vector<1x16xf32> to vector<16xf32>
        %add3A_210 = arith.addf %add3A_198, %get3A_209 : vector<16xf32>
        %scan3A_211 = arith.constant 4 : i32
        %scan3A_212 = arith.addi %scan3A_163, %scan3A_211 : i32
        %get3A_213 = arith.index_cast %scan3A_212 : i32 to index
        %get3A_214 = arith.constant 0 : index
        %get3A_215 = tpu.vector_load %arg6[%get3A_213, %get3A_214] {strides = array<i32>} : memref<200x32xf32, #tpu.memory_space<vmem>>, vector<1x16xf32>,
        %get3A_216 = vector.shape_cast %get3A_215 : vector<1x16xf32> to vector<16xf32>
        %add3A_217 = arith.addf %add3A_205, %get3A_216 : vector<16xf32>
        %get3A_218 = arith.index_cast %scan3A_212 : i32 to index
        %get3A_219 = arith.constant 16 : index
        %get3A_220 = tpu.vector_load %arg6[%get3A_218, %get3A_219] {strides = array<i32>} : memref<200x32xf32, #tpu.memory_space<vmem>>, vector<1x16xf32>,
        %get3A_221 = vector.shape_cast %get3A_220 : vector<1x16xf32> to vector<16xf32>
        %add3A_222 = arith.addf %add3A_210, %get3A_221 : vector<16xf32>
        %scan3A_223 = arith.constant 5 : i32
        %scan3A_224 = arith.addi %scan3A_163, %scan3A_223 : i32
        %get3A_225 = arith.index_cast %scan3A_224 : i32 to index
        %get3A_226 = arith.constant 0 : index
        %get3A_227 = tpu.vector_load %arg6[%get3A_225, %get3A_226] {strides = array<i32>} : memref<200x32xf32, #tpu.memory_space<vmem>>, vector<1x16xf32>,
        %get3A_228 = vector.shape_cast %get3A_227 : vector<1x16xf32> to vector<16xf32>
        %add3A_229 = arith.addf %add3A_217, %get3A_228 : vector<16xf32>
        %get3A_230 = arith.index_cast %scan3A_224 : i32 to index
        %get3A_231 = arith.constant 16 : index
        %get3A_232 = tpu.vector_load %arg6[%get3A_230, %get3A_231] {strides = array<i32>} : memref<200x32xf32, #tpu.memory_space<vmem>>, vector<1x16xf32>,
        %get3A_233 = vector.shape_cast %get3A_232 : vector<1x16xf32> to vector<16xf32>
        %add3A_234 = arith.addf %add3A_222, %get3A_233 : vector<16xf32>
        %scan3A_235 = arith.constant 6 : i32
        %scan3A_236 = arith.addi %scan3A_163, %scan3A_235 : i32
        %get3A_237 = arith.index_cast %scan3A_236 : i32 to index
        %get3A_238 = arith.constant 0 : index
        %get3A_239 = tpu.vector_load %arg6[%get3A_237, %get3A_238] {strides = array<i32>} : memref<200x32xf32, #tpu.memory_space<vmem>>, vector<1x16xf32>,
        %get3A_240 = vector.shape_cast %get3A_239 : vector<1x16xf32> to vector<16xf32>
        %add3A_241 = arith.addf %add3A_229, %get3A_240 : vector<16xf32>
        %get3A_242 = arith.index_cast %scan3A_236 : i32 to index
        %get3A_243 = arith.constant 16 : index
        %get3A_244 = tpu.vector_load %arg6[%get3A_242, %get3A_243] {strides = array<i32>} : memref<200x32xf32, #tpu.memory_space<vmem>>, vector<1x16xf32>,
        %get3A_245 = vector.shape_cast %get3A_244 : vector<1x16xf32> to vector<16xf32>
        %add3A_246 = arith.addf %add3A_234, %get3A_245 : vector<16xf32>
        %scan3A_247 = arith.constant 7 : i32
        %scan3A_248 = arith.addi %scan3A_163, %scan3A_247 : i32
        %get3A_249 = arith.index_cast %scan3A_248 : i32 to index
        %get3A_250 = arith.constant 0 : index
        %get3A_251 = tpu.vector_load %arg6[%get3A_249, %get3A_250] {strides = array<i32>} : memref<200x32xf32, #tpu.memory_space<vmem>>, vector<1x16xf32>,
        %get3A_252 = vector.shape_cast %get3A_251 : vector<1x16xf32> to vector<16xf32>
        %add3A_253 = arith.addf %add3A_241, %get3A_252 : vector<16xf32>
        %get3A_254 = arith.index_cast %scan3A_248 : i32 to index
        %get3A_255 = arith.constant 16 : index
        %get3A_256 = tpu.vector_load %arg6[%get3A_254, %get3A_255] {strides = array<i32>} : memref<200x32xf32, #tpu.memory_space<vmem>>, vector<1x16xf32>,
        %get3A_257 = vector.shape_cast %get3A_256 : vector<1x16xf32> to vector<16xf32>
        %add3A_258 = arith.addf %add3A_246, %get3A_257 : vector<16xf32>
        scf.yield %add3A_253, %add3A_258 : vector<16xf32>, vector<16xf32>
      }
      %scan3A_71 = arith.constant 200 : i32
      %mul3A_72 = arith.constant 32 : i32
      %mul3A_73 = arith.muli %mul3A_72, %mul3A_58 : i32
      %swap3A = arith.index_cast %mul3A_73 : i32 to index
      %swap3A_74 = tpu.vector_load %arg8[%swap3A] {strides = array<i32>} : memref<4096xf32, #tpu.memory_space<vmem>>, vector<16xf32>,
      %swap3A_75 = vector.shape_cast %swap3A_74 : vector<16xf32> to vector<16xf32>
      %swap3A_76 = vector.shape_cast %scan3A_70#0 : vector<16xf32> to vector<16xf32>
      tpu.vector_store %arg8[%swap3A], %swap3A_76 {strides = array<i32>} : memref<4096xf32, #tpu.memory_space<vmem>>, vector<16xf32>,
      %mul3A_77 = arith.constant 32 : i32
      %mul3A_78 = arith.muli %mul3A_77, %mul3A_58 : i32
      %add3A_79 = arith.constant 16 : i32
      %add3A_80 = arith.addi %mul3A_78, %add3A_79 : i32
      %swap3A_81 = arith.index_cast %add3A_80 : i32 to index
      %swap3A_82 = tpu.vector_load %arg8[%swap3A_81] {strides = array<i32>} : memref<4096xf32, #tpu.memory_space<vmem>>, vector<16xf32>,
      %swap3A_83 = vector.shape_cast %swap3A_82 : vector<16xf32> to vector<16xf32>
      %swap3A_84 = vector.shape_cast %scan3A_70#1 : vector<16xf32> to vector<16xf32>
      tpu.vector_store %arg8[%swap3A_81], %swap3A_84 {strides = array<i32>} : memref<4096xf32, #tpu.memory_space<vmem>>, vector<16xf32>,
      %add3A_85 = arith.constant 2 : i32
      %add3A_86 = arith.addi %mul3A_58, %add3A_85 : i32
      %min3A = arith.constant 127 : i32
      %min3A_87 = arith.minsi %add3A_86, %min3A : i32
      %mul3A_88 = arith.constant 200 : i32
      %mul3A_89 = arith.muli %mul3A_88, %min3A_87 : i32
      %dma_start3A_90 = arith.constant 0 : i32
      %dma_start3A_91 = arith.constant 0 : i32
      %dma_start3A_92 = tpu.memref_slice %arg6[%dma_start3A_90, %dma_start3A_91] : memref<200x32xf32, #tpu.memory_space<vmem>> -> memref<96x32xf32, #tpu.memory_space<vmem>>
      %dma_start3A_93 = tpu.memref_slice %arg5[%mul3A_89] : memref<25600xi32, #tpu.memory_space<vmem>> -> memref<96xi32, #tpu.memory_space<vmem>>
      %dma_start3A_94 = arith.constant 0 : i32
      %dma_start3A_95 = arith.constant 0 : i32
      %dma_start3A_96 = tpu.memref_slice %arg3[%dma_start3A_94, %dma_start3A_95] : memref<1000000x32xf32, #tpu.memory_space<hbm>> -> memref<1000000x32xf32, #tpu.memory_space<hbm>>
      tpu.enqueue_indirect_dma source(%dma_start3A_96 : memref<1000000x32xf32, #tpu.memory_space<hbm>>) target(%dma_start3A_92 : memref<96x32xf32, #tpu.memory_space<vmem>>) offsets(%dma_start3A_93 : memref<96xi32, #tpu.memory_space<vmem>>) semaphore(%arg9 : memref<!tpu.dma_semaphore, #tpu.memory_space<semaphore_mem>>)
      %mul3A_97 = arith.constant 200 : i32
      %mul3A_98 = arith.muli %mul3A_97, %min3A_87 : i32
      %add3A_99 = arith.constant 96 : i32
      %add3A_100 = arith.addi %mul3A_98, %add3A_99 : i32
      %dma_start3A_101 = arith.constant 96 : i32
      %dma_start3A_102 = arith.constant 0 : i32
      %dma_start3A_103 = tpu.memref_slice %arg6[%dma_start3A_101, %dma_start3A_102] : memref<200x32xf32, #tpu.memory_space<vmem>> -> memref<104x32xf32, #tpu.memory_space<vmem>>
      %dma_start3A_104 = tpu.memref_slice %arg5[%add3A_100] : memref<25600xi32, #tpu.memory_space<vmem>> -> memref<104xi32, #tpu.memory_space<vmem>>
      %dma_start3A_105 = arith.constant 0 : i32
      %dma_start3A_106 = arith.constant 0 : i32
      %dma_start3A_107 = tpu.memref_slice %arg3[%dma_start3A_105, %dma_start3A_106] : memref<1000000x32xf32, #tpu.memory_space<hbm>> -> memref<1000000x32xf32, #tpu.memory_space<hbm>>
      tpu.enqueue_indirect_dma source(%dma_start3A_107 : memref<1000000x32xf32, #tpu.memory_space<hbm>>) target(%dma_start3A_103 : memref<104x32xf32, #tpu.memory_space<vmem>>) offsets(%dma_start3A_104 : memref<104xi32, #tpu.memory_space<vmem>>) semaphore(%arg9 : memref<!tpu.dma_semaphore, #tpu.memory_space<semaphore_mem>>)
      %dma_wait3A_108 = arith.constant 0 : i32
      %dma_wait3A_109 = arith.constant 0 : i32
      %dma_wait3A_110 = tpu.memref_slice %arg3[%dma_wait3A_108, %dma_wait3A_109] : memref<1000000x32xf32, #tpu.memory_space<hbm>> -> memref<200x32xf32, #tpu.memory_space<hbm>>
      %dma_wait3A_111 = arith.constant 0 : i32
      %dma_wait3A_112 = arith.constant 0 : i32
      %dma_wait3A_113 = tpu.memref_slice %arg3[%dma_wait3A_111, %dma_wait3A_112] : memref<1000000x32xf32, #tpu.memory_space<hbm>> -> memref<200x32xf32, #tpu.memory_space<hbm>>
      tpu.wait_dma2 semaphore(%arg10 : memref<!tpu.dma_semaphore, #tpu.memory_space<semaphore_mem>>) src(%dma_wait3A_113 : memref<200x32xf32, #tpu.memory_space<hbm>>) dst(%arg7 : memref<200x32xf32, #tpu.memory_space<vmem>>)
      %add3A_114 = arith.constant 1 : i32
      %add3A_115 = arith.addi %mul3A_58, %add3A_114 : i32
      %broadcast_in_dim3A_116 = arith.constant 0.000000e+00 : f32
      %broadcast_in_dim3A_117 = vector.broadcast %broadcast_in_dim3A_116 : f32 to vector<16xf32>
      %scan3A_118 = arith.constant 0 : i32
      %scan3A_119 = arith.constant 200 : i32
      %scan3A_120 = arith.addi %scan3A_118, %scan3A_119 : i32
      %scan3A_121 = arith.constant 8 : i32
      %scan3A_122:2 = scf.for %scan3A_163 = %scan3A_118 to %scan3A_120 step %scan3A_121 iter_args(%scan3A_164 = %broadcast_in_dim3A_117, %scan3A_165 = %broadcast_in_dim3A_117) -> (vector<16xf32>, vector<16xf32>)  : i32 {
        %get3A = arith.index_cast %scan3A_163 : i32 to index
        %get3A_166 = arith.constant 0 : index
        %get3A_167 = tpu.vector_load %arg7[%get3A, %get3A_166] {strides = array<i32>} : memref<200x32xf32, #tpu.memory_space<vmem>>, vector<1x16xf32>,
        %get3A_168 = vector.shape_cast %get3A_167 : vector<1x16xf32> to vector<16xf32>
        %add3A_169 = arith.addf %scan3A_164, %get3A_168 : vector<16xf32>
        %get3A_170 = arith.index_cast %scan3A_163 : i32 to index
        %get3A_171 = arith.constant 16 : index
        %get3A_172 = tpu.vector_load %arg7[%get3A_170, %get3A_171] {strides = array<i32>} : memref<200x32xf32, #tpu.memory_space<vmem>>, vector<1x16xf32>,
        %get3A_173 = vector.shape_cast %get3A_172 : vector<1x16xf32> to vector<16xf32>
        %add3A_174 = arith.addf %scan3A_165, %get3A_173 : vector<16xf32>
        %scan3A_175 = arith.constant 1 : i32
        %scan3A_176 = arith.addi %scan3A_163, %scan3A_175 : i32
        %get3A_177 = arith.index_cast %scan3A_176 : i32 to index
        %get3A_178 = arith.constant 0 : index
        %get3A_179 = tpu.vector_load %arg7[%get3A_177, %get3A_178] {strides = array<i32>} : memref<200x32xf32, #tpu.memory_space<vmem>>, vector<1x16xf32>,
        %get3A_180 = vector.shape_cast %get3A_179 : vector<1x16xf32> to vector<16xf32>
        %add3A_181 = arith.addf %add3A_169, %get3A_180 : vector<16xf32>
        %get3A_182 = arith.index_cast %scan3A_176 : i32 to index
        %get3A_183 = arith.constant 16 : index
        %get3A_184 = tpu.vector_load %arg7[%get3A_182, %get3A_183] {strides = array<i32>} : memref<200x32xf32, #tpu.memory_space<vmem>>, vector<1x16xf32>,
        %get3A_185 = vector.shape_cast %get3A_184 : vector<1x16xf32> to vector<16xf32>
        %add3A_186 = arith.addf %add3A_174, %get3A_185 : vector<16xf32>
        %scan3A_187 = arith.constant 2 : i32
        %scan3A_188 = arith.addi %scan3A_163, %scan3A_187 : i32
        %get3A_189 = arith.index_cast %scan3A_188 : i32 to index
        %get3A_190 = arith.constant 0 : index
        %get3A_191 = tpu.vector_load %arg7[%get3A_189, %get3A_190] {strides = array<i32>} : memref<200x32xf32, #tpu.memory_space<vmem>>, vector<1x16xf32>,
        %get3A_192 = vector.shape_cast %get3A_191 : vector<1x16xf32> to vector<16xf32>
        %add3A_193 = arith.addf %add3A_181, %get3A_192 : vector<16xf32>
        %get3A_194 = arith.index_cast %scan3A_188 : i32 to index
        %get3A_195 = arith.constant 16 : index
        %get3A_196 = tpu.vector_load %arg7[%get3A_194, %get3A_195] {strides = array<i32>} : memref<200x32xf32, #tpu.memory_space<vmem>>, vector<1x16xf32>,
        %get3A_197 = vector.shape_cast %get3A_196 : vector<1x16xf32> to vector<16xf32>
        %add3A_198 = arith.addf %add3A_186, %get3A_197 : vector<16xf32>
        %scan3A_199 = arith.constant 3 : i32
        %scan3A_200 = arith.addi %scan3A_163, %scan3A_199 : i32
        %get3A_201 = arith.index_cast %scan3A_200 : i32 to index
        %get3A_202 = arith.constant 0 : index
        %get3A_203 = tpu.vector_load %arg7[%get3A_201, %get3A_202] {strides = array<i32>} : memref<200x32xf32, #tpu.memory_space<vmem>>, vector<1x16xf32>,
        %get3A_204 = vector.shape_cast %get3A_203 : vector<1x16xf32> to vector<16xf32>
        %add3A_205 = arith.addf %add3A_193, %get3A_204 : vector<16xf32>
        %get3A_206 = arith.index_cast %scan3A_200 : i32 to index
        %get3A_207 = arith.constant 16 : index
        %get3A_208 = tpu.vector_load %arg7[%get3A_206, %get3A_207] {strides = array<i32>} : memref<200x32xf32, #tpu.memory_space<vmem>>, vector<1x16xf32>,
        %get3A_209 = vector.shape_cast %get3A_208 : vector<1x16xf32> to vector<16xf32>
        %add3A_210 = arith.addf %add3A_198, %get3A_209 : vector<16xf32>
        %scan3A_211 = arith.constant 4 : i32
        %scan3A_212 = arith.addi %scan3A_163, %scan3A_211 : i32
        %get3A_213 = arith.index_cast %scan3A_212 : i32 to index
        %get3A_214 = arith.constant 0 : index
        %get3A_215 = tpu.vector_load %arg7[%get3A_213, %get3A_214] {strides = array<i32>} : memref<200x32xf32, #tpu.memory_space<vmem>>, vector<1x16xf32>,
        %get3A_216 = vector.shape_cast %get3A_215 : vector<1x16xf32> to vector<16xf32>
        %add3A_217 = arith.addf %add3A_205, %get3A_216 : vector<16xf32>
        %get3A_218 = arith.index_cast %scan3A_212 : i32 to index
        %get3A_219 = arith.constant 16 : index
        %get3A_220 = tpu.vector_load %arg7[%get3A_218, %get3A_219] {strides = array<i32>} : memref<200x32xf32, #tpu.memory_space<vmem>>, vector<1x16xf32>,
        %get3A_221 = vector.shape_cast %get3A_220 : vector<1x16xf32> to vector<16xf32>
        %add3A_222 = arith.addf %add3A_210, %get3A_221 : vector<16xf32>
        %scan3A_223 = arith.constant 5 : i32
        %scan3A_224 = arith.addi %scan3A_163, %scan3A_223 : i32
        %get3A_225 = arith.index_cast %scan3A_224 : i32 to index
        %get3A_226 = arith.constant 0 : index
        %get3A_227 = tpu.vector_load %arg7[%get3A_225, %get3A_226] {strides = array<i32>} : memref<200x32xf32, #tpu.memory_space<vmem>>, vector<1x16xf32>,
        %get3A_228 = vector.shape_cast %get3A_227 : vector<1x16xf32> to vector<16xf32>
        %add3A_229 = arith.addf %add3A_217, %get3A_228 : vector<16xf32>
        %get3A_230 = arith.index_cast %scan3A_224 : i32 to index
        %get3A_231 = arith.constant 16 : index
        %get3A_232 = tpu.vector_load %arg7[%get3A_230, %get3A_231] {strides = array<i32>} : memref<200x32xf32, #tpu.memory_space<vmem>>, vector<1x16xf32>,
        %get3A_233 = vector.shape_cast %get3A_232 : vector<1x16xf32> to vector<16xf32>
        %add3A_234 = arith.addf %add3A_222, %get3A_233 : vector<16xf32>
        %scan3A_235 = arith.constant 6 : i32
        %scan3A_236 = arith.addi %scan3A_163, %scan3A_235 : i32
        %get3A_237 = arith.index_cast %scan3A_236 : i32 to index
        %get3A_238 = arith.constant 0 : index
        %get3A_239 = tpu.vector_load %arg7[%get3A_237, %get3A_238] {strides = array<i32>} : memref<200x32xf32, #tpu.memory_space<vmem>>, vector<1x16xf32>,
        %get3A_240 = vector.shape_cast %get3A_239 : vector<1x16xf32> to vector<16xf32>
        %add3A_241 = arith.addf %add3A_229, %get3A_240 : vector<16xf32>
        %get3A_242 = arith.index_cast %scan3A_236 : i32 to index
        %get3A_243 = arith.constant 16 : index
        %get3A_244 = tpu.vector_load %arg7[%get3A_242, %get3A_243] {strides = array<i32>} : memref<200x32xf32, #tpu.memory_space<vmem>>, vector<1x16xf32>,
        %get3A_245 = vector.shape_cast %get3A_244 : vector<1x16xf32> to vector<16xf32>
        %add3A_246 = arith.addf %add3A_234, %get3A_245 : vector<16xf32>
        %scan3A_247 = arith.constant 7 : i32
        %scan3A_248 = arith.addi %scan3A_163, %scan3A_247 : i32
        %get3A_249 = arith.index_cast %scan3A_248 : i32 to index
        %get3A_250 = arith.constant 0 : index
        %get3A_251 = tpu.vector_load %arg7[%get3A_249, %get3A_250] {strides = array<i32>} : memref<200x32xf32, #tpu.memory_space<vmem>>, vector<1x16xf32>,
        %get3A_252 = vector.shape_cast %get3A_251 : vector<1x16xf32> to vector<16xf32>
        %add3A_253 = arith.addf %add3A_241, %get3A_252 : vector<16xf32>
        %get3A_254 = arith.index_cast %scan3A_248 : i32 to index
        %get3A_255 = arith.constant 16 : index
        %get3A_256 = tpu.vector_load %arg7[%get3A_254, %get3A_255] {strides = array<i32>} : memref<200x32xf32, #tpu.memory_space<vmem>>, vector<1x16xf32>,
        %get3A_257 = vector.shape_cast %get3A_256 : vector<1x16xf32> to vector<16xf32>
        %add3A_258 = arith.addf %add3A_246, %get3A_257 : vector<16xf32>
        scf.yield %add3A_253, %add3A_258 : vector<16xf32>, vector<16xf32>
      }
      %scan3A_123 = arith.constant 200 : i32
      %mul3A_124 = arith.constant 32 : i32
      %mul3A_125 = arith.muli %mul3A_124, %add3A_115 : i32
      %swap3A_126 = arith.index_cast %mul3A_125 : i32 to index
      %swap3A_127 = tpu.vector_load %arg8[%swap3A_126] {strides = array<i32>} : memref<4096xf32, #tpu.memory_space<vmem>>, vector<16xf32>,
      %swap3A_128 = vector.shape_cast %swap3A_127 : vector<16xf32> to vector<16xf32>
      %swap3A_129 = vector.shape_cast %scan3A_122#0 : vector<16xf32> to vector<16xf32>
      tpu.vector_store %arg8[%swap3A_126], %swap3A_129 {strides = array<i32>} : memref<4096xf32, #tpu.memory_space<vmem>>, vector<16xf32>,
      %mul3A_130 = arith.constant 32 : i32
      %mul3A_131 = arith.muli %mul3A_130, %add3A_115 : i32
      %add3A_132 = arith.constant 16 : i32
      %add3A_133 = arith.addi %mul3A_131, %add3A_132 : i32
      %swap3A_134 = arith.index_cast %add3A_133 : i32 to index
      %swap3A_135 = tpu.vector_load %arg8[%swap3A_134] {strides = array<i32>} : memref<4096xf32, #tpu.memory_space<vmem>>, vector<16xf32>,
      %swap3A_136 = vector.shape_cast %swap3A_135 : vector<16xf32> to vector<16xf32>
      %swap3A_137 = vector.shape_cast %scan3A_122#1 : vector<16xf32> to vector<16xf32>
      tpu.vector_store %arg8[%swap3A_134], %swap3A_137 {strides = array<i32>} : memref<4096xf32, #tpu.memory_space<vmem>>, vector<16xf32>,
      %add3A_138 = arith.constant 3 : i32
      %add3A_139 = arith.addi %mul3A_58, %add3A_138 : i32
      %min3A_140 = arith.constant 127 : i32
      %min3A_141 = arith.minsi %add3A_139, %min3A_140 : i32
      %mul3A_142 = arith.constant 200 : i32
      %mul3A_143 = arith.muli %mul3A_142, %min3A_141 : i32
      %dma_start3A_144 = arith.constant 0 : i32
      %dma_start3A_145 = arith.constant 0 : i32
      %dma_start3A_146 = tpu.memref_slice %arg7[%dma_start3A_144, %dma_start3A_145] : memref<200x32xf32, #tpu.memory_space<vmem>> -> memref<96x32xf32, #tpu.memory_space<vmem>>
      %dma_start3A_147 = tpu.memref_slice %arg5[%mul3A_143] : memref<25600xi32, #tpu.memory_space<vmem>> -> memref<96xi32, #tpu.memory_space<vmem>>
      %dma_start3A_148 = arith.constant 0 : i32
      %dma_start3A_149 = arith.constant 0 : i32
      %dma_start3A_150 = tpu.memref_slice %arg3[%dma_start3A_148, %dma_start3A_149] : memref<1000000x32xf32, #tpu.memory_space<hbm>> -> memref<1000000x32xf32, #tpu.memory_space<hbm>>
      tpu.enqueue_indirect_dma source(%dma_start3A_150 : memref<1000000x32xf32, #tpu.memory_space<hbm>>) target(%dma_start3A_146 : memref<96x32xf32, #tpu.memory_space<vmem>>) offsets(%dma_start3A_147 : memref<96xi32, #tpu.memory_space<vmem>>) semaphore(%arg10 : memref<!tpu.dma_semaphore, #tpu.memory_space<semaphore_mem>>)
      %mul3A_151 = arith.constant 200 : i32
      %mul3A_152 = arith.muli %mul3A_151, %min3A_141 : i32
      %add3A_153 = arith.constant 96 : i32
      %add3A_154 = arith.addi %mul3A_152, %add3A_153 : i32
      %dma_start3A_155 = arith.constant 96 : i32
      %dma_start3A_156 = arith.constant 0 : i32
      %dma_start3A_157 = tpu.memref_slice %arg7[%dma_start3A_155, %dma_start3A_156] : memref<200x32xf32, #tpu.memory_space<vmem>> -> memref<104x32xf32, #tpu.memory_space<vmem>>
      %dma_start3A_158 = tpu.memref_slice %arg5[%add3A_154] : memref<25600xi32, #tpu.memory_space<vmem>> -> memref<104xi32, #tpu.memory_space<vmem>>
      %dma_start3A_159 = arith.constant 0 : i32
      %dma_start3A_160 = arith.constant 0 : i32
      %dma_start3A_161 = tpu.memref_slice %arg3[%dma_start3A_159, %dma_start3A_160] : memref<1000000x32xf32, #tpu.memory_space<hbm>> -> memref<1000000x32xf32, #tpu.memory_space<hbm>>
      tpu.enqueue_indirect_dma source(%dma_start3A_161 : memref<1000000x32xf32, #tpu.memory_space<hbm>>) target(%dma_start3A_157 : memref<104x32xf32, #tpu.memory_space<vmem>>) offsets(%dma_start3A_158 : memref<104xi32, #tpu.memory_space<vmem>>) semaphore(%arg10 : memref<!tpu.dma_semaphore, #tpu.memory_space<semaphore_mem>>)
      %scan3A_162 = arith.constant 0 : i32
      scf.yield %scan3A_162 : i32
    }
    %scan3A_39 = arith.constant 64 : i32
    %dma_wait3A = arith.constant 0 : i32
    %dma_wait3A_40 = arith.constant 0 : i32
    %dma_wait3A_41 = tpu.memref_slice %arg3[%dma_wait3A, %dma_wait3A_40] : memref<1000000x32xf32, #tpu.memory_space<hbm>> -> memref<200x32xf32, #tpu.memory_space<hbm>>
    %dma_wait3A_42 = arith.constant 0 : i32
    %dma_wait3A_43 = arith.constant 0 : i32
    %dma_wait3A_44 = tpu.memref_slice %arg3[%dma_wait3A_42, %dma_wait3A_43] : memref<1000000x32xf32, #tpu.memory_space<hbm>> -> memref<200x32xf32, #tpu.memory_space<hbm>>
    tpu.wait_dma2 semaphore(%arg9 : memref<!tpu.dma_semaphore, #tpu.memory_space<semaphore_mem>>) src(%dma_wait3A_44 : memref<200x32xf32, #tpu.memory_space<hbm>>) dst(%arg6 : memref<200x32xf32, #tpu.memory_space<vmem>>)
    %dma_wait3A_45 = arith.constant 0 : i32
    %dma_wait3A_46 = arith.constant 0 : i32
    %dma_wait3A_47 = tpu.memref_slice %arg3[%dma_wait3A_45, %dma_wait3A_46] : memref<1000000x32xf32, #tpu.memory_space<hbm>> -> memref<200x32xf32, #tpu.memory_space<hbm>>
    %dma_wait3A_48 = arith.constant 0 : i32
    %dma_wait3A_49 = arith.constant 0 : i32
    %dma_wait3A_50 = tpu.memref_slice %arg3[%dma_wait3A_48, %dma_wait3A_49] : memref<1000000x32xf32, #tpu.memory_space<hbm>> -> memref<200x32xf32, #tpu.memory_space<hbm>>
    tpu.wait_dma2 semaphore(%arg10 : memref<!tpu.dma_semaphore, #tpu.memory_space<semaphore_mem>>) src(%dma_wait3A_50 : memref<200x32xf32, #tpu.memory_space<hbm>>) dst(%arg7 : memref<200x32xf32, #tpu.memory_space<vmem>>)
    %mul3A_51 = arith.constant 128 : i32
    %mul3A_52 = arith.muli %add3A, %mul3A_51 : i32
    %mul3A_53 = arith.constant 32 : i32
    %mul3A_54 = arith.muli %mul3A_52, %mul3A_53 : i32
    "tpu.region"() ({
      %run_scoped3A = tpu.sem_alloc : memref<!tpu.dma_semaphore, #tpu.memory_space<semaphore_mem>>
      %dma_start3A_55 = tpu.memref_slice %arg4[%mul3A_54] : memref<131072xf32, #tpu.memory_space<hbm>> -> memref<4096xf32, #tpu.memory_space<hbm>>
      %dma_start3A_56 = tpu.memref_slice %arg4[%mul3A_54] : memref<131072xf32, #tpu.memory_space<hbm>> -> memref<4096xf32, #tpu.memory_space<hbm>>
      tpu.enqueue_dma source(%arg8 : memref<4096xf32, #tpu.memory_space<vmem>>) target(%dma_start3A_56 : memref<4096xf32, #tpu.memory_space<hbm>>) target_semaphore(%run_scoped3A : memref<!tpu.dma_semaphore, #tpu.memory_space<semaphore_mem>>)
      %dma_wait3A_57 = tpu.memref_slice %arg4[%mul3A_54] : memref<131072xf32, #tpu.memory_space<hbm>> -> memref<4096xf32, #tpu.memory_space<hbm>>
      %dma_wait3A_58 = tpu.memref_slice %arg4[%mul3A_54] : memref<131072xf32, #tpu.memory_space<hbm>> -> memref<4096xf32, #tpu.memory_space<hbm>>
      tpu.wait_dma2 semaphore(%run_scoped3A : memref<!tpu.dma_semaphore, #tpu.memory_space<semaphore_mem>>) src(%arg8 : memref<4096xf32, #tpu.memory_space<vmem>>) dst(%dma_wait3A_58 : memref<4096xf32, #tpu.memory_space<hbm>>)
      tpu.yield
    }) : () -> ()
    return
  }
}

#map = affine_map<(d0, d1) -> (0, 0)>
#map1 = affine_map<(d0, d1) -> (0)>
module attributes {stable_mosaic.version = 14 : i64} {
  func.func @repack(%arg0: i32, %arg1: i32, %arg2: memref<32x1000000xf32, #tpu.memory_space<hbm>>, %arg3: memref<2048xf32, #tpu.memory_space<hbm>>, %arg4: memref<32000000xf32, #tpu.memory_space<hbm>>, %arg5: memref<32x512xf32, #tpu.memory_space<vmem>>, %arg6: memref<32x512xf32, #tpu.memory_space<vmem>>, %arg7: memref<16384xf32, #tpu.memory_space<vmem>>, %arg8: memref<16384xf32, #tpu.memory_space<vmem>>, %arg9: memref<!tpu.dma_semaphore, #tpu.memory_space<semaphore_mem>>, %arg10: memref<!tpu.dma_semaphore, #tpu.memory_space<semaphore_mem>>, %arg11: memref<!tpu.dma_semaphore, #tpu.memory_space<semaphore_mem>>, %arg12: memref<!tpu.dma_semaphore, #tpu.memory_space<semaphore_mem>>) attributes {dimension_semantics = [#tpu.dimension_semantics<core_parallel>, #tpu.dimension_semantics<subcore_parallel>], iteration_bounds = array<i64: 2, 16>, scalar_prefetch = 0 : i64, scratch_operands = 8 : i64, tpu.core_type = #tpu.core_type<sc_vector_subcore>, window_params = [{transform_indices = #map}, {transform_indices = #map1}, {transform_indices = #map1}]} {
    %mul3A = arith.constant 2 : i32
    %mul3A_0 = arith.muli %arg1, %mul3A : i32
    %add3A = arith.addi %mul3A_0, %arg0 : i32
    %iota3A = tpu.iota {dimensions = array<i32: 0>} : vector<16xi32>
    %lt3A = arith.constant 1 : i32
    %lt3A_1 = arith.cmpi slt, %add3A, %lt3A : i32
    %jit3A = arith.constant 62 : i32
    %jit3A_2 = arith.constant 61 : i32
    %select_n3A = arith.select %lt3A_1, %jit3A, %jit3A_2 : i32
    %add3A_3 = arith.constant 0 : i32
    %add3A_4 = vector.broadcast %add3A_3 : i32 to vector<16xi32>
    %add3A_5 = arith.addi %iota3A, %add3A_4 : vector<16xi32>
    %and3A = arith.constant 15 : i32
    %and3A_6 = vector.broadcast %and3A : i32 to vector<16xi32>
    %and3A_7 = arith.andi %add3A_5, %and3A_6 : vector<16xi32>
    %add3A_8 = arith.constant 1 : i32
    %add3A_9 = vector.broadcast %add3A_8 : i32 to vector<16xi32>
    %add3A_10 = arith.addi %iota3A, %add3A_9 : vector<16xi32>
    %and3A_11 = arith.constant 15 : i32
    %and3A_12 = vector.broadcast %and3A_11 : i32 to vector<16xi32>
    %and3A_13 = arith.andi %add3A_10, %and3A_12 : vector<16xi32>
    %add3A_14 = arith.constant 2 : i32
    %add3A_15 = vector.broadcast %add3A_14 : i32 to vector<16xi32>
    %add3A_16 = arith.addi %iota3A, %add3A_15 : vector<16xi32>
    %and3A_17 = arith.constant 15 : i32
    %and3A_18 = vector.broadcast %and3A_17 : i32 to vector<16xi32>
    %and3A_19 = arith.andi %add3A_16, %and3A_18 : vector<16xi32>
    %add3A_20 = arith.constant 3 : i32
    %add3A_21 = vector.broadcast %add3A_20 : i32 to vector<16xi32>
    %add3A_22 = arith.addi %iota3A, %add3A_21 : vector<16xi32>
    %and3A_23 = arith.constant 15 : i32
    %and3A_24 = vector.broadcast %and3A_23 : i32 to vector<16xi32>
    %and3A_25 = arith.andi %add3A_22, %and3A_24 : vector<16xi32>
    %add3A_26 = arith.constant 4 : i32
    %add3A_27 = vector.broadcast %add3A_26 : i32 to vector<16xi32>
    %add3A_28 = arith.addi %iota3A, %add3A_27 : vector<16xi32>
    %and3A_29 = arith.constant 15 : i32
    %and3A_30 = vector.broadcast %and3A_29 : i32 to vector<16xi32>
    %and3A_31 = arith.andi %add3A_28, %and3A_30 : vector<16xi32>
    %add3A_32 = arith.constant 5 : i32
    %add3A_33 = vector.broadcast %add3A_32 : i32 to vector<16xi32>
    %add3A_34 = arith.addi %iota3A, %add3A_33 : vector<16xi32>
    %and3A_35 = arith.constant 15 : i32
    %and3A_36 = vector.broadcast %and3A_35 : i32 to vector<16xi32>
    %and3A_37 = arith.andi %add3A_34, %and3A_36 : vector<16xi32>
    %add3A_38 = arith.constant 6 : i32
    %add3A_39 = vector.broadcast %add3A_38 : i32 to vector<16xi32>
    %add3A_40 = arith.addi %iota3A, %add3A_39 : vector<16xi32>
    %and3A_41 = arith.constant 15 : i32
    %and3A_42 = vector.broadcast %and3A_41 : i32 to vector<16xi32>
    %and3A_43 = arith.andi %add3A_40, %and3A_42 : vector<16xi32>
    %add3A_44 = arith.constant 7 : i32
    %add3A_45 = vector.broadcast %add3A_44 : i32 to vector<16xi32>
    %add3A_46 = arith.addi %iota3A, %add3A_45 : vector<16xi32>
    %and3A_47 = arith.constant 15 : i32
    %and3A_48 = vector.broadcast %and3A_47 : i32 to vector<16xi32>
    %and3A_49 = arith.andi %add3A_46, %and3A_48 : vector<16xi32>
    %add3A_50 = arith.constant 8 : i32
    %add3A_51 = vector.broadcast %add3A_50 : i32 to vector<16xi32>
    %add3A_52 = arith.addi %iota3A, %add3A_51 : vector<16xi32>
    %and3A_53 = arith.constant 15 : i32
    %and3A_54 = vector.broadcast %and3A_53 : i32 to vector<16xi32>
    %and3A_55 = arith.andi %add3A_52, %and3A_54 : vector<16xi32>
    %add3A_56 = arith.constant 9 : i32
    %add3A_57 = vector.broadcast %add3A_56 : i32 to vector<16xi32>
    %add3A_58 = arith.addi %iota3A, %add3A_57 : vector<16xi32>
    %and3A_59 = arith.constant 15 : i32
    %and3A_60 = vector.broadcast %and3A_59 : i32 to vector<16xi32>
    %and3A_61 = arith.andi %add3A_58, %and3A_60 : vector<16xi32>
    %add3A_62 = arith.constant 10 : i32
    %add3A_63 = vector.broadcast %add3A_62 : i32 to vector<16xi32>
    %add3A_64 = arith.addi %iota3A, %add3A_63 : vector<16xi32>
    %and3A_65 = arith.constant 15 : i32
    %and3A_66 = vector.broadcast %and3A_65 : i32 to vector<16xi32>
    %and3A_67 = arith.andi %add3A_64, %and3A_66 : vector<16xi32>
    %add3A_68 = arith.constant 11 : i32
    %add3A_69 = vector.broadcast %add3A_68 : i32 to vector<16xi32>
    %add3A_70 = arith.addi %iota3A, %add3A_69 : vector<16xi32>
    %and3A_71 = arith.constant 15 : i32
    %and3A_72 = vector.broadcast %and3A_71 : i32 to vector<16xi32>
    %and3A_73 = arith.andi %add3A_70, %and3A_72 : vector<16xi32>
    %add3A_74 = arith.constant 12 : i32
    %add3A_75 = vector.broadcast %add3A_74 : i32 to vector<16xi32>
    %add3A_76 = arith.addi %iota3A, %add3A_75 : vector<16xi32>
    %and3A_77 = arith.constant 15 : i32
    %and3A_78 = vector.broadcast %and3A_77 : i32 to vector<16xi32>
    %and3A_79 = arith.andi %add3A_76, %and3A_78 : vector<16xi32>
    %add3A_80 = arith.constant 13 : i32
    %add3A_81 = vector.broadcast %add3A_80 : i32 to vector<16xi32>
    %add3A_82 = arith.addi %iota3A, %add3A_81 : vector<16xi32>
    %and3A_83 = arith.constant 15 : i32
    %and3A_84 = vector.broadcast %and3A_83 : i32 to vector<16xi32>
    %and3A_85 = arith.andi %add3A_82, %and3A_84 : vector<16xi32>
    %add3A_86 = arith.constant 14 : i32
    %add3A_87 = vector.broadcast %add3A_86 : i32 to vector<16xi32>
    %add3A_88 = arith.addi %iota3A, %add3A_87 : vector<16xi32>
    %and3A_89 = arith.constant 15 : i32
    %and3A_90 = vector.broadcast %and3A_89 : i32 to vector<16xi32>
    %and3A_91 = arith.andi %add3A_88, %and3A_90 : vector<16xi32>
    %add3A_92 = arith.constant 15 : i32
    %add3A_93 = vector.broadcast %add3A_92 : i32 to vector<16xi32>
    %add3A_94 = arith.addi %iota3A, %add3A_93 : vector<16xi32>
    %and3A_95 = arith.constant 15 : i32
    %and3A_96 = vector.broadcast %and3A_95 : i32 to vector<16xi32>
    %and3A_97 = arith.andi %add3A_94, %and3A_96 : vector<16xi32>
    %mul3A_98 = arith.constant 32 : i32
    %mul3A_99 = vector.broadcast %mul3A_98 : i32 to vector<16xi32>
    %mul3A_100 = arith.muli %and3A_7, %mul3A_99 : vector<16xi32>
    %add3A_101 = arith.addi %mul3A_100, %iota3A : vector<16xi32>
    %mul3A_102 = arith.constant 32 : i32
    %mul3A_103 = vector.broadcast %mul3A_102 : i32 to vector<16xi32>
    %mul3A_104 = arith.muli %and3A_13, %mul3A_103 : vector<16xi32>
    %add3A_105 = arith.addi %mul3A_104, %iota3A : vector<16xi32>
    %mul3A_106 = arith.constant 32 : i32
    %mul3A_107 = vector.broadcast %mul3A_106 : i32 to vector<16xi32>
    %mul3A_108 = arith.muli %and3A_19, %mul3A_107 : vector<16xi32>
    %add3A_109 = arith.addi %mul3A_108, %iota3A : vector<16xi32>
    %mul3A_110 = arith.constant 32 : i32
    %mul3A_111 = vector.broadcast %mul3A_110 : i32 to vector<16xi32>
    %mul3A_112 = arith.muli %and3A_25, %mul3A_111 : vector<16xi32>
    %add3A_113 = arith.addi %mul3A_112, %iota3A : vector<16xi32>
    %mul3A_114 = arith.constant 32 : i32
    %mul3A_115 = vector.broadcast %mul3A_114 : i32 to vector<16xi32>
    %mul3A_116 = arith.muli %and3A_31, %mul3A_115 : vector<16xi32>
    %add3A_117 = arith.addi %mul3A_116, %iota3A : vector<16xi32>
    %mul3A_118 = arith.constant 32 : i32
    %mul3A_119 = vector.broadcast %mul3A_118 : i32 to vector<16xi32>
    %mul3A_120 = arith.muli %and3A_37, %mul3A_119 : vector<16xi32>
    %add3A_121 = arith.addi %mul3A_120, %iota3A : vector<16xi32>
    %mul3A_122 = arith.constant 32 : i32
    %mul3A_123 = vector.broadcast %mul3A_122 : i32 to vector<16xi32>
    %mul3A_124 = arith.muli %and3A_43, %mul3A_123 : vector<16xi32>
    %add3A_125 = arith.addi %mul3A_124, %iota3A : vector<16xi32>
    %mul3A_126 = arith.constant 32 : i32
    %mul3A_127 = vector.broadcast %mul3A_126 : i32 to vector<16xi32>
    %mul3A_128 = arith.muli %and3A_49, %mul3A_127 : vector<16xi32>
    %add3A_129 = arith.addi %mul3A_128, %iota3A : vector<16xi32>
    %mul3A_130 = arith.constant 32 : i32
    %mul3A_131 = vector.broadcast %mul3A_130 : i32 to vector<16xi32>
    %mul3A_132 = arith.muli %and3A_55, %mul3A_131 : vector<16xi32>
    %add3A_133 = arith.addi %mul3A_132, %iota3A : vector<16xi32>
    %mul3A_134 = arith.constant 32 : i32
    %mul3A_135 = vector.broadcast %mul3A_134 : i32 to vector<16xi32>
    %mul3A_136 = arith.muli %and3A_61, %mul3A_135 : vector<16xi32>
    %add3A_137 = arith.addi %mul3A_136, %iota3A : vector<16xi32>
    %mul3A_138 = arith.constant 32 : i32
    %mul3A_139 = vector.broadcast %mul3A_138 : i32 to vector<16xi32>
    %mul3A_140 = arith.muli %and3A_67, %mul3A_139 : vector<16xi32>
    %add3A_141 = arith.addi %mul3A_140, %iota3A : vector<16xi32>
    %mul3A_142 = arith.constant 32 : i32
    %mul3A_143 = vector.broadcast %mul3A_142 : i32 to vector<16xi32>
    %mul3A_144 = arith.muli %and3A_73, %mul3A_143 : vector<16xi32>
    %add3A_145 = arith.addi %mul3A_144, %iota3A : vector<16xi32>
    %mul3A_146 = arith.constant 32 : i32
    %mul3A_147 = vector.broadcast %mul3A_146 : i32 to vector<16xi32>
    %mul3A_148 = arith.muli %and3A_79, %mul3A_147 : vector<16xi32>
    %add3A_149 = arith.addi %mul3A_148, %iota3A : vector<16xi32>
    %mul3A_150 = arith.constant 32 : i32
    %mul3A_151 = vector.broadcast %mul3A_150 : i32 to vector<16xi32>
    %mul3A_152 = arith.muli %and3A_85, %mul3A_151 : vector<16xi32>
    %add3A_153 = arith.addi %mul3A_152, %iota3A : vector<16xi32>
    %mul3A_154 = arith.constant 32 : i32
    %mul3A_155 = vector.broadcast %mul3A_154 : i32 to vector<16xi32>
    %mul3A_156 = arith.muli %and3A_91, %mul3A_155 : vector<16xi32>
    %add3A_157 = arith.addi %mul3A_156, %iota3A : vector<16xi32>
    %mul3A_158 = arith.constant 32 : i32
    %mul3A_159 = vector.broadcast %mul3A_158 : i32 to vector<16xi32>
    %mul3A_160 = arith.muli %and3A_97, %mul3A_159 : vector<16xi32>
    %add3A_161 = arith.addi %mul3A_160, %iota3A : vector<16xi32>
    %sub3A = arith.constant 1 : i32
    %sub3A_162 = arith.subi %select_n3A, %sub3A : i32
    %min3A = arith.constant 0 : i32
    %min3A_163 = arith.minsi %min3A, %sub3A_162 : i32
    %mul3A_164 = arith.constant 32 : i32
    %mul3A_165 = arith.muli %min3A_163, %mul3A_164 : i32
    %add3A_166 = arith.addi %add3A, %mul3A_165 : i32
    %mul3A_167 = arith.constant 512 : i32
    %mul3A_168 = arith.muli %add3A_166, %mul3A_167 : i32
    %dma_start3A = arith.constant 0 : i32
    %dma_start3A_169 = tpu.memref_slice %arg2[%dma_start3A, %mul3A_168] : memref<32x1000000xf32, #tpu.memory_space<hbm>> -> memref<32x512xf32, #tpu.memory_space<hbm>>
    %dma_start3A_170 = arith.constant 0 : i32
    %dma_start3A_171 = tpu.memref_slice %arg2[%dma_start3A_170, %mul3A_168] : memref<32x1000000xf32, #tpu.memory_space<hbm>> -> memref<32x512xf32, #tpu.memory_space<hbm>>
    tpu.enqueue_dma source(%dma_start3A_171 : memref<32x512xf32, #tpu.memory_space<hbm>>) target(%arg5 : memref<32x512xf32, #tpu.memory_space<vmem>>) target_semaphore(%arg9 : memref<!tpu.dma_semaphore, #tpu.memory_space<semaphore_mem>>)
    %sub3A_172 = arith.constant 1 : i32
    %sub3A_173 = arith.subi %select_n3A, %sub3A_172 : i32
    %min3A_174 = arith.constant 1 : i32
    %min3A_175 = arith.minsi %min3A_174, %sub3A_173 : i32
    %mul3A_176 = arith.constant 32 : i32
    %mul3A_177 = arith.muli %min3A_175, %mul3A_176 : i32
    %add3A_178 = arith.addi %add3A, %mul3A_177 : i32
    %mul3A_179 = arith.constant 512 : i32
    %mul3A_180 = arith.muli %add3A_178, %mul3A_179 : i32
    %dma_start3A_181 = arith.constant 0 : i32
    %dma_start3A_182 = tpu.memref_slice %arg2[%dma_start3A_181, %mul3A_180] : memref<32x1000000xf32, #tpu.memory_space<hbm>> -> memref<32x512xf32, #tpu.memory_space<hbm>>
    %dma_start3A_183 = arith.constant 0 : i32
    %dma_start3A_184 = tpu.memref_slice %arg2[%dma_start3A_183, %mul3A_180] : memref<32x1000000xf32, #tpu.memory_space<hbm>> -> memref<32x512xf32, #tpu.memory_space<hbm>>
    tpu.enqueue_dma source(%dma_start3A_184 : memref<32x512xf32, #tpu.memory_space<hbm>>) target(%arg6 : memref<32x512xf32, #tpu.memory_space<vmem>>) target_semaphore(%arg10 : memref<!tpu.dma_semaphore, #tpu.memory_space<semaphore_mem>>)
    %add3A_185 = arith.constant 1 : i32
    %add3A_186 = arith.addi %select_n3A, %add3A_185 : i32
    %jit3A_187 = arith.constant 2 : i32
    %div3A = arith.divsi %add3A_186, %jit3A_187 : i32
    %sign3A = arith.constant 0 : i32
    %sign3A_188 = arith.cmpi sgt, %add3A_186, %sign3A : i32
    %sign3A_189 = arith.extui %sign3A_188 : i1 to i32
    %sign3A_190 = arith.constant 0 : i32
    %sign3A_191 = arith.cmpi slt, %add3A_186, %sign3A_190 : i32
    %sign3A_192 = arith.extui %sign3A_191 : i1 to i32
    %sign3A_193 = arith.subi %sign3A_189, %sign3A_192 : i32
    %sign3A_194 = arith.constant 0 : i32
    %sign3A_195 = arith.cmpi sgt, %jit3A_187, %sign3A_194 : i32
    %sign3A_196 = arith.extui %sign3A_195 : i1 to i32
    %sign3A_197 = arith.constant 0 : i32
    %sign3A_198 = arith.cmpi slt, %jit3A_187, %sign3A_197 : i32
    %sign3A_199 = arith.extui %sign3A_198 : i1 to i32
    %sign3A_200 = arith.subi %sign3A_196, %sign3A_199 : i32
    %ne3A = arith.cmpi ne, %sign3A_193, %sign3A_200 : i32
    %rem3A = arith.remsi %add3A_186, %jit3A_187 : i32
    %ne3A_201 = arith.constant 0 : i32
    %ne3A_202 = arith.cmpi ne, %rem3A, %ne3A_201 : i32
    %and3A_203 = arith.andi %ne3A, %ne3A_202 : i1
    %sub3A_204 = arith.constant 1 : i32
    %sub3A_205 = arith.subi %div3A, %sub3A_204 : i32
    %select_n3A_206 = arith.select %and3A_203, %sub3A_205, %div3A : i32
    %while3A = arith.constant 0 : i32
    %while3A_207 = arith.constant 0 : i32
    %while3A_208 = arith.subi %select_n3A_206, %while3A : i32
    %while3A_209 = arith.addi %while3A, %while3A_208 : i32
    %while3A_210 = arith.constant 1 : i32
    %while3A_211 = arith.divsi %while3A_208, %while3A_210 : i32
    %while3A_212 = arith.muli %while3A_211, %while3A_210 : i32
    %while3A_213 = arith.addi %while3A, %while3A_212 : i32
    %while3A_214 = arith.constant 1 : i32
    %while3A_215 = scf.for %while3A_239 = %while3A to %while3A_213 step %while3A_214 iter_args(%while3A_240 = %while3A_207) -> (i32)  : i32 {
      %mul3A_241 = arith.constant 2 : i32
      %mul3A_242 = arith.muli %mul3A_241, %while3A_239 : i32
      %dma_wait3A_243 = arith.constant 0 : i32
      %dma_wait3A_244 = arith.constant 0 : i32
      %dma_wait3A_245 = tpu.memref_slice %arg2[%dma_wait3A_243, %dma_wait3A_244] : memref<32x1000000xf32, #tpu.memory_space<hbm>> -> memref<32x512xf32, #tpu.memory_space<hbm>>
      %dma_wait3A_246 = arith.constant 0 : i32
      %dma_wait3A_247 = arith.constant 0 : i32
      %dma_wait3A_248 = tpu.memref_slice %arg2[%dma_wait3A_246, %dma_wait3A_247] : memref<32x1000000xf32, #tpu.memory_space<hbm>> -> memref<32x512xf32, #tpu.memory_space<hbm>>
      tpu.wait_dma2 semaphore(%arg9 : memref<!tpu.dma_semaphore, #tpu.memory_space<semaphore_mem>>) src(%dma_wait3A_248 : memref<32x512xf32, #tpu.memory_space<hbm>>) dst(%arg5 : memref<32x512xf32, #tpu.memory_space<vmem>>)
      %gt3A = arith.constant 0 : i32
      %gt3A_249 = arith.cmpi sgt, %while3A_239, %gt3A : i32
      %convert_element_type3A_250 = arith.extui %gt3A_249 : i1 to i32
      %cond3A_251 = arith.constant 0 : i32
      %cond3A_252 = arith.cmpi ne, %convert_element_type3A_250, %cond3A_251 : i32
      scf.if %cond3A_252 {
        %dma_wait3A_332 = arith.constant 0 : i32
        %dma_wait3A_333 = tpu.memref_slice %arg4[%dma_wait3A_332] : memref<32000000xf32, #tpu.memory_space<hbm>> -> memref<16384xf32, #tpu.memory_space<hbm>>
        %dma_wait3A_334 = arith.constant 0 : i32
        %dma_wait3A_335 = tpu.memref_slice %arg4[%dma_wait3A_334] : memref<32000000xf32, #tpu.memory_space<hbm>> -> memref<16384xf32, #tpu.memory_space<hbm>>
        tpu.wait_dma2 semaphore(%arg11 : memref<!tpu.dma_semaphore, #tpu.memory_space<semaphore_mem>>) src(%arg7 : memref<16384xf32, #tpu.memory_space<vmem>>) dst(%dma_wait3A_335 : memref<16384xf32, #tpu.memory_space<hbm>>)
      } else {
      }
      %scan3A = arith.constant 0 : i32
      %scan3A_253 = arith.constant 0 : i32
      %scan3A_254 = arith.constant 32 : i32
      %scan3A_255 = arith.addi %scan3A_253, %scan3A_254 : i32
      %scan3A_256 = arith.constant 1 : i32
      %scan3A_257 = scf.for %scan3A_332 = %scan3A_253 to %scan3A_255 step %scan3A_256 iter_args(%scan3A_333 = %scan3A) -> (i32)  : i32 {
        %mul3A_334 = arith.constant 16 : i32
        %mul3A_335 = arith.muli %scan3A_332, %mul3A_334 : i32
        %add3A_336 = vector.broadcast %mul3A_335 : i32 to vector<16xi32>
        %add3A_337 = arith.addi %add3A_336, %and3A_7 : vector<16xi32>
        %add3A_338 = vector.broadcast %mul3A_335 : i32 to vector<16xi32>
        %add3A_339 = arith.addi %add3A_338, %and3A_13 : vector<16xi32>
        %add3A_340 = vector.broadcast %mul3A_335 : i32 to vector<16xi32>
        %add3A_341 = arith.addi %add3A_340, %and3A_19 : vector<16xi32>
        %add3A_342 = vector.broadcast %mul3A_335 : i32 to vector<16xi32>
        %add3A_343 = arith.addi %add3A_342, %and3A_25 : vector<16xi32>
        %add3A_344 = vector.broadcast %mul3A_335 : i32 to vector<16xi32>
        %add3A_345 = arith.addi %add3A_344, %and3A_31 : vector<16xi32>
        %add3A_346 = vector.broadcast %mul3A_335 : i32 to vector<16xi32>
        %add3A_347 = arith.addi %add3A_346, %and3A_37 : vector<16xi32>
        %add3A_348 = vector.broadcast %mul3A_335 : i32 to vector<16xi32>
        %add3A_349 = arith.addi %add3A_348, %and3A_43 : vector<16xi32>
        %add3A_350 = vector.broadcast %mul3A_335 : i32 to vector<16xi32>
        %add3A_351 = arith.addi %add3A_350, %and3A_49 : vector<16xi32>
        %add3A_352 = vector.broadcast %mul3A_335 : i32 to vector<16xi32>
        %add3A_353 = arith.addi %add3A_352, %and3A_55 : vector<16xi32>
        %add3A_354 = vector.broadcast %mul3A_335 : i32 to vector<16xi32>
        %add3A_355 = arith.addi %add3A_354, %and3A_61 : vector<16xi32>
        %add3A_356 = vector.broadcast %mul3A_335 : i32 to vector<16xi32>
        %add3A_357 = arith.addi %add3A_356, %and3A_67 : vector<16xi32>
        %add3A_358 = vector.broadcast %mul3A_335 : i32 to vector<16xi32>
        %add3A_359 = arith.addi %add3A_358, %and3A_73 : vector<16xi32>
        %add3A_360 = vector.broadcast %mul3A_335 : i32 to vector<16xi32>
        %add3A_361 = arith.addi %add3A_360, %and3A_79 : vector<16xi32>
        %add3A_362 = vector.broadcast %mul3A_335 : i32 to vector<16xi32>
        %add3A_363 = arith.addi %add3A_362, %and3A_85 : vector<16xi32>
        %add3A_364 = vector.broadcast %mul3A_335 : i32 to vector<16xi32>
        %add3A_365 = arith.addi %add3A_364, %and3A_91 : vector<16xi32>
        %add3A_366 = vector.broadcast %mul3A_335 : i32 to vector<16xi32>
        %add3A_367 = arith.addi %add3A_366, %and3A_97 : vector<16xi32>
        %mul3A_368 = arith.constant 512 : i32
        %mul3A_369 = arith.muli %scan3A_332, %mul3A_368 : i32
        %add3A_370 = arith.constant 0 : i32
        %add3A_371 = arith.addi %mul3A_369, %add3A_370 : i32
        %gather3A = arith.constant 0 : i32
        %gather3A_372 = arith.constant 0 : i32
        %gather3A_373 = tpu.memref_slice %arg5[%gather3A, %gather3A_372] : memref<32x512xf32, #tpu.memory_space<vmem>> -> memref<16x512xf32, #tpu.memory_space<vmem>>
        %gather3A_374 = tpu.vector_load_idx %gather3A_373[%iota3A, %add3A_337] : memref<16x512xf32, #tpu.memory_space<vmem>>[vector<16xi32>, vector<16xi32>], vector<16xf32>,
        %gather3A_375 = arith.constant 0 : i32
        %gather3A_376 = arith.constant 0 : i32
        %gather3A_377 = tpu.memref_slice %arg5[%gather3A_375, %gather3A_376] : memref<32x512xf32, #tpu.memory_space<vmem>> -> memref<16x512xf32, #tpu.memory_space<vmem>>
        %gather3A_378 = tpu.vector_load_idx %gather3A_377[%iota3A, %add3A_339] : memref<16x512xf32, #tpu.memory_space<vmem>>[vector<16xi32>, vector<16xi32>], vector<16xf32>,
        %gather3A_379 = arith.constant 0 : i32
        %gather3A_380 = arith.constant 0 : i32
        %gather3A_381 = tpu.memref_slice %arg5[%gather3A_379, %gather3A_380] : memref<32x512xf32, #tpu.memory_space<vmem>> -> memref<16x512xf32, #tpu.memory_space<vmem>>
        %gather3A_382 = tpu.vector_load_idx %gather3A_381[%iota3A, %add3A_341] : memref<16x512xf32, #tpu.memory_space<vmem>>[vector<16xi32>, vector<16xi32>], vector<16xf32>,
        %gather3A_383 = arith.constant 0 : i32
        %gather3A_384 = arith.constant 0 : i32
        %gather3A_385 = tpu.memref_slice %arg5[%gather3A_383, %gather3A_384] : memref<32x512xf32, #tpu.memory_space<vmem>> -> memref<16x512xf32, #tpu.memory_space<vmem>>
        %gather3A_386 = tpu.vector_load_idx %gather3A_385[%iota3A, %add3A_343] : memref<16x512xf32, #tpu.memory_space<vmem>>[vector<16xi32>, vector<16xi32>], vector<16xf32>,
        %gather3A_387 = arith.constant 0 : i32
        %gather3A_388 = arith.constant 0 : i32
        %gather3A_389 = tpu.memref_slice %arg5[%gather3A_387, %gather3A_388] : memref<32x512xf32, #tpu.memory_space<vmem>> -> memref<16x512xf32, #tpu.memory_space<vmem>>
        %gather3A_390 = tpu.vector_load_idx %gather3A_389[%iota3A, %add3A_345] : memref<16x512xf32, #tpu.memory_space<vmem>>[vector<16xi32>, vector<16xi32>], vector<16xf32>,
        %gather3A_391 = arith.constant 0 : i32
        %gather3A_392 = arith.constant 0 : i32
        %gather3A_393 = tpu.memref_slice %arg5[%gather3A_391, %gather3A_392] : memref<32x512xf32, #tpu.memory_space<vmem>> -> memref<16x512xf32, #tpu.memory_space<vmem>>
        %gather3A_394 = tpu.vector_load_idx %gather3A_393[%iota3A, %add3A_347] : memref<16x512xf32, #tpu.memory_space<vmem>>[vector<16xi32>, vector<16xi32>], vector<16xf32>,
        %gather3A_395 = arith.constant 0 : i32
        %gather3A_396 = arith.constant 0 : i32
        %gather3A_397 = tpu.memref_slice %arg5[%gather3A_395, %gather3A_396] : memref<32x512xf32, #tpu.memory_space<vmem>> -> memref<16x512xf32, #tpu.memory_space<vmem>>
        %gather3A_398 = tpu.vector_load_idx %gather3A_397[%iota3A, %add3A_349] : memref<16x512xf32, #tpu.memory_space<vmem>>[vector<16xi32>, vector<16xi32>], vector<16xf32>,
        %gather3A_399 = arith.constant 0 : i32
        %gather3A_400 = arith.constant 0 : i32
        %gather3A_401 = tpu.memref_slice %arg5[%gather3A_399, %gather3A_400] : memref<32x512xf32, #tpu.memory_space<vmem>> -> memref<16x512xf32, #tpu.memory_space<vmem>>
        %gather3A_402 = tpu.vector_load_idx %gather3A_401[%iota3A, %add3A_351] : memref<16x512xf32, #tpu.memory_space<vmem>>[vector<16xi32>, vector<16xi32>], vector<16xf32>,
        %scatter3A = tpu.memref_slice %arg7[%add3A_371] : memref<16384xf32, #tpu.memory_space<vmem>> -> memref<496xf32, #tpu.memory_space<vmem>>
        tpu.vector_store_idx %scatter3A[%add3A_101], %gather3A_374 : memref<496xf32, #tpu.memory_space<vmem>>[vector<16xi32>], vector<16xf32>,
        %scatter3A_403 = tpu.memref_slice %arg7[%add3A_371] : memref<16384xf32, #tpu.memory_space<vmem>> -> memref<496xf32, #tpu.memory_space<vmem>>
        tpu.vector_store_idx %scatter3A_403[%add3A_105], %gather3A_378 : memref<496xf32, #tpu.memory_space<vmem>>[vector<16xi32>], vector<16xf32>,
        %scatter3A_404 = tpu.memref_slice %arg7[%add3A_371] : memref<16384xf32, #tpu.memory_space<vmem>> -> memref<496xf32, #tpu.memory_space<vmem>>
        tpu.vector_store_idx %scatter3A_404[%add3A_109], %gather3A_382 : memref<496xf32, #tpu.memory_space<vmem>>[vector<16xi32>], vector<16xf32>,
        %scatter3A_405 = tpu.memref_slice %arg7[%add3A_371] : memref<16384xf32, #tpu.memory_space<vmem>> -> memref<496xf32, #tpu.memory_space<vmem>>
        tpu.vector_store_idx %scatter3A_405[%add3A_113], %gather3A_386 : memref<496xf32, #tpu.memory_space<vmem>>[vector<16xi32>], vector<16xf32>,
        %scatter3A_406 = tpu.memref_slice %arg7[%add3A_371] : memref<16384xf32, #tpu.memory_space<vmem>> -> memref<496xf32, #tpu.memory_space<vmem>>
        tpu.vector_store_idx %scatter3A_406[%add3A_117], %gather3A_390 : memref<496xf32, #tpu.memory_space<vmem>>[vector<16xi32>], vector<16xf32>,
        %scatter3A_407 = tpu.memref_slice %arg7[%add3A_371] : memref<16384xf32, #tpu.memory_space<vmem>> -> memref<496xf32, #tpu.memory_space<vmem>>
        tpu.vector_store_idx %scatter3A_407[%add3A_121], %gather3A_394 : memref<496xf32, #tpu.memory_space<vmem>>[vector<16xi32>], vector<16xf32>,
        %scatter3A_408 = tpu.memref_slice %arg7[%add3A_371] : memref<16384xf32, #tpu.memory_space<vmem>> -> memref<496xf32, #tpu.memory_space<vmem>>
        tpu.vector_store_idx %scatter3A_408[%add3A_125], %gather3A_398 : memref<496xf32, #tpu.memory_space<vmem>>[vector<16xi32>], vector<16xf32>,
        %scatter3A_409 = tpu.memref_slice %arg7[%add3A_371] : memref<16384xf32, #tpu.memory_space<vmem>> -> memref<496xf32, #tpu.memory_space<vmem>>
        tpu.vector_store_idx %scatter3A_409[%add3A_129], %gather3A_402 : memref<496xf32, #tpu.memory_space<vmem>>[vector<16xi32>], vector<16xf32>,
        %gather3A_410 = arith.constant 0 : i32
        %gather3A_411 = arith.constant 0 : i32
        %gather3A_412 = tpu.memref_slice %arg5[%gather3A_410, %gather3A_411] : memref<32x512xf32, #tpu.memory_space<vmem>> -> memref<16x512xf32, #tpu.memory_space<vmem>>
        %gather3A_413 = tpu.vector_load_idx %gather3A_412[%iota3A, %add3A_353] : memref<16x512xf32, #tpu.memory_space<vmem>>[vector<16xi32>, vector<16xi32>], vector<16xf32>,
        %gather3A_414 = arith.constant 0 : i32
        %gather3A_415 = arith.constant 0 : i32
        %gather3A_416 = tpu.memref_slice %arg5[%gather3A_414, %gather3A_415] : memref<32x512xf32, #tpu.memory_space<vmem>> -> memref<16x512xf32, #tpu.memory_space<vmem>>
        %gather3A_417 = tpu.vector_load_idx %gather3A_416[%iota3A, %add3A_355] : memref<16x512xf32, #tpu.memory_space<vmem>>[vector<16xi32>, vector<16xi32>], vector<16xf32>,
        %gather3A_418 = arith.constant 0 : i32
        %gather3A_419 = arith.constant 0 : i32
        %gather3A_420 = tpu.memref_slice %arg5[%gather3A_418, %gather3A_419] : memref<32x512xf32, #tpu.memory_space<vmem>> -> memref<16x512xf32, #tpu.memory_space<vmem>>
        %gather3A_421 = tpu.vector_load_idx %gather3A_420[%iota3A, %add3A_357] : memref<16x512xf32, #tpu.memory_space<vmem>>[vector<16xi32>, vector<16xi32>], vector<16xf32>,
        %gather3A_422 = arith.constant 0 : i32
        %gather3A_423 = arith.constant 0 : i32
        %gather3A_424 = tpu.memref_slice %arg5[%gather3A_422, %gather3A_423] : memref<32x512xf32, #tpu.memory_space<vmem>> -> memref<16x512xf32, #tpu.memory_space<vmem>>
        %gather3A_425 = tpu.vector_load_idx %gather3A_424[%iota3A, %add3A_359] : memref<16x512xf32, #tpu.memory_space<vmem>>[vector<16xi32>, vector<16xi32>], vector<16xf32>,
        %gather3A_426 = arith.constant 0 : i32
        %gather3A_427 = arith.constant 0 : i32
        %gather3A_428 = tpu.memref_slice %arg5[%gather3A_426, %gather3A_427] : memref<32x512xf32, #tpu.memory_space<vmem>> -> memref<16x512xf32, #tpu.memory_space<vmem>>
        %gather3A_429 = tpu.vector_load_idx %gather3A_428[%iota3A, %add3A_361] : memref<16x512xf32, #tpu.memory_space<vmem>>[vector<16xi32>, vector<16xi32>], vector<16xf32>,
        %gather3A_430 = arith.constant 0 : i32
        %gather3A_431 = arith.constant 0 : i32
        %gather3A_432 = tpu.memref_slice %arg5[%gather3A_430, %gather3A_431] : memref<32x512xf32, #tpu.memory_space<vmem>> -> memref<16x512xf32, #tpu.memory_space<vmem>>
        %gather3A_433 = tpu.vector_load_idx %gather3A_432[%iota3A, %add3A_363] : memref<16x512xf32, #tpu.memory_space<vmem>>[vector<16xi32>, vector<16xi32>], vector<16xf32>,
        %gather3A_434 = arith.constant 0 : i32
        %gather3A_435 = arith.constant 0 : i32
        %gather3A_436 = tpu.memref_slice %arg5[%gather3A_434, %gather3A_435] : memref<32x512xf32, #tpu.memory_space<vmem>> -> memref<16x512xf32, #tpu.memory_space<vmem>>
        %gather3A_437 = tpu.vector_load_idx %gather3A_436[%iota3A, %add3A_365] : memref<16x512xf32, #tpu.memory_space<vmem>>[vector<16xi32>, vector<16xi32>], vector<16xf32>,
        %gather3A_438 = arith.constant 0 : i32
        %gather3A_439 = arith.constant 0 : i32
        %gather3A_440 = tpu.memref_slice %arg5[%gather3A_438, %gather3A_439] : memref<32x512xf32, #tpu.memory_space<vmem>> -> memref<16x512xf32, #tpu.memory_space<vmem>>
        %gather3A_441 = tpu.vector_load_idx %gather3A_440[%iota3A, %add3A_367] : memref<16x512xf32, #tpu.memory_space<vmem>>[vector<16xi32>, vector<16xi32>], vector<16xf32>,
        %scatter3A_442 = tpu.memref_slice %arg7[%add3A_371] : memref<16384xf32, #tpu.memory_space<vmem>> -> memref<496xf32, #tpu.memory_space<vmem>>
        tpu.vector_store_idx %scatter3A_442[%add3A_133], %gather3A_413 : memref<496xf32, #tpu.memory_space<vmem>>[vector<16xi32>], vector<16xf32>,
        %scatter3A_443 = tpu.memref_slice %arg7[%add3A_371] : memref<16384xf32, #tpu.memory_space<vmem>> -> memref<496xf32, #tpu.memory_space<vmem>>
        tpu.vector_store_idx %scatter3A_443[%add3A_137], %gather3A_417 : memref<496xf32, #tpu.memory_space<vmem>>[vector<16xi32>], vector<16xf32>,
        %scatter3A_444 = tpu.memref_slice %arg7[%add3A_371] : memref<16384xf32, #tpu.memory_space<vmem>> -> memref<496xf32, #tpu.memory_space<vmem>>
        tpu.vector_store_idx %scatter3A_444[%add3A_141], %gather3A_421 : memref<496xf32, #tpu.memory_space<vmem>>[vector<16xi32>], vector<16xf32>,
        %scatter3A_445 = tpu.memref_slice %arg7[%add3A_371] : memref<16384xf32, #tpu.memory_space<vmem>> -> memref<496xf32, #tpu.memory_space<vmem>>
        tpu.vector_store_idx %scatter3A_445[%add3A_145], %gather3A_425 : memref<496xf32, #tpu.memory_space<vmem>>[vector<16xi32>], vector<16xf32>,
        %scatter3A_446 = tpu.memref_slice %arg7[%add3A_371] : memref<16384xf32, #tpu.memory_space<vmem>> -> memref<496xf32, #tpu.memory_space<vmem>>
        tpu.vector_store_idx %scatter3A_446[%add3A_149], %gather3A_429 : memref<496xf32, #tpu.memory_space<vmem>>[vector<16xi32>], vector<16xf32>,
        %scatter3A_447 = tpu.memref_slice %arg7[%add3A_371] : memref<16384xf32, #tpu.memory_space<vmem>> -> memref<496xf32, #tpu.memory_space<vmem>>
        tpu.vector_store_idx %scatter3A_447[%add3A_153], %gather3A_433 : memref<496xf32, #tpu.memory_space<vmem>>[vector<16xi32>], vector<16xf32>,
        %scatter3A_448 = tpu.memref_slice %arg7[%add3A_371] : memref<16384xf32, #tpu.memory_space<vmem>> -> memref<496xf32, #tpu.memory_space<vmem>>
        tpu.vector_store_idx %scatter3A_448[%add3A_157], %gather3A_437 : memref<496xf32, #tpu.memory_space<vmem>>[vector<16xi32>], vector<16xf32>,
        %scatter3A_449 = tpu.memref_slice %arg7[%add3A_371] : memref<16384xf32, #tpu.memory_space<vmem>> -> memref<496xf32, #tpu.memory_space<vmem>>
        tpu.vector_store_idx %scatter3A_449[%add3A_161], %gather3A_441 : memref<496xf32, #tpu.memory_space<vmem>>[vector<16xi32>], vector<16xf32>,
        %mul3A_450 = arith.constant 512 : i32
        %mul3A_451 = arith.muli %scan3A_332, %mul3A_450 : i32
        %add3A_452 = arith.constant 16 : i32
        %add3A_453 = arith.addi %mul3A_451, %add3A_452 : i32
        %gather3A_454 = arith.constant 16 : i32
        %gather3A_455 = arith.constant 0 : i32
        %gather3A_456 = tpu.memref_slice %arg5[%gather3A_454, %gather3A_455] : memref<32x512xf32, #tpu.memory_space<vmem>> -> memref<16x512xf32, #tpu.memory_space<vmem>>
        %gather3A_457 = tpu.vector_load_idx %gather3A_456[%iota3A, %add3A_337] : memref<16x512xf32, #tpu.memory_space<vmem>>[vector<16xi32>, vector<16xi32>], vector<16xf32>,
        %gather3A_458 = arith.constant 16 : i32
        %gather3A_459 = arith.constant 0 : i32
        %gather3A_460 = tpu.memref_slice %arg5[%gather3A_458, %gather3A_459] : memref<32x512xf32, #tpu.memory_space<vmem>> -> memref<16x512xf32, #tpu.memory_space<vmem>>
        %gather3A_461 = tpu.vector_load_idx %gather3A_460[%iota3A, %add3A_339] : memref<16x512xf32, #tpu.memory_space<vmem>>[vector<16xi32>, vector<16xi32>], vector<16xf32>,
        %gather3A_462 = arith.constant 16 : i32
        %gather3A_463 = arith.constant 0 : i32
        %gather3A_464 = tpu.memref_slice %arg5[%gather3A_462, %gather3A_463] : memref<32x512xf32, #tpu.memory_space<vmem>> -> memref<16x512xf32, #tpu.memory_space<vmem>>
        %gather3A_465 = tpu.vector_load_idx %gather3A_464[%iota3A, %add3A_341] : memref<16x512xf32, #tpu.memory_space<vmem>>[vector<16xi32>, vector<16xi32>], vector<16xf32>,
        %gather3A_466 = arith.constant 16 : i32
        %gather3A_467 = arith.constant 0 : i32
        %gather3A_468 = tpu.memref_slice %arg5[%gather3A_466, %gather3A_467] : memref<32x512xf32, #tpu.memory_space<vmem>> -> memref<16x512xf32, #tpu.memory_space<vmem>>
        %gather3A_469 = tpu.vector_load_idx %gather3A_468[%iota3A, %add3A_343] : memref<16x512xf32, #tpu.memory_space<vmem>>[vector<16xi32>, vector<16xi32>], vector<16xf32>,
        %gather3A_470 = arith.constant 16 : i32
        %gather3A_471 = arith.constant 0 : i32
        %gather3A_472 = tpu.memref_slice %arg5[%gather3A_470, %gather3A_471] : memref<32x512xf32, #tpu.memory_space<vmem>> -> memref<16x512xf32, #tpu.memory_space<vmem>>
        %gather3A_473 = tpu.vector_load_idx %gather3A_472[%iota3A, %add3A_345] : memref<16x512xf32, #tpu.memory_space<vmem>>[vector<16xi32>, vector<16xi32>], vector<16xf32>,
        %gather3A_474 = arith.constant 16 : i32
        %gather3A_475 = arith.constant 0 : i32
        %gather3A_476 = tpu.memref_slice %arg5[%gather3A_474, %gather3A_475] : memref<32x512xf32, #tpu.memory_space<vmem>> -> memref<16x512xf32, #tpu.memory_space<vmem>>
        %gather3A_477 = tpu.vector_load_idx %gather3A_476[%iota3A, %add3A_347] : memref<16x512xf32, #tpu.memory_space<vmem>>[vector<16xi32>, vector<16xi32>], vector<16xf32>,
        %gather3A_478 = arith.constant 16 : i32
        %gather3A_479 = arith.constant 0 : i32
        %gather3A_480 = tpu.memref_slice %arg5[%gather3A_478, %gather3A_479] : memref<32x512xf32, #tpu.memory_space<vmem>> -> memref<16x512xf32, #tpu.memory_space<vmem>>
        %gather3A_481 = tpu.vector_load_idx %gather3A_480[%iota3A, %add3A_349] : memref<16x512xf32, #tpu.memory_space<vmem>>[vector<16xi32>, vector<16xi32>], vector<16xf32>,
        %gather3A_482 = arith.constant 16 : i32
        %gather3A_483 = arith.constant 0 : i32
        %gather3A_484 = tpu.memref_slice %arg5[%gather3A_482, %gather3A_483] : memref<32x512xf32, #tpu.memory_space<vmem>> -> memref<16x512xf32, #tpu.memory_space<vmem>>
        %gather3A_485 = tpu.vector_load_idx %gather3A_484[%iota3A, %add3A_351] : memref<16x512xf32, #tpu.memory_space<vmem>>[vector<16xi32>, vector<16xi32>], vector<16xf32>,
        %scatter3A_486 = tpu.memref_slice %arg7[%add3A_453] : memref<16384xf32, #tpu.memory_space<vmem>> -> memref<496xf32, #tpu.memory_space<vmem>>
        tpu.vector_store_idx %scatter3A_486[%add3A_101], %gather3A_457 : memref<496xf32, #tpu.memory_space<vmem>>[vector<16xi32>], vector<16xf32>,
        %scatter3A_487 = tpu.memref_slice %arg7[%add3A_453] : memref<16384xf32, #tpu.memory_space<vmem>> -> memref<496xf32, #tpu.memory_space<vmem>>
        tpu.vector_store_idx %scatter3A_487[%add3A_105], %gather3A_461 : memref<496xf32, #tpu.memory_space<vmem>>[vector<16xi32>], vector<16xf32>,
        %scatter3A_488 = tpu.memref_slice %arg7[%add3A_453] : memref<16384xf32, #tpu.memory_space<vmem>> -> memref<496xf32, #tpu.memory_space<vmem>>
        tpu.vector_store_idx %scatter3A_488[%add3A_109], %gather3A_465 : memref<496xf32, #tpu.memory_space<vmem>>[vector<16xi32>], vector<16xf32>,
        %scatter3A_489 = tpu.memref_slice %arg7[%add3A_453] : memref<16384xf32, #tpu.memory_space<vmem>> -> memref<496xf32, #tpu.memory_space<vmem>>
        tpu.vector_store_idx %scatter3A_489[%add3A_113], %gather3A_469 : memref<496xf32, #tpu.memory_space<vmem>>[vector<16xi32>], vector<16xf32>,
        %scatter3A_490 = tpu.memref_slice %arg7[%add3A_453] : memref<16384xf32, #tpu.memory_space<vmem>> -> memref<496xf32, #tpu.memory_space<vmem>>
        tpu.vector_store_idx %scatter3A_490[%add3A_117], %gather3A_473 : memref<496xf32, #tpu.memory_space<vmem>>[vector<16xi32>], vector<16xf32>,
        %scatter3A_491 = tpu.memref_slice %arg7[%add3A_453] : memref<16384xf32, #tpu.memory_space<vmem>> -> memref<496xf32, #tpu.memory_space<vmem>>
        tpu.vector_store_idx %scatter3A_491[%add3A_121], %gather3A_477 : memref<496xf32, #tpu.memory_space<vmem>>[vector<16xi32>], vector<16xf32>,
        %scatter3A_492 = tpu.memref_slice %arg7[%add3A_453] : memref<16384xf32, #tpu.memory_space<vmem>> -> memref<496xf32, #tpu.memory_space<vmem>>
        tpu.vector_store_idx %scatter3A_492[%add3A_125], %gather3A_481 : memref<496xf32, #tpu.memory_space<vmem>>[vector<16xi32>], vector<16xf32>,
        %scatter3A_493 = tpu.memref_slice %arg7[%add3A_453] : memref<16384xf32, #tpu.memory_space<vmem>> -> memref<496xf32, #tpu.memory_space<vmem>>
        tpu.vector_store_idx %scatter3A_493[%add3A_129], %gather3A_485 : memref<496xf32, #tpu.memory_space<vmem>>[vector<16xi32>], vector<16xf32>,
        %gather3A_494 = arith.constant 16 : i32
        %gather3A_495 = arith.constant 0 : i32
        %gather3A_496 = tpu.memref_slice %arg5[%gather3A_494, %gather3A_495] : memref<32x512xf32, #tpu.memory_space<vmem>> -> memref<16x512xf32, #tpu.memory_space<vmem>>
        %gather3A_497 = tpu.vector_load_idx %gather3A_496[%iota3A, %add3A_353] : memref<16x512xf32, #tpu.memory_space<vmem>>[vector<16xi32>, vector<16xi32>], vector<16xf32>,
        %gather3A_498 = arith.constant 16 : i32
        %gather3A_499 = arith.constant 0 : i32
        %gather3A_500 = tpu.memref_slice %arg5[%gather3A_498, %gather3A_499] : memref<32x512xf32, #tpu.memory_space<vmem>> -> memref<16x512xf32, #tpu.memory_space<vmem>>
        %gather3A_501 = tpu.vector_load_idx %gather3A_500[%iota3A, %add3A_355] : memref<16x512xf32, #tpu.memory_space<vmem>>[vector<16xi32>, vector<16xi32>], vector<16xf32>,
        %gather3A_502 = arith.constant 16 : i32
        %gather3A_503 = arith.constant 0 : i32
        %gather3A_504 = tpu.memref_slice %arg5[%gather3A_502, %gather3A_503] : memref<32x512xf32, #tpu.memory_space<vmem>> -> memref<16x512xf32, #tpu.memory_space<vmem>>
        %gather3A_505 = tpu.vector_load_idx %gather3A_504[%iota3A, %add3A_357] : memref<16x512xf32, #tpu.memory_space<vmem>>[vector<16xi32>, vector<16xi32>], vector<16xf32>,
        %gather3A_506 = arith.constant 16 : i32
        %gather3A_507 = arith.constant 0 : i32
        %gather3A_508 = tpu.memref_slice %arg5[%gather3A_506, %gather3A_507] : memref<32x512xf32, #tpu.memory_space<vmem>> -> memref<16x512xf32, #tpu.memory_space<vmem>>
        %gather3A_509 = tpu.vector_load_idx %gather3A_508[%iota3A, %add3A_359] : memref<16x512xf32, #tpu.memory_space<vmem>>[vector<16xi32>, vector<16xi32>], vector<16xf32>,
        %gather3A_510 = arith.constant 16 : i32
        %gather3A_511 = arith.constant 0 : i32
        %gather3A_512 = tpu.memref_slice %arg5[%gather3A_510, %gather3A_511] : memref<32x512xf32, #tpu.memory_space<vmem>> -> memref<16x512xf32, #tpu.memory_space<vmem>>
        %gather3A_513 = tpu.vector_load_idx %gather3A_512[%iota3A, %add3A_361] : memref<16x512xf32, #tpu.memory_space<vmem>>[vector<16xi32>, vector<16xi32>], vector<16xf32>,
        %gather3A_514 = arith.constant 16 : i32
        %gather3A_515 = arith.constant 0 : i32
        %gather3A_516 = tpu.memref_slice %arg5[%gather3A_514, %gather3A_515] : memref<32x512xf32, #tpu.memory_space<vmem>> -> memref<16x512xf32, #tpu.memory_space<vmem>>
        %gather3A_517 = tpu.vector_load_idx %gather3A_516[%iota3A, %add3A_363] : memref<16x512xf32, #tpu.memory_space<vmem>>[vector<16xi32>, vector<16xi32>], vector<16xf32>,
        %gather3A_518 = arith.constant 16 : i32
        %gather3A_519 = arith.constant 0 : i32
        %gather3A_520 = tpu.memref_slice %arg5[%gather3A_518, %gather3A_519] : memref<32x512xf32, #tpu.memory_space<vmem>> -> memref<16x512xf32, #tpu.memory_space<vmem>>
        %gather3A_521 = tpu.vector_load_idx %gather3A_520[%iota3A, %add3A_365] : memref<16x512xf32, #tpu.memory_space<vmem>>[vector<16xi32>, vector<16xi32>], vector<16xf32>,
        %gather3A_522 = arith.constant 16 : i32
        %gather3A_523 = arith.constant 0 : i32
        %gather3A_524 = tpu.memref_slice %arg5[%gather3A_522, %gather3A_523] : memref<32x512xf32, #tpu.memory_space<vmem>> -> memref<16x512xf32, #tpu.memory_space<vmem>>
        %gather3A_525 = tpu.vector_load_idx %gather3A_524[%iota3A, %add3A_367] : memref<16x512xf32, #tpu.memory_space<vmem>>[vector<16xi32>, vector<16xi32>], vector<16xf32>,
        %scatter3A_526 = tpu.memref_slice %arg7[%add3A_453] : memref<16384xf32, #tpu.memory_space<vmem>> -> memref<496xf32, #tpu.memory_space<vmem>>
        tpu.vector_store_idx %scatter3A_526[%add3A_133], %gather3A_497 : memref<496xf32, #tpu.memory_space<vmem>>[vector<16xi32>], vector<16xf32>,
        %scatter3A_527 = tpu.memref_slice %arg7[%add3A_453] : memref<16384xf32, #tpu.memory_space<vmem>> -> memref<496xf32, #tpu.memory_space<vmem>>
        tpu.vector_store_idx %scatter3A_527[%add3A_137], %gather3A_501 : memref<496xf32, #tpu.memory_space<vmem>>[vector<16xi32>], vector<16xf32>,
        %scatter3A_528 = tpu.memref_slice %arg7[%add3A_453] : memref<16384xf32, #tpu.memory_space<vmem>> -> memref<496xf32, #tpu.memory_space<vmem>>
        tpu.vector_store_idx %scatter3A_528[%add3A_141], %gather3A_505 : memref<496xf32, #tpu.memory_space<vmem>>[vector<16xi32>], vector<16xf32>,
        %scatter3A_529 = tpu.memref_slice %arg7[%add3A_453] : memref<16384xf32, #tpu.memory_space<vmem>> -> memref<496xf32, #tpu.memory_space<vmem>>
        tpu.vector_store_idx %scatter3A_529[%add3A_145], %gather3A_509 : memref<496xf32, #tpu.memory_space<vmem>>[vector<16xi32>], vector<16xf32>,
        %scatter3A_530 = tpu.memref_slice %arg7[%add3A_453] : memref<16384xf32, #tpu.memory_space<vmem>> -> memref<496xf32, #tpu.memory_space<vmem>>
        tpu.vector_store_idx %scatter3A_530[%add3A_149], %gather3A_513 : memref<496xf32, #tpu.memory_space<vmem>>[vector<16xi32>], vector<16xf32>,
        %scatter3A_531 = tpu.memref_slice %arg7[%add3A_453] : memref<16384xf32, #tpu.memory_space<vmem>> -> memref<496xf32, #tpu.memory_space<vmem>>
        tpu.vector_store_idx %scatter3A_531[%add3A_153], %gather3A_517 : memref<496xf32, #tpu.memory_space<vmem>>[vector<16xi32>], vector<16xf32>,
        %scatter3A_532 = tpu.memref_slice %arg7[%add3A_453] : memref<16384xf32, #tpu.memory_space<vmem>> -> memref<496xf32, #tpu.memory_space<vmem>>
        tpu.vector_store_idx %scatter3A_532[%add3A_157], %gather3A_521 : memref<496xf32, #tpu.memory_space<vmem>>[vector<16xi32>], vector<16xf32>,
        %scatter3A_533 = tpu.memref_slice %arg7[%add3A_453] : memref<16384xf32, #tpu.memory_space<vmem>> -> memref<496xf32, #tpu.memory_space<vmem>>
        tpu.vector_store_idx %scatter3A_533[%add3A_161], %gather3A_525 : memref<496xf32, #tpu.memory_space<vmem>>[vector<16xi32>], vector<16xf32>,
        %scan3A_534 = arith.constant 0 : i32
        scf.yield %scan3A_534 : i32
      }
      %scan3A_258 = arith.constant 32 : i32
      %sub3A_259 = arith.constant 1 : i32
      %sub3A_260 = arith.subi %select_n3A, %sub3A_259 : i32
      %min3A_261 = arith.minsi %mul3A_242, %sub3A_260 : i32
      %mul3A_262 = arith.constant 32 : i32
      %mul3A_263 = arith.muli %min3A_261, %mul3A_262 : i32
      %add3A_264 = arith.addi %add3A, %mul3A_263 : i32
      %mul3A_265 = arith.constant 512 : i32
      %mul3A_266 = arith.muli %add3A_264, %mul3A_265 : i32
      %mul3A_267 = arith.constant 32 : i32
      %mul3A_268 = arith.muli %mul3A_266, %mul3A_267 : i32
      %dma_start3A_269 = tpu.memref_slice %arg4[%mul3A_268] : memref<32000000xf32, #tpu.memory_space<hbm>> -> memref<16384xf32, #tpu.memory_space<hbm>>
      %dma_start3A_270 = tpu.memref_slice %arg4[%mul3A_268] : memref<32000000xf32, #tpu.memory_space<hbm>> -> memref<16384xf32, #tpu.memory_space<hbm>>
      tpu.enqueue_dma source(%arg7 : memref<16384xf32, #tpu.memory_space<vmem>>) target(%dma_start3A_270 : memref<16384xf32, #tpu.memory_space<hbm>>) target_semaphore(%arg11 : memref<!tpu.dma_semaphore, #tpu.memory_space<semaphore_mem>>)
      %add3A_271 = arith.constant 2 : i32
      %add3A_272 = arith.addi %mul3A_242, %add3A_271 : i32
      %sub3A_273 = arith.constant 1 : i32
      %sub3A_274 = arith.subi %select_n3A, %sub3A_273 : i32
      %min3A_275 = arith.minsi %add3A_272, %sub3A_274 : i32
      %mul3A_276 = arith.constant 32 : i32
      %mul3A_277 = arith.muli %min3A_275, %mul3A_276 : i32
      %add3A_278 = arith.addi %add3A, %mul3A_277 : i32
      %mul3A_279 = arith.constant 512 : i32
      %mul3A_280 = arith.muli %add3A_278, %mul3A_279 : i32
      %dma_start3A_281 = arith.constant 0 : i32
      %dma_start3A_282 = tpu.memref_slice %arg2[%dma_start3A_281, %mul3A_280] : memref<32x1000000xf32, #tpu.memory_space<hbm>> -> memref<32x512xf32, #tpu.memory_space<hbm>>
      %dma_start3A_283 = arith.constant 0 : i32
      %dma_start3A_284 = tpu.memref_slice %arg2[%dma_start3A_283, %mul3A_280] : memref<32x1000000xf32, #tpu.memory_space<hbm>> -> memref<32x512xf32, #tpu.memory_space<hbm>>
      tpu.enqueue_dma source(%dma_start3A_284 : memref<32x512xf32, #tpu.memory_space<hbm>>) target(%arg5 : memref<32x512xf32, #tpu.memory_space<vmem>>) target_semaphore(%arg9 : memref<!tpu.dma_semaphore, #tpu.memory_space<semaphore_mem>>)
      %dma_wait3A_285 = arith.constant 0 : i32
      %dma_wait3A_286 = arith.constant 0 : i32
      %dma_wait3A_287 = tpu.memref_slice %arg2[%dma_wait3A_285, %dma_wait3A_286] : memref<32x1000000xf32, #tpu.memory_space<hbm>> -> memref<32x512xf32, #tpu.memory_space<hbm>>
      %dma_wait3A_288 = arith.constant 0 : i32
      %dma_wait3A_289 = arith.constant 0 : i32
      %dma_wait3A_290 = tpu.memref_slice %arg2[%dma_wait3A_288, %dma_wait3A_289] : memref<32x1000000xf32, #tpu.memory_space<hbm>> -> memref<32x512xf32, #tpu.memory_space<hbm>>
      tpu.wait_dma2 semaphore(%arg10 : memref<!tpu.dma_semaphore, #tpu.memory_space<semaphore_mem>>) src(%dma_wait3A_290 : memref<32x512xf32, #tpu.memory_space<hbm>>) dst(%arg6 : memref<32x512xf32, #tpu.memory_space<vmem>>)
      %gt3A_291 = arith.constant 0 : i32
      %gt3A_292 = arith.cmpi sgt, %while3A_239, %gt3A_291 : i32
      %convert_element_type3A_293 = arith.extui %gt3A_292 : i1 to i32
      %cond3A_294 = arith.constant 0 : i32
      %cond3A_295 = arith.cmpi ne, %convert_element_type3A_293, %cond3A_294 : i32
      scf.if %cond3A_295 {
        %dma_wait3A_332 = arith.constant 0 : i32
        %dma_wait3A_333 = tpu.memref_slice %arg4[%dma_wait3A_332] : memref<32000000xf32, #tpu.memory_space<hbm>> -> memref<16384xf32, #tpu.memory_space<hbm>>
        %dma_wait3A_334 = arith.constant 0 : i32
        %dma_wait3A_335 = tpu.memref_slice %arg4[%dma_wait3A_334] : memref<32000000xf32, #tpu.memory_space<hbm>> -> memref<16384xf32, #tpu.memory_space<hbm>>
        tpu.wait_dma2 semaphore(%arg12 : memref<!tpu.dma_semaphore, #tpu.memory_space<semaphore_mem>>) src(%arg8 : memref<16384xf32, #tpu.memory_space<vmem>>) dst(%dma_wait3A_335 : memref<16384xf32, #tpu.memory_space<hbm>>)
      } else {
      }
      %scan3A_296 = arith.constant 0 : i32
      %scan3A_297 = arith.constant 0 : i32
      %scan3A_298 = arith.constant 32 : i32
      %scan3A_299 = arith.addi %scan3A_297, %scan3A_298 : i32
      %scan3A_300 = arith.constant 1 : i32
      %scan3A_301 = scf.for %scan3A_332 = %scan3A_297 to %scan3A_299 step %scan3A_300 iter_args(%scan3A_333 = %scan3A_296) -> (i32)  : i32 {
        %mul3A_334 = arith.constant 16 : i32
        %mul3A_335 = arith.muli %scan3A_332, %mul3A_334 : i32
        %add3A_336 = vector.broadcast %mul3A_335 : i32 to vector<16xi32>
        %add3A_337 = arith.addi %add3A_336, %and3A_7 : vector<16xi32>
        %add3A_338 = vector.broadcast %mul3A_335 : i32 to vector<16xi32>
        %add3A_339 = arith.addi %add3A_338, %and3A_13 : vector<16xi32>
        %add3A_340 = vector.broadcast %mul3A_335 : i32 to vector<16xi32>
        %add3A_341 = arith.addi %add3A_340, %and3A_19 : vector<16xi32>
        %add3A_342 = vector.broadcast %mul3A_335 : i32 to vector<16xi32>
        %add3A_343 = arith.addi %add3A_342, %and3A_25 : vector<16xi32>
        %add3A_344 = vector.broadcast %mul3A_335 : i32 to vector<16xi32>
        %add3A_345 = arith.addi %add3A_344, %and3A_31 : vector<16xi32>
        %add3A_346 = vector.broadcast %mul3A_335 : i32 to vector<16xi32>
        %add3A_347 = arith.addi %add3A_346, %and3A_37 : vector<16xi32>
        %add3A_348 = vector.broadcast %mul3A_335 : i32 to vector<16xi32>
        %add3A_349 = arith.addi %add3A_348, %and3A_43 : vector<16xi32>
        %add3A_350 = vector.broadcast %mul3A_335 : i32 to vector<16xi32>
        %add3A_351 = arith.addi %add3A_350, %and3A_49 : vector<16xi32>
        %add3A_352 = vector.broadcast %mul3A_335 : i32 to vector<16xi32>
        %add3A_353 = arith.addi %add3A_352, %and3A_55 : vector<16xi32>
        %add3A_354 = vector.broadcast %mul3A_335 : i32 to vector<16xi32>
        %add3A_355 = arith.addi %add3A_354, %and3A_61 : vector<16xi32>
        %add3A_356 = vector.broadcast %mul3A_335 : i32 to vector<16xi32>
        %add3A_357 = arith.addi %add3A_356, %and3A_67 : vector<16xi32>
        %add3A_358 = vector.broadcast %mul3A_335 : i32 to vector<16xi32>
        %add3A_359 = arith.addi %add3A_358, %and3A_73 : vector<16xi32>
        %add3A_360 = vector.broadcast %mul3A_335 : i32 to vector<16xi32>
        %add3A_361 = arith.addi %add3A_360, %and3A_79 : vector<16xi32>
        %add3A_362 = vector.broadcast %mul3A_335 : i32 to vector<16xi32>
        %add3A_363 = arith.addi %add3A_362, %and3A_85 : vector<16xi32>
        %add3A_364 = vector.broadcast %mul3A_335 : i32 to vector<16xi32>
        %add3A_365 = arith.addi %add3A_364, %and3A_91 : vector<16xi32>
        %add3A_366 = vector.broadcast %mul3A_335 : i32 to vector<16xi32>
        %add3A_367 = arith.addi %add3A_366, %and3A_97 : vector<16xi32>
        %mul3A_368 = arith.constant 512 : i32
        %mul3A_369 = arith.muli %scan3A_332, %mul3A_368 : i32
        %add3A_370 = arith.constant 0 : i32
        %add3A_371 = arith.addi %mul3A_369, %add3A_370 : i32
        %gather3A = arith.constant 0 : i32
        %gather3A_372 = arith.constant 0 : i32
        %gather3A_373 = tpu.memref_slice %arg6[%gather3A, %gather3A_372] : memref<32x512xf32, #tpu.memory_space<vmem>> -> memref<16x512xf32, #tpu.memory_space<vmem>>
        %gather3A_374 = tpu.vector_load_idx %gather3A_373[%iota3A, %add3A_337] : memref<16x512xf32, #tpu.memory_space<vmem>>[vector<16xi32>, vector<16xi32>], vector<16xf32>,
        %gather3A_375 = arith.constant 0 : i32
        %gather3A_376 = arith.constant 0 : i32
        %gather3A_377 = tpu.memref_slice %arg6[%gather3A_375, %gather3A_376] : memref<32x512xf32, #tpu.memory_space<vmem>> -> memref<16x512xf32, #tpu.memory_space<vmem>>
        %gather3A_378 = tpu.vector_load_idx %gather3A_377[%iota3A, %add3A_339] : memref<16x512xf32, #tpu.memory_space<vmem>>[vector<16xi32>, vector<16xi32>], vector<16xf32>,
        %gather3A_379 = arith.constant 0 : i32
        %gather3A_380 = arith.constant 0 : i32
        %gather3A_381 = tpu.memref_slice %arg6[%gather3A_379, %gather3A_380] : memref<32x512xf32, #tpu.memory_space<vmem>> -> memref<16x512xf32, #tpu.memory_space<vmem>>
        %gather3A_382 = tpu.vector_load_idx %gather3A_381[%iota3A, %add3A_341] : memref<16x512xf32, #tpu.memory_space<vmem>>[vector<16xi32>, vector<16xi32>], vector<16xf32>,
        %gather3A_383 = arith.constant 0 : i32
        %gather3A_384 = arith.constant 0 : i32
        %gather3A_385 = tpu.memref_slice %arg6[%gather3A_383, %gather3A_384] : memref<32x512xf32, #tpu.memory_space<vmem>> -> memref<16x512xf32, #tpu.memory_space<vmem>>
        %gather3A_386 = tpu.vector_load_idx %gather3A_385[%iota3A, %add3A_343] : memref<16x512xf32, #tpu.memory_space<vmem>>[vector<16xi32>, vector<16xi32>], vector<16xf32>,
        %gather3A_387 = arith.constant 0 : i32
        %gather3A_388 = arith.constant 0 : i32
        %gather3A_389 = tpu.memref_slice %arg6[%gather3A_387, %gather3A_388] : memref<32x512xf32, #tpu.memory_space<vmem>> -> memref<16x512xf32, #tpu.memory_space<vmem>>
        %gather3A_390 = tpu.vector_load_idx %gather3A_389[%iota3A, %add3A_345] : memref<16x512xf32, #tpu.memory_space<vmem>>[vector<16xi32>, vector<16xi32>], vector<16xf32>,
        %gather3A_391 = arith.constant 0 : i32
        %gather3A_392 = arith.constant 0 : i32
        %gather3A_393 = tpu.memref_slice %arg6[%gather3A_391, %gather3A_392] : memref<32x512xf32, #tpu.memory_space<vmem>> -> memref<16x512xf32, #tpu.memory_space<vmem>>
        %gather3A_394 = tpu.vector_load_idx %gather3A_393[%iota3A, %add3A_347] : memref<16x512xf32, #tpu.memory_space<vmem>>[vector<16xi32>, vector<16xi32>], vector<16xf32>,
        %gather3A_395 = arith.constant 0 : i32
        %gather3A_396 = arith.constant 0 : i32
        %gather3A_397 = tpu.memref_slice %arg6[%gather3A_395, %gather3A_396] : memref<32x512xf32, #tpu.memory_space<vmem>> -> memref<16x512xf32, #tpu.memory_space<vmem>>
        %gather3A_398 = tpu.vector_load_idx %gather3A_397[%iota3A, %add3A_349] : memref<16x512xf32, #tpu.memory_space<vmem>>[vector<16xi32>, vector<16xi32>], vector<16xf32>,
        %gather3A_399 = arith.constant 0 : i32
        %gather3A_400 = arith.constant 0 : i32
        %gather3A_401 = tpu.memref_slice %arg6[%gather3A_399, %gather3A_400] : memref<32x512xf32, #tpu.memory_space<vmem>> -> memref<16x512xf32, #tpu.memory_space<vmem>>
        %gather3A_402 = tpu.vector_load_idx %gather3A_401[%iota3A, %add3A_351] : memref<16x512xf32, #tpu.memory_space<vmem>>[vector<16xi32>, vector<16xi32>], vector<16xf32>,
        %scatter3A = tpu.memref_slice %arg8[%add3A_371] : memref<16384xf32, #tpu.memory_space<vmem>> -> memref<496xf32, #tpu.memory_space<vmem>>
        tpu.vector_store_idx %scatter3A[%add3A_101], %gather3A_374 : memref<496xf32, #tpu.memory_space<vmem>>[vector<16xi32>], vector<16xf32>,
        %scatter3A_403 = tpu.memref_slice %arg8[%add3A_371] : memref<16384xf32, #tpu.memory_space<vmem>> -> memref<496xf32, #tpu.memory_space<vmem>>
        tpu.vector_store_idx %scatter3A_403[%add3A_105], %gather3A_378 : memref<496xf32, #tpu.memory_space<vmem>>[vector<16xi32>], vector<16xf32>,
        %scatter3A_404 = tpu.memref_slice %arg8[%add3A_371] : memref<16384xf32, #tpu.memory_space<vmem>> -> memref<496xf32, #tpu.memory_space<vmem>>
        tpu.vector_store_idx %scatter3A_404[%add3A_109], %gather3A_382 : memref<496xf32, #tpu.memory_space<vmem>>[vector<16xi32>], vector<16xf32>,
        %scatter3A_405 = tpu.memref_slice %arg8[%add3A_371] : memref<16384xf32, #tpu.memory_space<vmem>> -> memref<496xf32, #tpu.memory_space<vmem>>
        tpu.vector_store_idx %scatter3A_405[%add3A_113], %gather3A_386 : memref<496xf32, #tpu.memory_space<vmem>>[vector<16xi32>], vector<16xf32>,
        %scatter3A_406 = tpu.memref_slice %arg8[%add3A_371] : memref<16384xf32, #tpu.memory_space<vmem>> -> memref<496xf32, #tpu.memory_space<vmem>>
        tpu.vector_store_idx %scatter3A_406[%add3A_117], %gather3A_390 : memref<496xf32, #tpu.memory_space<vmem>>[vector<16xi32>], vector<16xf32>,
        %scatter3A_407 = tpu.memref_slice %arg8[%add3A_371] : memref<16384xf32, #tpu.memory_space<vmem>> -> memref<496xf32, #tpu.memory_space<vmem>>
        tpu.vector_store_idx %scatter3A_407[%add3A_121], %gather3A_394 : memref<496xf32, #tpu.memory_space<vmem>>[vector<16xi32>], vector<16xf32>,
        %scatter3A_408 = tpu.memref_slice %arg8[%add3A_371] : memref<16384xf32, #tpu.memory_space<vmem>> -> memref<496xf32, #tpu.memory_space<vmem>>
        tpu.vector_store_idx %scatter3A_408[%add3A_125], %gather3A_398 : memref<496xf32, #tpu.memory_space<vmem>>[vector<16xi32>], vector<16xf32>,
        %scatter3A_409 = tpu.memref_slice %arg8[%add3A_371] : memref<16384xf32, #tpu.memory_space<vmem>> -> memref<496xf32, #tpu.memory_space<vmem>>
        tpu.vector_store_idx %scatter3A_409[%add3A_129], %gather3A_402 : memref<496xf32, #tpu.memory_space<vmem>>[vector<16xi32>], vector<16xf32>,
        %gather3A_410 = arith.constant 0 : i32
        %gather3A_411 = arith.constant 0 : i32
        %gather3A_412 = tpu.memref_slice %arg6[%gather3A_410, %gather3A_411] : memref<32x512xf32, #tpu.memory_space<vmem>> -> memref<16x512xf32, #tpu.memory_space<vmem>>
        %gather3A_413 = tpu.vector_load_idx %gather3A_412[%iota3A, %add3A_353] : memref<16x512xf32, #tpu.memory_space<vmem>>[vector<16xi32>, vector<16xi32>], vector<16xf32>,
        %gather3A_414 = arith.constant 0 : i32
        %gather3A_415 = arith.constant 0 : i32
        %gather3A_416 = tpu.memref_slice %arg6[%gather3A_414, %gather3A_415] : memref<32x512xf32, #tpu.memory_space<vmem>> -> memref<16x512xf32, #tpu.memory_space<vmem>>
        %gather3A_417 = tpu.vector_load_idx %gather3A_416[%iota3A, %add3A_355] : memref<16x512xf32, #tpu.memory_space<vmem>>[vector<16xi32>, vector<16xi32>], vector<16xf32>,
        %gather3A_418 = arith.constant 0 : i32
        %gather3A_419 = arith.constant 0 : i32
        %gather3A_420 = tpu.memref_slice %arg6[%gather3A_418, %gather3A_419] : memref<32x512xf32, #tpu.memory_space<vmem>> -> memref<16x512xf32, #tpu.memory_space<vmem>>
        %gather3A_421 = tpu.vector_load_idx %gather3A_420[%iota3A, %add3A_357] : memref<16x512xf32, #tpu.memory_space<vmem>>[vector<16xi32>, vector<16xi32>], vector<16xf32>,
        %gather3A_422 = arith.constant 0 : i32
        %gather3A_423 = arith.constant 0 : i32
        %gather3A_424 = tpu.memref_slice %arg6[%gather3A_422, %gather3A_423] : memref<32x512xf32, #tpu.memory_space<vmem>> -> memref<16x512xf32, #tpu.memory_space<vmem>>
        %gather3A_425 = tpu.vector_load_idx %gather3A_424[%iota3A, %add3A_359] : memref<16x512xf32, #tpu.memory_space<vmem>>[vector<16xi32>, vector<16xi32>], vector<16xf32>,
        %gather3A_426 = arith.constant 0 : i32
        %gather3A_427 = arith.constant 0 : i32
        %gather3A_428 = tpu.memref_slice %arg6[%gather3A_426, %gather3A_427] : memref<32x512xf32, #tpu.memory_space<vmem>> -> memref<16x512xf32, #tpu.memory_space<vmem>>
        %gather3A_429 = tpu.vector_load_idx %gather3A_428[%iota3A, %add3A_361] : memref<16x512xf32, #tpu.memory_space<vmem>>[vector<16xi32>, vector<16xi32>], vector<16xf32>,
        %gather3A_430 = arith.constant 0 : i32
        %gather3A_431 = arith.constant 0 : i32
        %gather3A_432 = tpu.memref_slice %arg6[%gather3A_430, %gather3A_431] : memref<32x512xf32, #tpu.memory_space<vmem>> -> memref<16x512xf32, #tpu.memory_space<vmem>>
        %gather3A_433 = tpu.vector_load_idx %gather3A_432[%iota3A, %add3A_363] : memref<16x512xf32, #tpu.memory_space<vmem>>[vector<16xi32>, vector<16xi32>], vector<16xf32>,
        %gather3A_434 = arith.constant 0 : i32
        %gather3A_435 = arith.constant 0 : i32
        %gather3A_436 = tpu.memref_slice %arg6[%gather3A_434, %gather3A_435] : memref<32x512xf32, #tpu.memory_space<vmem>> -> memref<16x512xf32, #tpu.memory_space<vmem>>
        %gather3A_437 = tpu.vector_load_idx %gather3A_436[%iota3A, %add3A_365] : memref<16x512xf32, #tpu.memory_space<vmem>>[vector<16xi32>, vector<16xi32>], vector<16xf32>,
        %gather3A_438 = arith.constant 0 : i32
        %gather3A_439 = arith.constant 0 : i32
        %gather3A_440 = tpu.memref_slice %arg6[%gather3A_438, %gather3A_439] : memref<32x512xf32, #tpu.memory_space<vmem>> -> memref<16x512xf32, #tpu.memory_space<vmem>>
        %gather3A_441 = tpu.vector_load_idx %gather3A_440[%iota3A, %add3A_367] : memref<16x512xf32, #tpu.memory_space<vmem>>[vector<16xi32>, vector<16xi32>], vector<16xf32>,
        %scatter3A_442 = tpu.memref_slice %arg8[%add3A_371] : memref<16384xf32, #tpu.memory_space<vmem>> -> memref<496xf32, #tpu.memory_space<vmem>>
        tpu.vector_store_idx %scatter3A_442[%add3A_133], %gather3A_413 : memref<496xf32, #tpu.memory_space<vmem>>[vector<16xi32>], vector<16xf32>,
        %scatter3A_443 = tpu.memref_slice %arg8[%add3A_371] : memref<16384xf32, #tpu.memory_space<vmem>> -> memref<496xf32, #tpu.memory_space<vmem>>
        tpu.vector_store_idx %scatter3A_443[%add3A_137], %gather3A_417 : memref<496xf32, #tpu.memory_space<vmem>>[vector<16xi32>], vector<16xf32>,
        %scatter3A_444 = tpu.memref_slice %arg8[%add3A_371] : memref<16384xf32, #tpu.memory_space<vmem>> -> memref<496xf32, #tpu.memory_space<vmem>>
        tpu.vector_store_idx %scatter3A_444[%add3A_141], %gather3A_421 : memref<496xf32, #tpu.memory_space<vmem>>[vector<16xi32>], vector<16xf32>,
        %scatter3A_445 = tpu.memref_slice %arg8[%add3A_371] : memref<16384xf32, #tpu.memory_space<vmem>> -> memref<496xf32, #tpu.memory_space<vmem>>
        tpu.vector_store_idx %scatter3A_445[%add3A_145], %gather3A_425 : memref<496xf32, #tpu.memory_space<vmem>>[vector<16xi32>], vector<16xf32>,
        %scatter3A_446 = tpu.memref_slice %arg8[%add3A_371] : memref<16384xf32, #tpu.memory_space<vmem>> -> memref<496xf32, #tpu.memory_space<vmem>>
        tpu.vector_store_idx %scatter3A_446[%add3A_149], %gather3A_429 : memref<496xf32, #tpu.memory_space<vmem>>[vector<16xi32>], vector<16xf32>,
        %scatter3A_447 = tpu.memref_slice %arg8[%add3A_371] : memref<16384xf32, #tpu.memory_space<vmem>> -> memref<496xf32, #tpu.memory_space<vmem>>
        tpu.vector_store_idx %scatter3A_447[%add3A_153], %gather3A_433 : memref<496xf32, #tpu.memory_space<vmem>>[vector<16xi32>], vector<16xf32>,
        %scatter3A_448 = tpu.memref_slice %arg8[%add3A_371] : memref<16384xf32, #tpu.memory_space<vmem>> -> memref<496xf32, #tpu.memory_space<vmem>>
        tpu.vector_store_idx %scatter3A_448[%add3A_157], %gather3A_437 : memref<496xf32, #tpu.memory_space<vmem>>[vector<16xi32>], vector<16xf32>,
        %scatter3A_449 = tpu.memref_slice %arg8[%add3A_371] : memref<16384xf32, #tpu.memory_space<vmem>> -> memref<496xf32, #tpu.memory_space<vmem>>
        tpu.vector_store_idx %scatter3A_449[%add3A_161], %gather3A_441 : memref<496xf32, #tpu.memory_space<vmem>>[vector<16xi32>], vector<16xf32>,
        %mul3A_450 = arith.constant 512 : i32
        %mul3A_451 = arith.muli %scan3A_332, %mul3A_450 : i32
        %add3A_452 = arith.constant 16 : i32
        %add3A_453 = arith.addi %mul3A_451, %add3A_452 : i32
        %gather3A_454 = arith.constant 16 : i32
        %gather3A_455 = arith.constant 0 : i32
        %gather3A_456 = tpu.memref_slice %arg6[%gather3A_454, %gather3A_455] : memref<32x512xf32, #tpu.memory_space<vmem>> -> memref<16x512xf32, #tpu.memory_space<vmem>>
        %gather3A_457 = tpu.vector_load_idx %gather3A_456[%iota3A, %add3A_337] : memref<16x512xf32, #tpu.memory_space<vmem>>[vector<16xi32>, vector<16xi32>], vector<16xf32>,
        %gather3A_458 = arith.constant 16 : i32
        %gather3A_459 = arith.constant 0 : i32
        %gather3A_460 = tpu.memref_slice %arg6[%gather3A_458, %gather3A_459] : memref<32x512xf32, #tpu.memory_space<vmem>> -> memref<16x512xf32, #tpu.memory_space<vmem>>
        %gather3A_461 = tpu.vector_load_idx %gather3A_460[%iota3A, %add3A_339] : memref<16x512xf32, #tpu.memory_space<vmem>>[vector<16xi32>, vector<16xi32>], vector<16xf32>,
        %gather3A_462 = arith.constant 16 : i32
        %gather3A_463 = arith.constant 0 : i32
        %gather3A_464 = tpu.memref_slice %arg6[%gather3A_462, %gather3A_463] : memref<32x512xf32, #tpu.memory_space<vmem>> -> memref<16x512xf32, #tpu.memory_space<vmem>>
        %gather3A_465 = tpu.vector_load_idx %gather3A_464[%iota3A, %add3A_341] : memref<16x512xf32, #tpu.memory_space<vmem>>[vector<16xi32>, vector<16xi32>], vector<16xf32>,
        %gather3A_466 = arith.constant 16 : i32
        %gather3A_467 = arith.constant 0 : i32
        %gather3A_468 = tpu.memref_slice %arg6[%gather3A_466, %gather3A_467] : memref<32x512xf32, #tpu.memory_space<vmem>> -> memref<16x512xf32, #tpu.memory_space<vmem>>
        %gather3A_469 = tpu.vector_load_idx %gather3A_468[%iota3A, %add3A_343] : memref<16x512xf32, #tpu.memory_space<vmem>>[vector<16xi32>, vector<16xi32>], vector<16xf32>,
        %gather3A_470 = arith.constant 16 : i32
        %gather3A_471 = arith.constant 0 : i32
        %gather3A_472 = tpu.memref_slice %arg6[%gather3A_470, %gather3A_471] : memref<32x512xf32, #tpu.memory_space<vmem>> -> memref<16x512xf32, #tpu.memory_space<vmem>>
        %gather3A_473 = tpu.vector_load_idx %gather3A_472[%iota3A, %add3A_345] : memref<16x512xf32, #tpu.memory_space<vmem>>[vector<16xi32>, vector<16xi32>], vector<16xf32>,
        %gather3A_474 = arith.constant 16 : i32
        %gather3A_475 = arith.constant 0 : i32
        %gather3A_476 = tpu.memref_slice %arg6[%gather3A_474, %gather3A_475] : memref<32x512xf32, #tpu.memory_space<vmem>> -> memref<16x512xf32, #tpu.memory_space<vmem>>
        %gather3A_477 = tpu.vector_load_idx %gather3A_476[%iota3A, %add3A_347] : memref<16x512xf32, #tpu.memory_space<vmem>>[vector<16xi32>, vector<16xi32>], vector<16xf32>,
        %gather3A_478 = arith.constant 16 : i32
        %gather3A_479 = arith.constant 0 : i32
        %gather3A_480 = tpu.memref_slice %arg6[%gather3A_478, %gather3A_479] : memref<32x512xf32, #tpu.memory_space<vmem>> -> memref<16x512xf32, #tpu.memory_space<vmem>>
        %gather3A_481 = tpu.vector_load_idx %gather3A_480[%iota3A, %add3A_349] : memref<16x512xf32, #tpu.memory_space<vmem>>[vector<16xi32>, vector<16xi32>], vector<16xf32>,
        %gather3A_482 = arith.constant 16 : i32
        %gather3A_483 = arith.constant 0 : i32
        %gather3A_484 = tpu.memref_slice %arg6[%gather3A_482, %gather3A_483] : memref<32x512xf32, #tpu.memory_space<vmem>> -> memref<16x512xf32, #tpu.memory_space<vmem>>
        %gather3A_485 = tpu.vector_load_idx %gather3A_484[%iota3A, %add3A_351] : memref<16x512xf32, #tpu.memory_space<vmem>>[vector<16xi32>, vector<16xi32>], vector<16xf32>,
        %scatter3A_486 = tpu.memref_slice %arg8[%add3A_453] : memref<16384xf32, #tpu.memory_space<vmem>> -> memref<496xf32, #tpu.memory_space<vmem>>
        tpu.vector_store_idx %scatter3A_486[%add3A_101], %gather3A_457 : memref<496xf32, #tpu.memory_space<vmem>>[vector<16xi32>], vector<16xf32>,
        %scatter3A_487 = tpu.memref_slice %arg8[%add3A_453] : memref<16384xf32, #tpu.memory_space<vmem>> -> memref<496xf32, #tpu.memory_space<vmem>>
        tpu.vector_store_idx %scatter3A_487[%add3A_105], %gather3A_461 : memref<496xf32, #tpu.memory_space<vmem>>[vector<16xi32>], vector<16xf32>,
        %scatter3A_488 = tpu.memref_slice %arg8[%add3A_453] : memref<16384xf32, #tpu.memory_space<vmem>> -> memref<496xf32, #tpu.memory_space<vmem>>
        tpu.vector_store_idx %scatter3A_488[%add3A_109], %gather3A_465 : memref<496xf32, #tpu.memory_space<vmem>>[vector<16xi32>], vector<16xf32>,
        %scatter3A_489 = tpu.memref_slice %arg8[%add3A_453] : memref<16384xf32, #tpu.memory_space<vmem>> -> memref<496xf32, #tpu.memory_space<vmem>>
        tpu.vector_store_idx %scatter3A_489[%add3A_113], %gather3A_469 : memref<496xf32, #tpu.memory_space<vmem>>[vector<16xi32>], vector<16xf32>,
        %scatter3A_490 = tpu.memref_slice %arg8[%add3A_453] : memref<16384xf32, #tpu.memory_space<vmem>> -> memref<496xf32, #tpu.memory_space<vmem>>
        tpu.vector_store_idx %scatter3A_490[%add3A_117], %gather3A_473 : memref<496xf32, #tpu.memory_space<vmem>>[vector<16xi32>], vector<16xf32>,
        %scatter3A_491 = tpu.memref_slice %arg8[%add3A_453] : memref<16384xf32, #tpu.memory_space<vmem>> -> memref<496xf32, #tpu.memory_space<vmem>>
        tpu.vector_store_idx %scatter3A_491[%add3A_121], %gather3A_477 : memref<496xf32, #tpu.memory_space<vmem>>[vector<16xi32>], vector<16xf32>,
        %scatter3A_492 = tpu.memref_slice %arg8[%add3A_453] : memref<16384xf32, #tpu.memory_space<vmem>> -> memref<496xf32, #tpu.memory_space<vmem>>
        tpu.vector_store_idx %scatter3A_492[%add3A_125], %gather3A_481 : memref<496xf32, #tpu.memory_space<vmem>>[vector<16xi32>], vector<16xf32>,
        %scatter3A_493 = tpu.memref_slice %arg8[%add3A_453] : memref<16384xf32, #tpu.memory_space<vmem>> -> memref<496xf32, #tpu.memory_space<vmem>>
        tpu.vector_store_idx %scatter3A_493[%add3A_129], %gather3A_485 : memref<496xf32, #tpu.memory_space<vmem>>[vector<16xi32>], vector<16xf32>,
        %gather3A_494 = arith.constant 16 : i32
        %gather3A_495 = arith.constant 0 : i32
        %gather3A_496 = tpu.memref_slice %arg6[%gather3A_494, %gather3A_495] : memref<32x512xf32, #tpu.memory_space<vmem>> -> memref<16x512xf32, #tpu.memory_space<vmem>>
        %gather3A_497 = tpu.vector_load_idx %gather3A_496[%iota3A, %add3A_353] : memref<16x512xf32, #tpu.memory_space<vmem>>[vector<16xi32>, vector<16xi32>], vector<16xf32>,
        %gather3A_498 = arith.constant 16 : i32
        %gather3A_499 = arith.constant 0 : i32
        %gather3A_500 = tpu.memref_slice %arg6[%gather3A_498, %gather3A_499] : memref<32x512xf32, #tpu.memory_space<vmem>> -> memref<16x512xf32, #tpu.memory_space<vmem>>
        %gather3A_501 = tpu.vector_load_idx %gather3A_500[%iota3A, %add3A_355] : memref<16x512xf32, #tpu.memory_space<vmem>>[vector<16xi32>, vector<16xi32>], vector<16xf32>,
        %gather3A_502 = arith.constant 16 : i32
        %gather3A_503 = arith.constant 0 : i32
        %gather3A_504 = tpu.memref_slice %arg6[%gather3A_502, %gather3A_503] : memref<32x512xf32, #tpu.memory_space<vmem>> -> memref<16x512xf32, #tpu.memory_space<vmem>>
        %gather3A_505 = tpu.vector_load_idx %gather3A_504[%iota3A, %add3A_357] : memref<16x512xf32, #tpu.memory_space<vmem>>[vector<16xi32>, vector<16xi32>], vector<16xf32>,
        %gather3A_506 = arith.constant 16 : i32
        %gather3A_507 = arith.constant 0 : i32
        %gather3A_508 = tpu.memref_slice %arg6[%gather3A_506, %gather3A_507] : memref<32x512xf32, #tpu.memory_space<vmem>> -> memref<16x512xf32, #tpu.memory_space<vmem>>
        %gather3A_509 = tpu.vector_load_idx %gather3A_508[%iota3A, %add3A_359] : memref<16x512xf32, #tpu.memory_space<vmem>>[vector<16xi32>, vector<16xi32>], vector<16xf32>,
        %gather3A_510 = arith.constant 16 : i32
        %gather3A_511 = arith.constant 0 : i32
        %gather3A_512 = tpu.memref_slice %arg6[%gather3A_510, %gather3A_511] : memref<32x512xf32, #tpu.memory_space<vmem>> -> memref<16x512xf32, #tpu.memory_space<vmem>>
        %gather3A_513 = tpu.vector_load_idx %gather3A_512[%iota3A, %add3A_361] : memref<16x512xf32, #tpu.memory_space<vmem>>[vector<16xi32>, vector<16xi32>], vector<16xf32>,
        %gather3A_514 = arith.constant 16 : i32
        %gather3A_515 = arith.constant 0 : i32
        %gather3A_516 = tpu.memref_slice %arg6[%gather3A_514, %gather3A_515] : memref<32x512xf32, #tpu.memory_space<vmem>> -> memref<16x512xf32, #tpu.memory_space<vmem>>
        %gather3A_517 = tpu.vector_load_idx %gather3A_516[%iota3A, %add3A_363] : memref<16x512xf32, #tpu.memory_space<vmem>>[vector<16xi32>, vector<16xi32>], vector<16xf32>,
        %gather3A_518 = arith.constant 16 : i32
        %gather3A_519 = arith.constant 0 : i32
        %gather3A_520 = tpu.memref_slice %arg6[%gather3A_518, %gather3A_519] : memref<32x512xf32, #tpu.memory_space<vmem>> -> memref<16x512xf32, #tpu.memory_space<vmem>>
        %gather3A_521 = tpu.vector_load_idx %gather3A_520[%iota3A, %add3A_365] : memref<16x512xf32, #tpu.memory_space<vmem>>[vector<16xi32>, vector<16xi32>], vector<16xf32>,
        %gather3A_522 = arith.constant 16 : i32
        %gather3A_523 = arith.constant 0 : i32
        %gather3A_524 = tpu.memref_slice %arg6[%gather3A_522, %gather3A_523] : memref<32x512xf32, #tpu.memory_space<vmem>> -> memref<16x512xf32, #tpu.memory_space<vmem>>
        %gather3A_525 = tpu.vector_load_idx %gather3A_524[%iota3A, %add3A_367] : memref<16x512xf32, #tpu.memory_space<vmem>>[vector<16xi32>, vector<16xi32>], vector<16xf32>,
        %scatter3A_526 = tpu.memref_slice %arg8[%add3A_453] : memref<16384xf32, #tpu.memory_space<vmem>> -> memref<496xf32, #tpu.memory_space<vmem>>
        tpu.vector_store_idx %scatter3A_526[%add3A_133], %gather3A_497 : memref<496xf32, #tpu.memory_space<vmem>>[vector<16xi32>], vector<16xf32>,
        %scatter3A_527 = tpu.memref_slice %arg8[%add3A_453] : memref<16384xf32, #tpu.memory_space<vmem>> -> memref<496xf32, #tpu.memory_space<vmem>>
        tpu.vector_store_idx %scatter3A_527[%add3A_137], %gather3A_501 : memref<496xf32, #tpu.memory_space<vmem>>[vector<16xi32>], vector<16xf32>,
        %scatter3A_528 = tpu.memref_slice %arg8[%add3A_453] : memref<16384xf32, #tpu.memory_space<vmem>> -> memref<496xf32, #tpu.memory_space<vmem>>
        tpu.vector_store_idx %scatter3A_528[%add3A_141], %gather3A_505 : memref<496xf32, #tpu.memory_space<vmem>>[vector<16xi32>], vector<16xf32>,
        %scatter3A_529 = tpu.memref_slice %arg8[%add3A_453] : memref<16384xf32, #tpu.memory_space<vmem>> -> memref<496xf32, #tpu.memory_space<vmem>>
        tpu.vector_store_idx %scatter3A_529[%add3A_145], %gather3A_509 : memref<496xf32, #tpu.memory_space<vmem>>[vector<16xi32>], vector<16xf32>,
        %scatter3A_530 = tpu.memref_slice %arg8[%add3A_453] : memref<16384xf32, #tpu.memory_space<vmem>> -> memref<496xf32, #tpu.memory_space<vmem>>
        tpu.vector_store_idx %scatter3A_530[%add3A_149], %gather3A_513 : memref<496xf32, #tpu.memory_space<vmem>>[vector<16xi32>], vector<16xf32>,
        %scatter3A_531 = tpu.memref_slice %arg8[%add3A_453] : memref<16384xf32, #tpu.memory_space<vmem>> -> memref<496xf32, #tpu.memory_space<vmem>>
        tpu.vector_store_idx %scatter3A_531[%add3A_153], %gather3A_517 : memref<496xf32, #tpu.memory_space<vmem>>[vector<16xi32>], vector<16xf32>,
        %scatter3A_532 = tpu.memref_slice %arg8[%add3A_453] : memref<16384xf32, #tpu.memory_space<vmem>> -> memref<496xf32, #tpu.memory_space<vmem>>
        tpu.vector_store_idx %scatter3A_532[%add3A_157], %gather3A_521 : memref<496xf32, #tpu.memory_space<vmem>>[vector<16xi32>], vector<16xf32>,
        %scatter3A_533 = tpu.memref_slice %arg8[%add3A_453] : memref<16384xf32, #tpu.memory_space<vmem>> -> memref<496xf32, #tpu.memory_space<vmem>>
        tpu.vector_store_idx %scatter3A_533[%add3A_161], %gather3A_525 : memref<496xf32, #tpu.memory_space<vmem>>[vector<16xi32>], vector<16xf32>,
        %scan3A_534 = arith.constant 0 : i32
        scf.yield %scan3A_534 : i32
      }
      %scan3A_302 = arith.constant 32 : i32
      %add3A_303 = arith.constant 1 : i32
      %add3A_304 = arith.addi %mul3A_242, %add3A_303 : i32
      %sub3A_305 = arith.constant 1 : i32
      %sub3A_306 = arith.subi %select_n3A, %sub3A_305 : i32
      %min3A_307 = arith.minsi %add3A_304, %sub3A_306 : i32
      %mul3A_308 = arith.constant 32 : i32
      %mul3A_309 = arith.muli %min3A_307, %mul3A_308 : i32
      %add3A_310 = arith.addi %add3A, %mul3A_309 : i32
      %mul3A_311 = arith.constant 512 : i32
      %mul3A_312 = arith.muli %add3A_310, %mul3A_311 : i32
      %mul3A_313 = arith.constant 32 : i32
      %mul3A_314 = arith.muli %mul3A_312, %mul3A_313 : i32
      %dma_start3A_315 = tpu.memref_slice %arg4[%mul3A_314] : memref<32000000xf32, #tpu.memory_space<hbm>> -> memref<16384xf32, #tpu.memory_space<hbm>>
      %dma_start3A_316 = tpu.memref_slice %arg4[%mul3A_314] : memref<32000000xf32, #tpu.memory_space<hbm>> -> memref<16384xf32, #tpu.memory_space<hbm>>
      tpu.enqueue_dma source(%arg8 : memref<16384xf32, #tpu.memory_space<vmem>>) target(%dma_start3A_316 : memref<16384xf32, #tpu.memory_space<hbm>>) target_semaphore(%arg12 : memref<!tpu.dma_semaphore, #tpu.memory_space<semaphore_mem>>)
      %add3A_317 = arith.constant 3 : i32
      %add3A_318 = arith.addi %mul3A_242, %add3A_317 : i32
      %sub3A_319 = arith.constant 1 : i32
      %sub3A_320 = arith.subi %select_n3A, %sub3A_319 : i32
      %min3A_321 = arith.minsi %add3A_318, %sub3A_320 : i32
      %mul3A_322 = arith.constant 32 : i32
      %mul3A_323 = arith.muli %min3A_321, %mul3A_322 : i32
      %add3A_324 = arith.addi %add3A, %mul3A_323 : i32
      %mul3A_325 = arith.constant 512 : i32
      %mul3A_326 = arith.muli %add3A_324, %mul3A_325 : i32
      %dma_start3A_327 = arith.constant 0 : i32
      %dma_start3A_328 = tpu.memref_slice %arg2[%dma_start3A_327, %mul3A_326] : memref<32x1000000xf32, #tpu.memory_space<hbm>> -> memref<32x512xf32, #tpu.memory_space<hbm>>
      %dma_start3A_329 = arith.constant 0 : i32
      %dma_start3A_330 = tpu.memref_slice %arg2[%dma_start3A_329, %mul3A_326] : memref<32x1000000xf32, #tpu.memory_space<hbm>> -> memref<32x512xf32, #tpu.memory_space<hbm>>
      tpu.enqueue_dma source(%dma_start3A_330 : memref<32x512xf32, #tpu.memory_space<hbm>>) target(%arg6 : memref<32x512xf32, #tpu.memory_space<vmem>>) target_semaphore(%arg10 : memref<!tpu.dma_semaphore, #tpu.memory_space<semaphore_mem>>)
      %while3A_331 = arith.constant 0 : i32
      scf.yield %while3A_331 : i32
    }
    %while3A_216 = arith.constant 1 : i32
    %while3A_217 = scf.for %while3A_239 = %while3A_213 to %while3A_209 step %while3A_216 iter_args(%while3A_240 = %while3A_215) -> (i32)  : i32 {
      %mul3A_241 = arith.constant 2 : i32
      %mul3A_242 = arith.muli %mul3A_241, %while3A_239 : i32
      %dma_wait3A_243 = arith.constant 0 : i32
      %dma_wait3A_244 = arith.constant 0 : i32
      %dma_wait3A_245 = tpu.memref_slice %arg2[%dma_wait3A_243, %dma_wait3A_244] : memref<32x1000000xf32, #tpu.memory_space<hbm>> -> memref<32x512xf32, #tpu.memory_space<hbm>>
      %dma_wait3A_246 = arith.constant 0 : i32
      %dma_wait3A_247 = arith.constant 0 : i32
      %dma_wait3A_248 = tpu.memref_slice %arg2[%dma_wait3A_246, %dma_wait3A_247] : memref<32x1000000xf32, #tpu.memory_space<hbm>> -> memref<32x512xf32, #tpu.memory_space<hbm>>
      tpu.wait_dma2 semaphore(%arg9 : memref<!tpu.dma_semaphore, #tpu.memory_space<semaphore_mem>>) src(%dma_wait3A_248 : memref<32x512xf32, #tpu.memory_space<hbm>>) dst(%arg5 : memref<32x512xf32, #tpu.memory_space<vmem>>)
      %gt3A = arith.constant 0 : i32
      %gt3A_249 = arith.cmpi sgt, %while3A_239, %gt3A : i32
      %convert_element_type3A_250 = arith.extui %gt3A_249 : i1 to i32
      %cond3A_251 = arith.constant 0 : i32
      %cond3A_252 = arith.cmpi ne, %convert_element_type3A_250, %cond3A_251 : i32
      scf.if %cond3A_252 {
        %dma_wait3A_332 = arith.constant 0 : i32
        %dma_wait3A_333 = tpu.memref_slice %arg4[%dma_wait3A_332] : memref<32000000xf32, #tpu.memory_space<hbm>> -> memref<16384xf32, #tpu.memory_space<hbm>>
        %dma_wait3A_334 = arith.constant 0 : i32
        %dma_wait3A_335 = tpu.memref_slice %arg4[%dma_wait3A_334] : memref<32000000xf32, #tpu.memory_space<hbm>> -> memref<16384xf32, #tpu.memory_space<hbm>>
        tpu.wait_dma2 semaphore(%arg11 : memref<!tpu.dma_semaphore, #tpu.memory_space<semaphore_mem>>) src(%arg7 : memref<16384xf32, #tpu.memory_space<vmem>>) dst(%dma_wait3A_335 : memref<16384xf32, #tpu.memory_space<hbm>>)
      } else {
      }
      %scan3A = arith.constant 0 : i32
      %scan3A_253 = arith.constant 0 : i32
      %scan3A_254 = arith.constant 32 : i32
      %scan3A_255 = arith.addi %scan3A_253, %scan3A_254 : i32
      %scan3A_256 = arith.constant 1 : i32
      %scan3A_257 = scf.for %scan3A_332 = %scan3A_253 to %scan3A_255 step %scan3A_256 iter_args(%scan3A_333 = %scan3A) -> (i32)  : i32 {
        %mul3A_334 = arith.constant 16 : i32
        %mul3A_335 = arith.muli %scan3A_332, %mul3A_334 : i32
        %add3A_336 = vector.broadcast %mul3A_335 : i32 to vector<16xi32>
        %add3A_337 = arith.addi %add3A_336, %and3A_7 : vector<16xi32>
        %add3A_338 = vector.broadcast %mul3A_335 : i32 to vector<16xi32>
        %add3A_339 = arith.addi %add3A_338, %and3A_13 : vector<16xi32>
        %add3A_340 = vector.broadcast %mul3A_335 : i32 to vector<16xi32>
        %add3A_341 = arith.addi %add3A_340, %and3A_19 : vector<16xi32>
        %add3A_342 = vector.broadcast %mul3A_335 : i32 to vector<16xi32>
        %add3A_343 = arith.addi %add3A_342, %and3A_25 : vector<16xi32>
        %add3A_344 = vector.broadcast %mul3A_335 : i32 to vector<16xi32>
        %add3A_345 = arith.addi %add3A_344, %and3A_31 : vector<16xi32>
        %add3A_346 = vector.broadcast %mul3A_335 : i32 to vector<16xi32>
        %add3A_347 = arith.addi %add3A_346, %and3A_37 : vector<16xi32>
        %add3A_348 = vector.broadcast %mul3A_335 : i32 to vector<16xi32>
        %add3A_349 = arith.addi %add3A_348, %and3A_43 : vector<16xi32>
        %add3A_350 = vector.broadcast %mul3A_335 : i32 to vector<16xi32>
        %add3A_351 = arith.addi %add3A_350, %and3A_49 : vector<16xi32>
        %add3A_352 = vector.broadcast %mul3A_335 : i32 to vector<16xi32>
        %add3A_353 = arith.addi %add3A_352, %and3A_55 : vector<16xi32>
        %add3A_354 = vector.broadcast %mul3A_335 : i32 to vector<16xi32>
        %add3A_355 = arith.addi %add3A_354, %and3A_61 : vector<16xi32>
        %add3A_356 = vector.broadcast %mul3A_335 : i32 to vector<16xi32>
        %add3A_357 = arith.addi %add3A_356, %and3A_67 : vector<16xi32>
        %add3A_358 = vector.broadcast %mul3A_335 : i32 to vector<16xi32>
        %add3A_359 = arith.addi %add3A_358, %and3A_73 : vector<16xi32>
        %add3A_360 = vector.broadcast %mul3A_335 : i32 to vector<16xi32>
        %add3A_361 = arith.addi %add3A_360, %and3A_79 : vector<16xi32>
        %add3A_362 = vector.broadcast %mul3A_335 : i32 to vector<16xi32>
        %add3A_363 = arith.addi %add3A_362, %and3A_85 : vector<16xi32>
        %add3A_364 = vector.broadcast %mul3A_335 : i32 to vector<16xi32>
        %add3A_365 = arith.addi %add3A_364, %and3A_91 : vector<16xi32>
        %add3A_366 = vector.broadcast %mul3A_335 : i32 to vector<16xi32>
        %add3A_367 = arith.addi %add3A_366, %and3A_97 : vector<16xi32>
        %mul3A_368 = arith.constant 512 : i32
        %mul3A_369 = arith.muli %scan3A_332, %mul3A_368 : i32
        %add3A_370 = arith.constant 0 : i32
        %add3A_371 = arith.addi %mul3A_369, %add3A_370 : i32
        %gather3A = arith.constant 0 : i32
        %gather3A_372 = arith.constant 0 : i32
        %gather3A_373 = tpu.memref_slice %arg5[%gather3A, %gather3A_372] : memref<32x512xf32, #tpu.memory_space<vmem>> -> memref<16x512xf32, #tpu.memory_space<vmem>>
        %gather3A_374 = tpu.vector_load_idx %gather3A_373[%iota3A, %add3A_337] : memref<16x512xf32, #tpu.memory_space<vmem>>[vector<16xi32>, vector<16xi32>], vector<16xf32>,
        %gather3A_375 = arith.constant 0 : i32
        %gather3A_376 = arith.constant 0 : i32
        %gather3A_377 = tpu.memref_slice %arg5[%gather3A_375, %gather3A_376] : memref<32x512xf32, #tpu.memory_space<vmem>> -> memref<16x512xf32, #tpu.memory_space<vmem>>
        %gather3A_378 = tpu.vector_load_idx %gather3A_377[%iota3A, %add3A_339] : memref<16x512xf32, #tpu.memory_space<vmem>>[vector<16xi32>, vector<16xi32>], vector<16xf32>,
        %gather3A_379 = arith.constant 0 : i32
        %gather3A_380 = arith.constant 0 : i32
        %gather3A_381 = tpu.memref_slice %arg5[%gather3A_379, %gather3A_380] : memref<32x512xf32, #tpu.memory_space<vmem>> -> memref<16x512xf32, #tpu.memory_space<vmem>>
        %gather3A_382 = tpu.vector_load_idx %gather3A_381[%iota3A, %add3A_341] : memref<16x512xf32, #tpu.memory_space<vmem>>[vector<16xi32>, vector<16xi32>], vector<16xf32>,
        %gather3A_383 = arith.constant 0 : i32
        %gather3A_384 = arith.constant 0 : i32
        %gather3A_385 = tpu.memref_slice %arg5[%gather3A_383, %gather3A_384] : memref<32x512xf32, #tpu.memory_space<vmem>> -> memref<16x512xf32, #tpu.memory_space<vmem>>
        %gather3A_386 = tpu.vector_load_idx %gather3A_385[%iota3A, %add3A_343] : memref<16x512xf32, #tpu.memory_space<vmem>>[vector<16xi32>, vector<16xi32>], vector<16xf32>,
        %gather3A_387 = arith.constant 0 : i32
        %gather3A_388 = arith.constant 0 : i32
        %gather3A_389 = tpu.memref_slice %arg5[%gather3A_387, %gather3A_388] : memref<32x512xf32, #tpu.memory_space<vmem>> -> memref<16x512xf32, #tpu.memory_space<vmem>>
        %gather3A_390 = tpu.vector_load_idx %gather3A_389[%iota3A, %add3A_345] : memref<16x512xf32, #tpu.memory_space<vmem>>[vector<16xi32>, vector<16xi32>], vector<16xf32>,
        %gather3A_391 = arith.constant 0 : i32
        %gather3A_392 = arith.constant 0 : i32
        %gather3A_393 = tpu.memref_slice %arg5[%gather3A_391, %gather3A_392] : memref<32x512xf32, #tpu.memory_space<vmem>> -> memref<16x512xf32, #tpu.memory_space<vmem>>
        %gather3A_394 = tpu.vector_load_idx %gather3A_393[%iota3A, %add3A_347] : memref<16x512xf32, #tpu.memory_space<vmem>>[vector<16xi32>, vector<16xi32>], vector<16xf32>,
        %gather3A_395 = arith.constant 0 : i32
        %gather3A_396 = arith.constant 0 : i32
        %gather3A_397 = tpu.memref_slice %arg5[%gather3A_395, %gather3A_396] : memref<32x512xf32, #tpu.memory_space<vmem>> -> memref<16x512xf32, #tpu.memory_space<vmem>>
        %gather3A_398 = tpu.vector_load_idx %gather3A_397[%iota3A, %add3A_349] : memref<16x512xf32, #tpu.memory_space<vmem>>[vector<16xi32>, vector<16xi32>], vector<16xf32>,
        %gather3A_399 = arith.constant 0 : i32
        %gather3A_400 = arith.constant 0 : i32
        %gather3A_401 = tpu.memref_slice %arg5[%gather3A_399, %gather3A_400] : memref<32x512xf32, #tpu.memory_space<vmem>> -> memref<16x512xf32, #tpu.memory_space<vmem>>
        %gather3A_402 = tpu.vector_load_idx %gather3A_401[%iota3A, %add3A_351] : memref<16x512xf32, #tpu.memory_space<vmem>>[vector<16xi32>, vector<16xi32>], vector<16xf32>,
        %scatter3A = tpu.memref_slice %arg7[%add3A_371] : memref<16384xf32, #tpu.memory_space<vmem>> -> memref<496xf32, #tpu.memory_space<vmem>>
        tpu.vector_store_idx %scatter3A[%add3A_101], %gather3A_374 : memref<496xf32, #tpu.memory_space<vmem>>[vector<16xi32>], vector<16xf32>,
        %scatter3A_403 = tpu.memref_slice %arg7[%add3A_371] : memref<16384xf32, #tpu.memory_space<vmem>> -> memref<496xf32, #tpu.memory_space<vmem>>
        tpu.vector_store_idx %scatter3A_403[%add3A_105], %gather3A_378 : memref<496xf32, #tpu.memory_space<vmem>>[vector<16xi32>], vector<16xf32>,
        %scatter3A_404 = tpu.memref_slice %arg7[%add3A_371] : memref<16384xf32, #tpu.memory_space<vmem>> -> memref<496xf32, #tpu.memory_space<vmem>>
        tpu.vector_store_idx %scatter3A_404[%add3A_109], %gather3A_382 : memref<496xf32, #tpu.memory_space<vmem>>[vector<16xi32>], vector<16xf32>,
        %scatter3A_405 = tpu.memref_slice %arg7[%add3A_371] : memref<16384xf32, #tpu.memory_space<vmem>> -> memref<496xf32, #tpu.memory_space<vmem>>
        tpu.vector_store_idx %scatter3A_405[%add3A_113], %gather3A_386 : memref<496xf32, #tpu.memory_space<vmem>>[vector<16xi32>], vector<16xf32>,
        %scatter3A_406 = tpu.memref_slice %arg7[%add3A_371] : memref<16384xf32, #tpu.memory_space<vmem>> -> memref<496xf32, #tpu.memory_space<vmem>>
        tpu.vector_store_idx %scatter3A_406[%add3A_117], %gather3A_390 : memref<496xf32, #tpu.memory_space<vmem>>[vector<16xi32>], vector<16xf32>,
        %scatter3A_407 = tpu.memref_slice %arg7[%add3A_371] : memref<16384xf32, #tpu.memory_space<vmem>> -> memref<496xf32, #tpu.memory_space<vmem>>
        tpu.vector_store_idx %scatter3A_407[%add3A_121], %gather3A_394 : memref<496xf32, #tpu.memory_space<vmem>>[vector<16xi32>], vector<16xf32>,
        %scatter3A_408 = tpu.memref_slice %arg7[%add3A_371] : memref<16384xf32, #tpu.memory_space<vmem>> -> memref<496xf32, #tpu.memory_space<vmem>>
        tpu.vector_store_idx %scatter3A_408[%add3A_125], %gather3A_398 : memref<496xf32, #tpu.memory_space<vmem>>[vector<16xi32>], vector<16xf32>,
        %scatter3A_409 = tpu.memref_slice %arg7[%add3A_371] : memref<16384xf32, #tpu.memory_space<vmem>> -> memref<496xf32, #tpu.memory_space<vmem>>
        tpu.vector_store_idx %scatter3A_409[%add3A_129], %gather3A_402 : memref<496xf32, #tpu.memory_space<vmem>>[vector<16xi32>], vector<16xf32>,
        %gather3A_410 = arith.constant 0 : i32
        %gather3A_411 = arith.constant 0 : i32
        %gather3A_412 = tpu.memref_slice %arg5[%gather3A_410, %gather3A_411] : memref<32x512xf32, #tpu.memory_space<vmem>> -> memref<16x512xf32, #tpu.memory_space<vmem>>
        %gather3A_413 = tpu.vector_load_idx %gather3A_412[%iota3A, %add3A_353] : memref<16x512xf32, #tpu.memory_space<vmem>>[vector<16xi32>, vector<16xi32>], vector<16xf32>,
        %gather3A_414 = arith.constant 0 : i32
        %gather3A_415 = arith.constant 0 : i32
        %gather3A_416 = tpu.memref_slice %arg5[%gather3A_414, %gather3A_415] : memref<32x512xf32, #tpu.memory_space<vmem>> -> memref<16x512xf32, #tpu.memory_space<vmem>>
        %gather3A_417 = tpu.vector_load_idx %gather3A_416[%iota3A, %add3A_355] : memref<16x512xf32, #tpu.memory_space<vmem>>[vector<16xi32>, vector<16xi32>], vector<16xf32>,
        %gather3A_418 = arith.constant 0 : i32
        %gather3A_419 = arith.constant 0 : i32
        %gather3A_420 = tpu.memref_slice %arg5[%gather3A_418, %gather3A_419] : memref<32x512xf32, #tpu.memory_space<vmem>> -> memref<16x512xf32, #tpu.memory_space<vmem>>
        %gather3A_421 = tpu.vector_load_idx %gather3A_420[%iota3A, %add3A_357] : memref<16x512xf32, #tpu.memory_space<vmem>>[vector<16xi32>, vector<16xi32>], vector<16xf32>,
        %gather3A_422 = arith.constant 0 : i32
        %gather3A_423 = arith.constant 0 : i32
        %gather3A_424 = tpu.memref_slice %arg5[%gather3A_422, %gather3A_423] : memref<32x512xf32, #tpu.memory_space<vmem>> -> memref<16x512xf32, #tpu.memory_space<vmem>>
        %gather3A_425 = tpu.vector_load_idx %gather3A_424[%iota3A, %add3A_359] : memref<16x512xf32, #tpu.memory_space<vmem>>[vector<16xi32>, vector<16xi32>], vector<16xf32>,
        %gather3A_426 = arith.constant 0 : i32
        %gather3A_427 = arith.constant 0 : i32
        %gather3A_428 = tpu.memref_slice %arg5[%gather3A_426, %gather3A_427] : memref<32x512xf32, #tpu.memory_space<vmem>> -> memref<16x512xf32, #tpu.memory_space<vmem>>
        %gather3A_429 = tpu.vector_load_idx %gather3A_428[%iota3A, %add3A_361] : memref<16x512xf32, #tpu.memory_space<vmem>>[vector<16xi32>, vector<16xi32>], vector<16xf32>,
        %gather3A_430 = arith.constant 0 : i32
        %gather3A_431 = arith.constant 0 : i32
        %gather3A_432 = tpu.memref_slice %arg5[%gather3A_430, %gather3A_431] : memref<32x512xf32, #tpu.memory_space<vmem>> -> memref<16x512xf32, #tpu.memory_space<vmem>>
        %gather3A_433 = tpu.vector_load_idx %gather3A_432[%iota3A, %add3A_363] : memref<16x512xf32, #tpu.memory_space<vmem>>[vector<16xi32>, vector<16xi32>], vector<16xf32>,
        %gather3A_434 = arith.constant 0 : i32
        %gather3A_435 = arith.constant 0 : i32
        %gather3A_436 = tpu.memref_slice %arg5[%gather3A_434, %gather3A_435] : memref<32x512xf32, #tpu.memory_space<vmem>> -> memref<16x512xf32, #tpu.memory_space<vmem>>
        %gather3A_437 = tpu.vector_load_idx %gather3A_436[%iota3A, %add3A_365] : memref<16x512xf32, #tpu.memory_space<vmem>>[vector<16xi32>, vector<16xi32>], vector<16xf32>,
        %gather3A_438 = arith.constant 0 : i32
        %gather3A_439 = arith.constant 0 : i32
        %gather3A_440 = tpu.memref_slice %arg5[%gather3A_438, %gather3A_439] : memref<32x512xf32, #tpu.memory_space<vmem>> -> memref<16x512xf32, #tpu.memory_space<vmem>>
        %gather3A_441 = tpu.vector_load_idx %gather3A_440[%iota3A, %add3A_367] : memref<16x512xf32, #tpu.memory_space<vmem>>[vector<16xi32>, vector<16xi32>], vector<16xf32>,
        %scatter3A_442 = tpu.memref_slice %arg7[%add3A_371] : memref<16384xf32, #tpu.memory_space<vmem>> -> memref<496xf32, #tpu.memory_space<vmem>>
        tpu.vector_store_idx %scatter3A_442[%add3A_133], %gather3A_413 : memref<496xf32, #tpu.memory_space<vmem>>[vector<16xi32>], vector<16xf32>,
        %scatter3A_443 = tpu.memref_slice %arg7[%add3A_371] : memref<16384xf32, #tpu.memory_space<vmem>> -> memref<496xf32, #tpu.memory_space<vmem>>
        tpu.vector_store_idx %scatter3A_443[%add3A_137], %gather3A_417 : memref<496xf32, #tpu.memory_space<vmem>>[vector<16xi32>], vector<16xf32>,
        %scatter3A_444 = tpu.memref_slice %arg7[%add3A_371] : memref<16384xf32, #tpu.memory_space<vmem>> -> memref<496xf32, #tpu.memory_space<vmem>>
        tpu.vector_store_idx %scatter3A_444[%add3A_141], %gather3A_421 : memref<496xf32, #tpu.memory_space<vmem>>[vector<16xi32>], vector<16xf32>,
        %scatter3A_445 = tpu.memref_slice %arg7[%add3A_371] : memref<16384xf32, #tpu.memory_space<vmem>> -> memref<496xf32, #tpu.memory_space<vmem>>
        tpu.vector_store_idx %scatter3A_445[%add3A_145], %gather3A_425 : memref<496xf32, #tpu.memory_space<vmem>>[vector<16xi32>], vector<16xf32>,
        %scatter3A_446 = tpu.memref_slice %arg7[%add3A_371] : memref<16384xf32, #tpu.memory_space<vmem>> -> memref<496xf32, #tpu.memory_space<vmem>>
        tpu.vector_store_idx %scatter3A_446[%add3A_149], %gather3A_429 : memref<496xf32, #tpu.memory_space<vmem>>[vector<16xi32>], vector<16xf32>,
        %scatter3A_447 = tpu.memref_slice %arg7[%add3A_371] : memref<16384xf32, #tpu.memory_space<vmem>> -> memref<496xf32, #tpu.memory_space<vmem>>
        tpu.vector_store_idx %scatter3A_447[%add3A_153], %gather3A_433 : memref<496xf32, #tpu.memory_space<vmem>>[vector<16xi32>], vector<16xf32>,
        %scatter3A_448 = tpu.memref_slice %arg7[%add3A_371] : memref<16384xf32, #tpu.memory_space<vmem>> -> memref<496xf32, #tpu.memory_space<vmem>>
        tpu.vector_store_idx %scatter3A_448[%add3A_157], %gather3A_437 : memref<496xf32, #tpu.memory_space<vmem>>[vector<16xi32>], vector<16xf32>,
        %scatter3A_449 = tpu.memref_slice %arg7[%add3A_371] : memref<16384xf32, #tpu.memory_space<vmem>> -> memref<496xf32, #tpu.memory_space<vmem>>
        tpu.vector_store_idx %scatter3A_449[%add3A_161], %gather3A_441 : memref<496xf32, #tpu.memory_space<vmem>>[vector<16xi32>], vector<16xf32>,
        %mul3A_450 = arith.constant 512 : i32
        %mul3A_451 = arith.muli %scan3A_332, %mul3A_450 : i32
        %add3A_452 = arith.constant 16 : i32
        %add3A_453 = arith.addi %mul3A_451, %add3A_452 : i32
        %gather3A_454 = arith.constant 16 : i32
        %gather3A_455 = arith.constant 0 : i32
        %gather3A_456 = tpu.memref_slice %arg5[%gather3A_454, %gather3A_455] : memref<32x512xf32, #tpu.memory_space<vmem>> -> memref<16x512xf32, #tpu.memory_space<vmem>>
        %gather3A_457 = tpu.vector_load_idx %gather3A_456[%iota3A, %add3A_337] : memref<16x512xf32, #tpu.memory_space<vmem>>[vector<16xi32>, vector<16xi32>], vector<16xf32>,
        %gather3A_458 = arith.constant 16 : i32
        %gather3A_459 = arith.constant 0 : i32
        %gather3A_460 = tpu.memref_slice %arg5[%gather3A_458, %gather3A_459] : memref<32x512xf32, #tpu.memory_space<vmem>> -> memref<16x512xf32, #tpu.memory_space<vmem>>
        %gather3A_461 = tpu.vector_load_idx %gather3A_460[%iota3A, %add3A_339] : memref<16x512xf32, #tpu.memory_space<vmem>>[vector<16xi32>, vector<16xi32>], vector<16xf32>,
        %gather3A_462 = arith.constant 16 : i32
        %gather3A_463 = arith.constant 0 : i32
        %gather3A_464 = tpu.memref_slice %arg5[%gather3A_462, %gather3A_463] : memref<32x512xf32, #tpu.memory_space<vmem>> -> memref<16x512xf32, #tpu.memory_space<vmem>>
        %gather3A_465 = tpu.vector_load_idx %gather3A_464[%iota3A, %add3A_341] : memref<16x512xf32, #tpu.memory_space<vmem>>[vector<16xi32>, vector<16xi32>], vector<16xf32>,
        %gather3A_466 = arith.constant 16 : i32
        %gather3A_467 = arith.constant 0 : i32
        %gather3A_468 = tpu.memref_slice %arg5[%gather3A_466, %gather3A_467] : memref<32x512xf32, #tpu.memory_space<vmem>> -> memref<16x512xf32, #tpu.memory_space<vmem>>
        %gather3A_469 = tpu.vector_load_idx %gather3A_468[%iota3A, %add3A_343] : memref<16x512xf32, #tpu.memory_space<vmem>>[vector<16xi32>, vector<16xi32>], vector<16xf32>,
        %gather3A_470 = arith.constant 16 : i32
        %gather3A_471 = arith.constant 0 : i32
        %gather3A_472 = tpu.memref_slice %arg5[%gather3A_470, %gather3A_471] : memref<32x512xf32, #tpu.memory_space<vmem>> -> memref<16x512xf32, #tpu.memory_space<vmem>>
        %gather3A_473 = tpu.vector_load_idx %gather3A_472[%iota3A, %add3A_345] : memref<16x512xf32, #tpu.memory_space<vmem>>[vector<16xi32>, vector<16xi32>], vector<16xf32>,
        %gather3A_474 = arith.constant 16 : i32
        %gather3A_475 = arith.constant 0 : i32
        %gather3A_476 = tpu.memref_slice %arg5[%gather3A_474, %gather3A_475] : memref<32x512xf32, #tpu.memory_space<vmem>> -> memref<16x512xf32, #tpu.memory_space<vmem>>
        %gather3A_477 = tpu.vector_load_idx %gather3A_476[%iota3A, %add3A_347] : memref<16x512xf32, #tpu.memory_space<vmem>>[vector<16xi32>, vector<16xi32>], vector<16xf32>,
        %gather3A_478 = arith.constant 16 : i32
        %gather3A_479 = arith.constant 0 : i32
        %gather3A_480 = tpu.memref_slice %arg5[%gather3A_478, %gather3A_479] : memref<32x512xf32, #tpu.memory_space<vmem>> -> memref<16x512xf32, #tpu.memory_space<vmem>>
        %gather3A_481 = tpu.vector_load_idx %gather3A_480[%iota3A, %add3A_349] : memref<16x512xf32, #tpu.memory_space<vmem>>[vector<16xi32>, vector<16xi32>], vector<16xf32>,
        %gather3A_482 = arith.constant 16 : i32
        %gather3A_483 = arith.constant 0 : i32
        %gather3A_484 = tpu.memref_slice %arg5[%gather3A_482, %gather3A_483] : memref<32x512xf32, #tpu.memory_space<vmem>> -> memref<16x512xf32, #tpu.memory_space<vmem>>
        %gather3A_485 = tpu.vector_load_idx %gather3A_484[%iota3A, %add3A_351] : memref<16x512xf32, #tpu.memory_space<vmem>>[vector<16xi32>, vector<16xi32>], vector<16xf32>,
        %scatter3A_486 = tpu.memref_slice %arg7[%add3A_453] : memref<16384xf32, #tpu.memory_space<vmem>> -> memref<496xf32, #tpu.memory_space<vmem>>
        tpu.vector_store_idx %scatter3A_486[%add3A_101], %gather3A_457 : memref<496xf32, #tpu.memory_space<vmem>>[vector<16xi32>], vector<16xf32>,
        %scatter3A_487 = tpu.memref_slice %arg7[%add3A_453] : memref<16384xf32, #tpu.memory_space<vmem>> -> memref<496xf32, #tpu.memory_space<vmem>>
        tpu.vector_store_idx %scatter3A_487[%add3A_105], %gather3A_461 : memref<496xf32, #tpu.memory_space<vmem>>[vector<16xi32>], vector<16xf32>,
        %scatter3A_488 = tpu.memref_slice %arg7[%add3A_453] : memref<16384xf32, #tpu.memory_space<vmem>> -> memref<496xf32, #tpu.memory_space<vmem>>
        tpu.vector_store_idx %scatter3A_488[%add3A_109], %gather3A_465 : memref<496xf32, #tpu.memory_space<vmem>>[vector<16xi32>], vector<16xf32>,
        %scatter3A_489 = tpu.memref_slice %arg7[%add3A_453] : memref<16384xf32, #tpu.memory_space<vmem>> -> memref<496xf32, #tpu.memory_space<vmem>>
        tpu.vector_store_idx %scatter3A_489[%add3A_113], %gather3A_469 : memref<496xf32, #tpu.memory_space<vmem>>[vector<16xi32>], vector<16xf32>,
        %scatter3A_490 = tpu.memref_slice %arg7[%add3A_453] : memref<16384xf32, #tpu.memory_space<vmem>> -> memref<496xf32, #tpu.memory_space<vmem>>
        tpu.vector_store_idx %scatter3A_490[%add3A_117], %gather3A_473 : memref<496xf32, #tpu.memory_space<vmem>>[vector<16xi32>], vector<16xf32>,
        %scatter3A_491 = tpu.memref_slice %arg7[%add3A_453] : memref<16384xf32, #tpu.memory_space<vmem>> -> memref<496xf32, #tpu.memory_space<vmem>>
        tpu.vector_store_idx %scatter3A_491[%add3A_121], %gather3A_477 : memref<496xf32, #tpu.memory_space<vmem>>[vector<16xi32>], vector<16xf32>,
        %scatter3A_492 = tpu.memref_slice %arg7[%add3A_453] : memref<16384xf32, #tpu.memory_space<vmem>> -> memref<496xf32, #tpu.memory_space<vmem>>
        tpu.vector_store_idx %scatter3A_492[%add3A_125], %gather3A_481 : memref<496xf32, #tpu.memory_space<vmem>>[vector<16xi32>], vector<16xf32>,
        %scatter3A_493 = tpu.memref_slice %arg7[%add3A_453] : memref<16384xf32, #tpu.memory_space<vmem>> -> memref<496xf32, #tpu.memory_space<vmem>>
        tpu.vector_store_idx %scatter3A_493[%add3A_129], %gather3A_485 : memref<496xf32, #tpu.memory_space<vmem>>[vector<16xi32>], vector<16xf32>,
        %gather3A_494 = arith.constant 16 : i32
        %gather3A_495 = arith.constant 0 : i32
        %gather3A_496 = tpu.memref_slice %arg5[%gather3A_494, %gather3A_495] : memref<32x512xf32, #tpu.memory_space<vmem>> -> memref<16x512xf32, #tpu.memory_space<vmem>>
        %gather3A_497 = tpu.vector_load_idx %gather3A_496[%iota3A, %add3A_353] : memref<16x512xf32, #tpu.memory_space<vmem>>[vector<16xi32>, vector<16xi32>], vector<16xf32>,
        %gather3A_498 = arith.constant 16 : i32
        %gather3A_499 = arith.constant 0 : i32
        %gather3A_500 = tpu.memref_slice %arg5[%gather3A_498, %gather3A_499] : memref<32x512xf32, #tpu.memory_space<vmem>> -> memref<16x512xf32, #tpu.memory_space<vmem>>
        %gather3A_501 = tpu.vector_load_idx %gather3A_500[%iota3A, %add3A_355] : memref<16x512xf32, #tpu.memory_space<vmem>>[vector<16xi32>, vector<16xi32>], vector<16xf32>,
        %gather3A_502 = arith.constant 16 : i32
        %gather3A_503 = arith.constant 0 : i32
        %gather3A_504 = tpu.memref_slice %arg5[%gather3A_502, %gather3A_503] : memref<32x512xf32, #tpu.memory_space<vmem>> -> memref<16x512xf32, #tpu.memory_space<vmem>>
        %gather3A_505 = tpu.vector_load_idx %gather3A_504[%iota3A, %add3A_357] : memref<16x512xf32, #tpu.memory_space<vmem>>[vector<16xi32>, vector<16xi32>], vector<16xf32>,
        %gather3A_506 = arith.constant 16 : i32
        %gather3A_507 = arith.constant 0 : i32
        %gather3A_508 = tpu.memref_slice %arg5[%gather3A_506, %gather3A_507] : memref<32x512xf32, #tpu.memory_space<vmem>> -> memref<16x512xf32, #tpu.memory_space<vmem>>
        %gather3A_509 = tpu.vector_load_idx %gather3A_508[%iota3A, %add3A_359] : memref<16x512xf32, #tpu.memory_space<vmem>>[vector<16xi32>, vector<16xi32>], vector<16xf32>,
        %gather3A_510 = arith.constant 16 : i32
        %gather3A_511 = arith.constant 0 : i32
        %gather3A_512 = tpu.memref_slice %arg5[%gather3A_510, %gather3A_511] : memref<32x512xf32, #tpu.memory_space<vmem>> -> memref<16x512xf32, #tpu.memory_space<vmem>>
        %gather3A_513 = tpu.vector_load_idx %gather3A_512[%iota3A, %add3A_361] : memref<16x512xf32, #tpu.memory_space<vmem>>[vector<16xi32>, vector<16xi32>], vector<16xf32>,
        %gather3A_514 = arith.constant 16 : i32
        %gather3A_515 = arith.constant 0 : i32
        %gather3A_516 = tpu.memref_slice %arg5[%gather3A_514, %gather3A_515] : memref<32x512xf32, #tpu.memory_space<vmem>> -> memref<16x512xf32, #tpu.memory_space<vmem>>
        %gather3A_517 = tpu.vector_load_idx %gather3A_516[%iota3A, %add3A_363] : memref<16x512xf32, #tpu.memory_space<vmem>>[vector<16xi32>, vector<16xi32>], vector<16xf32>,
        %gather3A_518 = arith.constant 16 : i32
        %gather3A_519 = arith.constant 0 : i32
        %gather3A_520 = tpu.memref_slice %arg5[%gather3A_518, %gather3A_519] : memref<32x512xf32, #tpu.memory_space<vmem>> -> memref<16x512xf32, #tpu.memory_space<vmem>>
        %gather3A_521 = tpu.vector_load_idx %gather3A_520[%iota3A, %add3A_365] : memref<16x512xf32, #tpu.memory_space<vmem>>[vector<16xi32>, vector<16xi32>], vector<16xf32>,
        %gather3A_522 = arith.constant 16 : i32
        %gather3A_523 = arith.constant 0 : i32
        %gather3A_524 = tpu.memref_slice %arg5[%gather3A_522, %gather3A_523] : memref<32x512xf32, #tpu.memory_space<vmem>> -> memref<16x512xf32, #tpu.memory_space<vmem>>
        %gather3A_525 = tpu.vector_load_idx %gather3A_524[%iota3A, %add3A_367] : memref<16x512xf32, #tpu.memory_space<vmem>>[vector<16xi32>, vector<16xi32>], vector<16xf32>,
        %scatter3A_526 = tpu.memref_slice %arg7[%add3A_453] : memref<16384xf32, #tpu.memory_space<vmem>> -> memref<496xf32, #tpu.memory_space<vmem>>
        tpu.vector_store_idx %scatter3A_526[%add3A_133], %gather3A_497 : memref<496xf32, #tpu.memory_space<vmem>>[vector<16xi32>], vector<16xf32>,
        %scatter3A_527 = tpu.memref_slice %arg7[%add3A_453] : memref<16384xf32, #tpu.memory_space<vmem>> -> memref<496xf32, #tpu.memory_space<vmem>>
        tpu.vector_store_idx %scatter3A_527[%add3A_137], %gather3A_501 : memref<496xf32, #tpu.memory_space<vmem>>[vector<16xi32>], vector<16xf32>,
        %scatter3A_528 = tpu.memref_slice %arg7[%add3A_453] : memref<16384xf32, #tpu.memory_space<vmem>> -> memref<496xf32, #tpu.memory_space<vmem>>
        tpu.vector_store_idx %scatter3A_528[%add3A_141], %gather3A_505 : memref<496xf32, #tpu.memory_space<vmem>>[vector<16xi32>], vector<16xf32>,
        %scatter3A_529 = tpu.memref_slice %arg7[%add3A_453] : memref<16384xf32, #tpu.memory_space<vmem>> -> memref<496xf32, #tpu.memory_space<vmem>>
        tpu.vector_store_idx %scatter3A_529[%add3A_145], %gather3A_509 : memref<496xf32, #tpu.memory_space<vmem>>[vector<16xi32>], vector<16xf32>,
        %scatter3A_530 = tpu.memref_slice %arg7[%add3A_453] : memref<16384xf32, #tpu.memory_space<vmem>> -> memref<496xf32, #tpu.memory_space<vmem>>
        tpu.vector_store_idx %scatter3A_530[%add3A_149], %gather3A_513 : memref<496xf32, #tpu.memory_space<vmem>>[vector<16xi32>], vector<16xf32>,
        %scatter3A_531 = tpu.memref_slice %arg7[%add3A_453] : memref<16384xf32, #tpu.memory_space<vmem>> -> memref<496xf32, #tpu.memory_space<vmem>>
        tpu.vector_store_idx %scatter3A_531[%add3A_153], %gather3A_517 : memref<496xf32, #tpu.memory_space<vmem>>[vector<16xi32>], vector<16xf32>,
        %scatter3A_532 = tpu.memref_slice %arg7[%add3A_453] : memref<16384xf32, #tpu.memory_space<vmem>> -> memref<496xf32, #tpu.memory_space<vmem>>
        tpu.vector_store_idx %scatter3A_532[%add3A_157], %gather3A_521 : memref<496xf32, #tpu.memory_space<vmem>>[vector<16xi32>], vector<16xf32>,
        %scatter3A_533 = tpu.memref_slice %arg7[%add3A_453] : memref<16384xf32, #tpu.memory_space<vmem>> -> memref<496xf32, #tpu.memory_space<vmem>>
        tpu.vector_store_idx %scatter3A_533[%add3A_161], %gather3A_525 : memref<496xf32, #tpu.memory_space<vmem>>[vector<16xi32>], vector<16xf32>,
        %scan3A_534 = arith.constant 0 : i32
        scf.yield %scan3A_534 : i32
      }
      %scan3A_258 = arith.constant 32 : i32
      %sub3A_259 = arith.constant 1 : i32
      %sub3A_260 = arith.subi %select_n3A, %sub3A_259 : i32
      %min3A_261 = arith.minsi %mul3A_242, %sub3A_260 : i32
      %mul3A_262 = arith.constant 32 : i32
      %mul3A_263 = arith.muli %min3A_261, %mul3A_262 : i32
      %add3A_264 = arith.addi %add3A, %mul3A_263 : i32
      %mul3A_265 = arith.constant 512 : i32
      %mul3A_266 = arith.muli %add3A_264, %mul3A_265 : i32
      %mul3A_267 = arith.constant 32 : i32
      %mul3A_268 = arith.muli %mul3A_266, %mul3A_267 : i32
      %dma_start3A_269 = tpu.memref_slice %arg4[%mul3A_268] : memref<32000000xf32, #tpu.memory_space<hbm>> -> memref<16384xf32, #tpu.memory_space<hbm>>
      %dma_start3A_270 = tpu.memref_slice %arg4[%mul3A_268] : memref<32000000xf32, #tpu.memory_space<hbm>> -> memref<16384xf32, #tpu.memory_space<hbm>>
      tpu.enqueue_dma source(%arg7 : memref<16384xf32, #tpu.memory_space<vmem>>) target(%dma_start3A_270 : memref<16384xf32, #tpu.memory_space<hbm>>) target_semaphore(%arg11 : memref<!tpu.dma_semaphore, #tpu.memory_space<semaphore_mem>>)
      %add3A_271 = arith.constant 2 : i32
      %add3A_272 = arith.addi %mul3A_242, %add3A_271 : i32
      %sub3A_273 = arith.constant 1 : i32
      %sub3A_274 = arith.subi %select_n3A, %sub3A_273 : i32
      %min3A_275 = arith.minsi %add3A_272, %sub3A_274 : i32
      %mul3A_276 = arith.constant 32 : i32
      %mul3A_277 = arith.muli %min3A_275, %mul3A_276 : i32
      %add3A_278 = arith.addi %add3A, %mul3A_277 : i32
      %mul3A_279 = arith.constant 512 : i32
      %mul3A_280 = arith.muli %add3A_278, %mul3A_279 : i32
      %dma_start3A_281 = arith.constant 0 : i32
      %dma_start3A_282 = tpu.memref_slice %arg2[%dma_start3A_281, %mul3A_280] : memref<32x1000000xf32, #tpu.memory_space<hbm>> -> memref<32x512xf32, #tpu.memory_space<hbm>>
      %dma_start3A_283 = arith.constant 0 : i32
      %dma_start3A_284 = tpu.memref_slice %arg2[%dma_start3A_283, %mul3A_280] : memref<32x1000000xf32, #tpu.memory_space<hbm>> -> memref<32x512xf32, #tpu.memory_space<hbm>>
      tpu.enqueue_dma source(%dma_start3A_284 : memref<32x512xf32, #tpu.memory_space<hbm>>) target(%arg5 : memref<32x512xf32, #tpu.memory_space<vmem>>) target_semaphore(%arg9 : memref<!tpu.dma_semaphore, #tpu.memory_space<semaphore_mem>>)
      %dma_wait3A_285 = arith.constant 0 : i32
      %dma_wait3A_286 = arith.constant 0 : i32
      %dma_wait3A_287 = tpu.memref_slice %arg2[%dma_wait3A_285, %dma_wait3A_286] : memref<32x1000000xf32, #tpu.memory_space<hbm>> -> memref<32x512xf32, #tpu.memory_space<hbm>>
      %dma_wait3A_288 = arith.constant 0 : i32
      %dma_wait3A_289 = arith.constant 0 : i32
      %dma_wait3A_290 = tpu.memref_slice %arg2[%dma_wait3A_288, %dma_wait3A_289] : memref<32x1000000xf32, #tpu.memory_space<hbm>> -> memref<32x512xf32, #tpu.memory_space<hbm>>
      tpu.wait_dma2 semaphore(%arg10 : memref<!tpu.dma_semaphore, #tpu.memory_space<semaphore_mem>>) src(%dma_wait3A_290 : memref<32x512xf32, #tpu.memory_space<hbm>>) dst(%arg6 : memref<32x512xf32, #tpu.memory_space<vmem>>)
      %gt3A_291 = arith.constant 0 : i32
      %gt3A_292 = arith.cmpi sgt, %while3A_239, %gt3A_291 : i32
      %convert_element_type3A_293 = arith.extui %gt3A_292 : i1 to i32
      %cond3A_294 = arith.constant 0 : i32
      %cond3A_295 = arith.cmpi ne, %convert_element_type3A_293, %cond3A_294 : i32
      scf.if %cond3A_295 {
        %dma_wait3A_332 = arith.constant 0 : i32
        %dma_wait3A_333 = tpu.memref_slice %arg4[%dma_wait3A_332] : memref<32000000xf32, #tpu.memory_space<hbm>> -> memref<16384xf32, #tpu.memory_space<hbm>>
        %dma_wait3A_334 = arith.constant 0 : i32
        %dma_wait3A_335 = tpu.memref_slice %arg4[%dma_wait3A_334] : memref<32000000xf32, #tpu.memory_space<hbm>> -> memref<16384xf32, #tpu.memory_space<hbm>>
        tpu.wait_dma2 semaphore(%arg12 : memref<!tpu.dma_semaphore, #tpu.memory_space<semaphore_mem>>) src(%arg8 : memref<16384xf32, #tpu.memory_space<vmem>>) dst(%dma_wait3A_335 : memref<16384xf32, #tpu.memory_space<hbm>>)
      } else {
      }
      %scan3A_296 = arith.constant 0 : i32
      %scan3A_297 = arith.constant 0 : i32
      %scan3A_298 = arith.constant 32 : i32
      %scan3A_299 = arith.addi %scan3A_297, %scan3A_298 : i32
      %scan3A_300 = arith.constant 1 : i32
      %scan3A_301 = scf.for %scan3A_332 = %scan3A_297 to %scan3A_299 step %scan3A_300 iter_args(%scan3A_333 = %scan3A_296) -> (i32)  : i32 {
        %mul3A_334 = arith.constant 16 : i32
        %mul3A_335 = arith.muli %scan3A_332, %mul3A_334 : i32
        %add3A_336 = vector.broadcast %mul3A_335 : i32 to vector<16xi32>
        %add3A_337 = arith.addi %add3A_336, %and3A_7 : vector<16xi32>
        %add3A_338 = vector.broadcast %mul3A_335 : i32 to vector<16xi32>
        %add3A_339 = arith.addi %add3A_338, %and3A_13 : vector<16xi32>
        %add3A_340 = vector.broadcast %mul3A_335 : i32 to vector<16xi32>
        %add3A_341 = arith.addi %add3A_340, %and3A_19 : vector<16xi32>
        %add3A_342 = vector.broadcast %mul3A_335 : i32 to vector<16xi32>
        %add3A_343 = arith.addi %add3A_342, %and3A_25 : vector<16xi32>
        %add3A_344 = vector.broadcast %mul3A_335 : i32 to vector<16xi32>
        %add3A_345 = arith.addi %add3A_344, %and3A_31 : vector<16xi32>
        %add3A_346 = vector.broadcast %mul3A_335 : i32 to vector<16xi32>
        %add3A_347 = arith.addi %add3A_346, %and3A_37 : vector<16xi32>
        %add3A_348 = vector.broadcast %mul3A_335 : i32 to vector<16xi32>
        %add3A_349 = arith.addi %add3A_348, %and3A_43 : vector<16xi32>
        %add3A_350 = vector.broadcast %mul3A_335 : i32 to vector<16xi32>
        %add3A_351 = arith.addi %add3A_350, %and3A_49 : vector<16xi32>
        %add3A_352 = vector.broadcast %mul3A_335 : i32 to vector<16xi32>
        %add3A_353 = arith.addi %add3A_352, %and3A_55 : vector<16xi32>
        %add3A_354 = vector.broadcast %mul3A_335 : i32 to vector<16xi32>
        %add3A_355 = arith.addi %add3A_354, %and3A_61 : vector<16xi32>
        %add3A_356 = vector.broadcast %mul3A_335 : i32 to vector<16xi32>
        %add3A_357 = arith.addi %add3A_356, %and3A_67 : vector<16xi32>
        %add3A_358 = vector.broadcast %mul3A_335 : i32 to vector<16xi32>
        %add3A_359 = arith.addi %add3A_358, %and3A_73 : vector<16xi32>
        %add3A_360 = vector.broadcast %mul3A_335 : i32 to vector<16xi32>
        %add3A_361 = arith.addi %add3A_360, %and3A_79 : vector<16xi32>
        %add3A_362 = vector.broadcast %mul3A_335 : i32 to vector<16xi32>
        %add3A_363 = arith.addi %add3A_362, %and3A_85 : vector<16xi32>
        %add3A_364 = vector.broadcast %mul3A_335 : i32 to vector<16xi32>
        %add3A_365 = arith.addi %add3A_364, %and3A_91 : vector<16xi32>
        %add3A_366 = vector.broadcast %mul3A_335 : i32 to vector<16xi32>
        %add3A_367 = arith.addi %add3A_366, %and3A_97 : vector<16xi32>
        %mul3A_368 = arith.constant 512 : i32
        %mul3A_369 = arith.muli %scan3A_332, %mul3A_368 : i32
        %add3A_370 = arith.constant 0 : i32
        %add3A_371 = arith.addi %mul3A_369, %add3A_370 : i32
        %gather3A = arith.constant 0 : i32
        %gather3A_372 = arith.constant 0 : i32
        %gather3A_373 = tpu.memref_slice %arg6[%gather3A, %gather3A_372] : memref<32x512xf32, #tpu.memory_space<vmem>> -> memref<16x512xf32, #tpu.memory_space<vmem>>
        %gather3A_374 = tpu.vector_load_idx %gather3A_373[%iota3A, %add3A_337] : memref<16x512xf32, #tpu.memory_space<vmem>>[vector<16xi32>, vector<16xi32>], vector<16xf32>,
        %gather3A_375 = arith.constant 0 : i32
        %gather3A_376 = arith.constant 0 : i32
        %gather3A_377 = tpu.memref_slice %arg6[%gather3A_375, %gather3A_376] : memref<32x512xf32, #tpu.memory_space<vmem>> -> memref<16x512xf32, #tpu.memory_space<vmem>>
        %gather3A_378 = tpu.vector_load_idx %gather3A_377[%iota3A, %add3A_339] : memref<16x512xf32, #tpu.memory_space<vmem>>[vector<16xi32>, vector<16xi32>], vector<16xf32>,
        %gather3A_379 = arith.constant 0 : i32
        %gather3A_380 = arith.constant 0 : i32
        %gather3A_381 = tpu.memref_slice %arg6[%gather3A_379, %gather3A_380] : memref<32x512xf32, #tpu.memory_space<vmem>> -> memref<16x512xf32, #tpu.memory_space<vmem>>
        %gather3A_382 = tpu.vector_load_idx %gather3A_381[%iota3A, %add3A_341] : memref<16x512xf32, #tpu.memory_space<vmem>>[vector<16xi32>, vector<16xi32>], vector<16xf32>,
        %gather3A_383 = arith.constant 0 : i32
        %gather3A_384 = arith.constant 0 : i32
        %gather3A_385 = tpu.memref_slice %arg6[%gather3A_383, %gather3A_384] : memref<32x512xf32, #tpu.memory_space<vmem>> -> memref<16x512xf32, #tpu.memory_space<vmem>>
        %gather3A_386 = tpu.vector_load_idx %gather3A_385[%iota3A, %add3A_343] : memref<16x512xf32, #tpu.memory_space<vmem>>[vector<16xi32>, vector<16xi32>], vector<16xf32>,
        %gather3A_387 = arith.constant 0 : i32
        %gather3A_388 = arith.constant 0 : i32
        %gather3A_389 = tpu.memref_slice %arg6[%gather3A_387, %gather3A_388] : memref<32x512xf32, #tpu.memory_space<vmem>> -> memref<16x512xf32, #tpu.memory_space<vmem>>
        %gather3A_390 = tpu.vector_load_idx %gather3A_389[%iota3A, %add3A_345] : memref<16x512xf32, #tpu.memory_space<vmem>>[vector<16xi32>, vector<16xi32>], vector<16xf32>,
        %gather3A_391 = arith.constant 0 : i32
        %gather3A_392 = arith.constant 0 : i32
        %gather3A_393 = tpu.memref_slice %arg6[%gather3A_391, %gather3A_392] : memref<32x512xf32, #tpu.memory_space<vmem>> -> memref<16x512xf32, #tpu.memory_space<vmem>>
        %gather3A_394 = tpu.vector_load_idx %gather3A_393[%iota3A, %add3A_347] : memref<16x512xf32, #tpu.memory_space<vmem>>[vector<16xi32>, vector<16xi32>], vector<16xf32>,
        %gather3A_395 = arith.constant 0 : i32
        %gather3A_396 = arith.constant 0 : i32
        %gather3A_397 = tpu.memref_slice %arg6[%gather3A_395, %gather3A_396] : memref<32x512xf32, #tpu.memory_space<vmem>> -> memref<16x512xf32, #tpu.memory_space<vmem>>
        %gather3A_398 = tpu.vector_load_idx %gather3A_397[%iota3A, %add3A_349] : memref<16x512xf32, #tpu.memory_space<vmem>>[vector<16xi32>, vector<16xi32>], vector<16xf32>,
        %gather3A_399 = arith.constant 0 : i32
        %gather3A_400 = arith.constant 0 : i32
        %gather3A_401 = tpu.memref_slice %arg6[%gather3A_399, %gather3A_400] : memref<32x512xf32, #tpu.memory_space<vmem>> -> memref<16x512xf32, #tpu.memory_space<vmem>>
        %gather3A_402 = tpu.vector_load_idx %gather3A_401[%iota3A, %add3A_351] : memref<16x512xf32, #tpu.memory_space<vmem>>[vector<16xi32>, vector<16xi32>], vector<16xf32>,
        %scatter3A = tpu.memref_slice %arg8[%add3A_371] : memref<16384xf32, #tpu.memory_space<vmem>> -> memref<496xf32, #tpu.memory_space<vmem>>
        tpu.vector_store_idx %scatter3A[%add3A_101], %gather3A_374 : memref<496xf32, #tpu.memory_space<vmem>>[vector<16xi32>], vector<16xf32>,
        %scatter3A_403 = tpu.memref_slice %arg8[%add3A_371] : memref<16384xf32, #tpu.memory_space<vmem>> -> memref<496xf32, #tpu.memory_space<vmem>>
        tpu.vector_store_idx %scatter3A_403[%add3A_105], %gather3A_378 : memref<496xf32, #tpu.memory_space<vmem>>[vector<16xi32>], vector<16xf32>,
        %scatter3A_404 = tpu.memref_slice %arg8[%add3A_371] : memref<16384xf32, #tpu.memory_space<vmem>> -> memref<496xf32, #tpu.memory_space<vmem>>
        tpu.vector_store_idx %scatter3A_404[%add3A_109], %gather3A_382 : memref<496xf32, #tpu.memory_space<vmem>>[vector<16xi32>], vector<16xf32>,
        %scatter3A_405 = tpu.memref_slice %arg8[%add3A_371] : memref<16384xf32, #tpu.memory_space<vmem>> -> memref<496xf32, #tpu.memory_space<vmem>>
        tpu.vector_store_idx %scatter3A_405[%add3A_113], %gather3A_386 : memref<496xf32, #tpu.memory_space<vmem>>[vector<16xi32>], vector<16xf32>,
        %scatter3A_406 = tpu.memref_slice %arg8[%add3A_371] : memref<16384xf32, #tpu.memory_space<vmem>> -> memref<496xf32, #tpu.memory_space<vmem>>
        tpu.vector_store_idx %scatter3A_406[%add3A_117], %gather3A_390 : memref<496xf32, #tpu.memory_space<vmem>>[vector<16xi32>], vector<16xf32>,
        %scatter3A_407 = tpu.memref_slice %arg8[%add3A_371] : memref<16384xf32, #tpu.memory_space<vmem>> -> memref<496xf32, #tpu.memory_space<vmem>>
        tpu.vector_store_idx %scatter3A_407[%add3A_121], %gather3A_394 : memref<496xf32, #tpu.memory_space<vmem>>[vector<16xi32>], vector<16xf32>,
        %scatter3A_408 = tpu.memref_slice %arg8[%add3A_371] : memref<16384xf32, #tpu.memory_space<vmem>> -> memref<496xf32, #tpu.memory_space<vmem>>
        tpu.vector_store_idx %scatter3A_408[%add3A_125], %gather3A_398 : memref<496xf32, #tpu.memory_space<vmem>>[vector<16xi32>], vector<16xf32>,
        %scatter3A_409 = tpu.memref_slice %arg8[%add3A_371] : memref<16384xf32, #tpu.memory_space<vmem>> -> memref<496xf32, #tpu.memory_space<vmem>>
        tpu.vector_store_idx %scatter3A_409[%add3A_129], %gather3A_402 : memref<496xf32, #tpu.memory_space<vmem>>[vector<16xi32>], vector<16xf32>,
        %gather3A_410 = arith.constant 0 : i32
        %gather3A_411 = arith.constant 0 : i32
        %gather3A_412 = tpu.memref_slice %arg6[%gather3A_410, %gather3A_411] : memref<32x512xf32, #tpu.memory_space<vmem>> -> memref<16x512xf32, #tpu.memory_space<vmem>>
        %gather3A_413 = tpu.vector_load_idx %gather3A_412[%iota3A, %add3A_353] : memref<16x512xf32, #tpu.memory_space<vmem>>[vector<16xi32>, vector<16xi32>], vector<16xf32>,
        %gather3A_414 = arith.constant 0 : i32
        %gather3A_415 = arith.constant 0 : i32
        %gather3A_416 = tpu.memref_slice %arg6[%gather3A_414, %gather3A_415] : memref<32x512xf32, #tpu.memory_space<vmem>> -> memref<16x512xf32, #tpu.memory_space<vmem>>
        %gather3A_417 = tpu.vector_load_idx %gather3A_416[%iota3A, %add3A_355] : memref<16x512xf32, #tpu.memory_space<vmem>>[vector<16xi32>, vector<16xi32>], vector<16xf32>,
        %gather3A_418 = arith.constant 0 : i32
        %gather3A_419 = arith.constant 0 : i32
        %gather3A_420 = tpu.memref_slice %arg6[%gather3A_418, %gather3A_419] : memref<32x512xf32, #tpu.memory_space<vmem>> -> memref<16x512xf32, #tpu.memory_space<vmem>>
        %gather3A_421 = tpu.vector_load_idx %gather3A_420[%iota3A, %add3A_357] : memref<16x512xf32, #tpu.memory_space<vmem>>[vector<16xi32>, vector<16xi32>], vector<16xf32>,
        %gather3A_422 = arith.constant 0 : i32
        %gather3A_423 = arith.constant 0 : i32
        %gather3A_424 = tpu.memref_slice %arg6[%gather3A_422, %gather3A_423] : memref<32x512xf32, #tpu.memory_space<vmem>> -> memref<16x512xf32, #tpu.memory_space<vmem>>
        %gather3A_425 = tpu.vector_load_idx %gather3A_424[%iota3A, %add3A_359] : memref<16x512xf32, #tpu.memory_space<vmem>>[vector<16xi32>, vector<16xi32>], vector<16xf32>,
        %gather3A_426 = arith.constant 0 : i32
        %gather3A_427 = arith.constant 0 : i32
        %gather3A_428 = tpu.memref_slice %arg6[%gather3A_426, %gather3A_427] : memref<32x512xf32, #tpu.memory_space<vmem>> -> memref<16x512xf32, #tpu.memory_space<vmem>>
        %gather3A_429 = tpu.vector_load_idx %gather3A_428[%iota3A, %add3A_361] : memref<16x512xf32, #tpu.memory_space<vmem>>[vector<16xi32>, vector<16xi32>], vector<16xf32>,
        %gather3A_430 = arith.constant 0 : i32
        %gather3A_431 = arith.constant 0 : i32
        %gather3A_432 = tpu.memref_slice %arg6[%gather3A_430, %gather3A_431] : memref<32x512xf32, #tpu.memory_space<vmem>> -> memref<16x512xf32, #tpu.memory_space<vmem>>
        %gather3A_433 = tpu.vector_load_idx %gather3A_432[%iota3A, %add3A_363] : memref<16x512xf32, #tpu.memory_space<vmem>>[vector<16xi32>, vector<16xi32>], vector<16xf32>,
        %gather3A_434 = arith.constant 0 : i32
        %gather3A_435 = arith.constant 0 : i32
        %gather3A_436 = tpu.memref_slice %arg6[%gather3A_434, %gather3A_435] : memref<32x512xf32, #tpu.memory_space<vmem>> -> memref<16x512xf32, #tpu.memory_space<vmem>>
        %gather3A_437 = tpu.vector_load_idx %gather3A_436[%iota3A, %add3A_365] : memref<16x512xf32, #tpu.memory_space<vmem>>[vector<16xi32>, vector<16xi32>], vector<16xf32>,
        %gather3A_438 = arith.constant 0 : i32
        %gather3A_439 = arith.constant 0 : i32
        %gather3A_440 = tpu.memref_slice %arg6[%gather3A_438, %gather3A_439] : memref<32x512xf32, #tpu.memory_space<vmem>> -> memref<16x512xf32, #tpu.memory_space<vmem>>
        %gather3A_441 = tpu.vector_load_idx %gather3A_440[%iota3A, %add3A_367] : memref<16x512xf32, #tpu.memory_space<vmem>>[vector<16xi32>, vector<16xi32>], vector<16xf32>,
        %scatter3A_442 = tpu.memref_slice %arg8[%add3A_371] : memref<16384xf32, #tpu.memory_space<vmem>> -> memref<496xf32, #tpu.memory_space<vmem>>
        tpu.vector_store_idx %scatter3A_442[%add3A_133], %gather3A_413 : memref<496xf32, #tpu.memory_space<vmem>>[vector<16xi32>], vector<16xf32>,
        %scatter3A_443 = tpu.memref_slice %arg8[%add3A_371] : memref<16384xf32, #tpu.memory_space<vmem>> -> memref<496xf32, #tpu.memory_space<vmem>>
        tpu.vector_store_idx %scatter3A_443[%add3A_137], %gather3A_417 : memref<496xf32, #tpu.memory_space<vmem>>[vector<16xi32>], vector<16xf32>,
        %scatter3A_444 = tpu.memref_slice %arg8[%add3A_371] : memref<16384xf32, #tpu.memory_space<vmem>> -> memref<496xf32, #tpu.memory_space<vmem>>
        tpu.vector_store_idx %scatter3A_444[%add3A_141], %gather3A_421 : memref<496xf32, #tpu.memory_space<vmem>>[vector<16xi32>], vector<16xf32>,
        %scatter3A_445 = tpu.memref_slice %arg8[%add3A_371] : memref<16384xf32, #tpu.memory_space<vmem>> -> memref<496xf32, #tpu.memory_space<vmem>>
        tpu.vector_store_idx %scatter3A_445[%add3A_145], %gather3A_425 : memref<496xf32, #tpu.memory_space<vmem>>[vector<16xi32>], vector<16xf32>,
        %scatter3A_446 = tpu.memref_slice %arg8[%add3A_371] : memref<16384xf32, #tpu.memory_space<vmem>> -> memref<496xf32, #tpu.memory_space<vmem>>
        tpu.vector_store_idx %scatter3A_446[%add3A_149], %gather3A_429 : memref<496xf32, #tpu.memory_space<vmem>>[vector<16xi32>], vector<16xf32>,
        %scatter3A_447 = tpu.memref_slice %arg8[%add3A_371] : memref<16384xf32, #tpu.memory_space<vmem>> -> memref<496xf32, #tpu.memory_space<vmem>>
        tpu.vector_store_idx %scatter3A_447[%add3A_153], %gather3A_433 : memref<496xf32, #tpu.memory_space<vmem>>[vector<16xi32>], vector<16xf32>,
        %scatter3A_448 = tpu.memref_slice %arg8[%add3A_371] : memref<16384xf32, #tpu.memory_space<vmem>> -> memref<496xf32, #tpu.memory_space<vmem>>
        tpu.vector_store_idx %scatter3A_448[%add3A_157], %gather3A_437 : memref<496xf32, #tpu.memory_space<vmem>>[vector<16xi32>], vector<16xf32>,
        %scatter3A_449 = tpu.memref_slice %arg8[%add3A_371] : memref<16384xf32, #tpu.memory_space<vmem>> -> memref<496xf32, #tpu.memory_space<vmem>>
        tpu.vector_store_idx %scatter3A_449[%add3A_161], %gather3A_441 : memref<496xf32, #tpu.memory_space<vmem>>[vector<16xi32>], vector<16xf32>,
        %mul3A_450 = arith.constant 512 : i32
        %mul3A_451 = arith.muli %scan3A_332, %mul3A_450 : i32
        %add3A_452 = arith.constant 16 : i32
        %add3A_453 = arith.addi %mul3A_451, %add3A_452 : i32
        %gather3A_454 = arith.constant 16 : i32
        %gather3A_455 = arith.constant 0 : i32
        %gather3A_456 = tpu.memref_slice %arg6[%gather3A_454, %gather3A_455] : memref<32x512xf32, #tpu.memory_space<vmem>> -> memref<16x512xf32, #tpu.memory_space<vmem>>
        %gather3A_457 = tpu.vector_load_idx %gather3A_456[%iota3A, %add3A_337] : memref<16x512xf32, #tpu.memory_space<vmem>>[vector<16xi32>, vector<16xi32>], vector<16xf32>,
        %gather3A_458 = arith.constant 16 : i32
        %gather3A_459 = arith.constant 0 : i32
        %gather3A_460 = tpu.memref_slice %arg6[%gather3A_458, %gather3A_459] : memref<32x512xf32, #tpu.memory_space<vmem>> -> memref<16x512xf32, #tpu.memory_space<vmem>>
        %gather3A_461 = tpu.vector_load_idx %gather3A_460[%iota3A, %add3A_339] : memref<16x512xf32, #tpu.memory_space<vmem>>[vector<16xi32>, vector<16xi32>], vector<16xf32>,
        %gather3A_462 = arith.constant 16 : i32
        %gather3A_463 = arith.constant 0 : i32
        %gather3A_464 = tpu.memref_slice %arg6[%gather3A_462, %gather3A_463] : memref<32x512xf32, #tpu.memory_space<vmem>> -> memref<16x512xf32, #tpu.memory_space<vmem>>
        %gather3A_465 = tpu.vector_load_idx %gather3A_464[%iota3A, %add3A_341] : memref<16x512xf32, #tpu.memory_space<vmem>>[vector<16xi32>, vector<16xi32>], vector<16xf32>,
        %gather3A_466 = arith.constant 16 : i32
        %gather3A_467 = arith.constant 0 : i32
        %gather3A_468 = tpu.memref_slice %arg6[%gather3A_466, %gather3A_467] : memref<32x512xf32, #tpu.memory_space<vmem>> -> memref<16x512xf32, #tpu.memory_space<vmem>>
        %gather3A_469 = tpu.vector_load_idx %gather3A_468[%iota3A, %add3A_343] : memref<16x512xf32, #tpu.memory_space<vmem>>[vector<16xi32>, vector<16xi32>], vector<16xf32>,
        %gather3A_470 = arith.constant 16 : i32
        %gather3A_471 = arith.constant 0 : i32
        %gather3A_472 = tpu.memref_slice %arg6[%gather3A_470, %gather3A_471] : memref<32x512xf32, #tpu.memory_space<vmem>> -> memref<16x512xf32, #tpu.memory_space<vmem>>
        %gather3A_473 = tpu.vector_load_idx %gather3A_472[%iota3A, %add3A_345] : memref<16x512xf32, #tpu.memory_space<vmem>>[vector<16xi32>, vector<16xi32>], vector<16xf32>,
        %gather3A_474 = arith.constant 16 : i32
        %gather3A_475 = arith.constant 0 : i32
        %gather3A_476 = tpu.memref_slice %arg6[%gather3A_474, %gather3A_475] : memref<32x512xf32, #tpu.memory_space<vmem>> -> memref<16x512xf32, #tpu.memory_space<vmem>>
        %gather3A_477 = tpu.vector_load_idx %gather3A_476[%iota3A, %add3A_347] : memref<16x512xf32, #tpu.memory_space<vmem>>[vector<16xi32>, vector<16xi32>], vector<16xf32>,
        %gather3A_478 = arith.constant 16 : i32
        %gather3A_479 = arith.constant 0 : i32
        %gather3A_480 = tpu.memref_slice %arg6[%gather3A_478, %gather3A_479] : memref<32x512xf32, #tpu.memory_space<vmem>> -> memref<16x512xf32, #tpu.memory_space<vmem>>
        %gather3A_481 = tpu.vector_load_idx %gather3A_480[%iota3A, %add3A_349] : memref<16x512xf32, #tpu.memory_space<vmem>>[vector<16xi32>, vector<16xi32>], vector<16xf32>,
        %gather3A_482 = arith.constant 16 : i32
        %gather3A_483 = arith.constant 0 : i32
        %gather3A_484 = tpu.memref_slice %arg6[%gather3A_482, %gather3A_483] : memref<32x512xf32, #tpu.memory_space<vmem>> -> memref<16x512xf32, #tpu.memory_space<vmem>>
        %gather3A_485 = tpu.vector_load_idx %gather3A_484[%iota3A, %add3A_351] : memref<16x512xf32, #tpu.memory_space<vmem>>[vector<16xi32>, vector<16xi32>], vector<16xf32>,
        %scatter3A_486 = tpu.memref_slice %arg8[%add3A_453] : memref<16384xf32, #tpu.memory_space<vmem>> -> memref<496xf32, #tpu.memory_space<vmem>>
        tpu.vector_store_idx %scatter3A_486[%add3A_101], %gather3A_457 : memref<496xf32, #tpu.memory_space<vmem>>[vector<16xi32>], vector<16xf32>,
        %scatter3A_487 = tpu.memref_slice %arg8[%add3A_453] : memref<16384xf32, #tpu.memory_space<vmem>> -> memref<496xf32, #tpu.memory_space<vmem>>
        tpu.vector_store_idx %scatter3A_487[%add3A_105], %gather3A_461 : memref<496xf32, #tpu.memory_space<vmem>>[vector<16xi32>], vector<16xf32>,
        %scatter3A_488 = tpu.memref_slice %arg8[%add3A_453] : memref<16384xf32, #tpu.memory_space<vmem>> -> memref<496xf32, #tpu.memory_space<vmem>>
        tpu.vector_store_idx %scatter3A_488[%add3A_109], %gather3A_465 : memref<496xf32, #tpu.memory_space<vmem>>[vector<16xi32>], vector<16xf32>,
        %scatter3A_489 = tpu.memref_slice %arg8[%add3A_453] : memref<16384xf32, #tpu.memory_space<vmem>> -> memref<496xf32, #tpu.memory_space<vmem>>
        tpu.vector_store_idx %scatter3A_489[%add3A_113], %gather3A_469 : memref<496xf32, #tpu.memory_space<vmem>>[vector<16xi32>], vector<16xf32>,
        %scatter3A_490 = tpu.memref_slice %arg8[%add3A_453] : memref<16384xf32, #tpu.memory_space<vmem>> -> memref<496xf32, #tpu.memory_space<vmem>>
        tpu.vector_store_idx %scatter3A_490[%add3A_117], %gather3A_473 : memref<496xf32, #tpu.memory_space<vmem>>[vector<16xi32>], vector<16xf32>,
        %scatter3A_491 = tpu.memref_slice %arg8[%add3A_453] : memref<16384xf32, #tpu.memory_space<vmem>> -> memref<496xf32, #tpu.memory_space<vmem>>
        tpu.vector_store_idx %scatter3A_491[%add3A_121], %gather3A_477 : memref<496xf32, #tpu.memory_space<vmem>>[vector<16xi32>], vector<16xf32>,
        %scatter3A_492 = tpu.memref_slice %arg8[%add3A_453] : memref<16384xf32, #tpu.memory_space<vmem>> -> memref<496xf32, #tpu.memory_space<vmem>>
        tpu.vector_store_idx %scatter3A_492[%add3A_125], %gather3A_481 : memref<496xf32, #tpu.memory_space<vmem>>[vector<16xi32>], vector<16xf32>,
        %scatter3A_493 = tpu.memref_slice %arg8[%add3A_453] : memref<16384xf32, #tpu.memory_space<vmem>> -> memref<496xf32, #tpu.memory_space<vmem>>
        tpu.vector_store_idx %scatter3A_493[%add3A_129], %gather3A_485 : memref<496xf32, #tpu.memory_space<vmem>>[vector<16xi32>], vector<16xf32>,
        %gather3A_494 = arith.constant 16 : i32
        %gather3A_495 = arith.constant 0 : i32
        %gather3A_496 = tpu.memref_slice %arg6[%gather3A_494, %gather3A_495] : memref<32x512xf32, #tpu.memory_space<vmem>> -> memref<16x512xf32, #tpu.memory_space<vmem>>
        %gather3A_497 = tpu.vector_load_idx %gather3A_496[%iota3A, %add3A_353] : memref<16x512xf32, #tpu.memory_space<vmem>>[vector<16xi32>, vector<16xi32>], vector<16xf32>,
        %gather3A_498 = arith.constant 16 : i32
        %gather3A_499 = arith.constant 0 : i32
        %gather3A_500 = tpu.memref_slice %arg6[%gather3A_498, %gather3A_499] : memref<32x512xf32, #tpu.memory_space<vmem>> -> memref<16x512xf32, #tpu.memory_space<vmem>>
        %gather3A_501 = tpu.vector_load_idx %gather3A_500[%iota3A, %add3A_355] : memref<16x512xf32, #tpu.memory_space<vmem>>[vector<16xi32>, vector<16xi32>], vector<16xf32>,
        %gather3A_502 = arith.constant 16 : i32
        %gather3A_503 = arith.constant 0 : i32
        %gather3A_504 = tpu.memref_slice %arg6[%gather3A_502, %gather3A_503] : memref<32x512xf32, #tpu.memory_space<vmem>> -> memref<16x512xf32, #tpu.memory_space<vmem>>
        %gather3A_505 = tpu.vector_load_idx %gather3A_504[%iota3A, %add3A_357] : memref<16x512xf32, #tpu.memory_space<vmem>>[vector<16xi32>, vector<16xi32>], vector<16xf32>,
        %gather3A_506 = arith.constant 16 : i32
        %gather3A_507 = arith.constant 0 : i32
        %gather3A_508 = tpu.memref_slice %arg6[%gather3A_506, %gather3A_507] : memref<32x512xf32, #tpu.memory_space<vmem>> -> memref<16x512xf32, #tpu.memory_space<vmem>>
        %gather3A_509 = tpu.vector_load_idx %gather3A_508[%iota3A, %add3A_359] : memref<16x512xf32, #tpu.memory_space<vmem>>[vector<16xi32>, vector<16xi32>], vector<16xf32>,
        %gather3A_510 = arith.constant 16 : i32
        %gather3A_511 = arith.constant 0 : i32
        %gather3A_512 = tpu.memref_slice %arg6[%gather3A_510, %gather3A_511] : memref<32x512xf32, #tpu.memory_space<vmem>> -> memref<16x512xf32, #tpu.memory_space<vmem>>
        %gather3A_513 = tpu.vector_load_idx %gather3A_512[%iota3A, %add3A_361] : memref<16x512xf32, #tpu.memory_space<vmem>>[vector<16xi32>, vector<16xi32>], vector<16xf32>,
        %gather3A_514 = arith.constant 16 : i32
        %gather3A_515 = arith.constant 0 : i32
        %gather3A_516 = tpu.memref_slice %arg6[%gather3A_514, %gather3A_515] : memref<32x512xf32, #tpu.memory_space<vmem>> -> memref<16x512xf32, #tpu.memory_space<vmem>>
        %gather3A_517 = tpu.vector_load_idx %gather3A_516[%iota3A, %add3A_363] : memref<16x512xf32, #tpu.memory_space<vmem>>[vector<16xi32>, vector<16xi32>], vector<16xf32>,
        %gather3A_518 = arith.constant 16 : i32
        %gather3A_519 = arith.constant 0 : i32
        %gather3A_520 = tpu.memref_slice %arg6[%gather3A_518, %gather3A_519] : memref<32x512xf32, #tpu.memory_space<vmem>> -> memref<16x512xf32, #tpu.memory_space<vmem>>
        %gather3A_521 = tpu.vector_load_idx %gather3A_520[%iota3A, %add3A_365] : memref<16x512xf32, #tpu.memory_space<vmem>>[vector<16xi32>, vector<16xi32>], vector<16xf32>,
        %gather3A_522 = arith.constant 16 : i32
        %gather3A_523 = arith.constant 0 : i32
        %gather3A_524 = tpu.memref_slice %arg6[%gather3A_522, %gather3A_523] : memref<32x512xf32, #tpu.memory_space<vmem>> -> memref<16x512xf32, #tpu.memory_space<vmem>>
        %gather3A_525 = tpu.vector_load_idx %gather3A_524[%iota3A, %add3A_367] : memref<16x512xf32, #tpu.memory_space<vmem>>[vector<16xi32>, vector<16xi32>], vector<16xf32>,
        %scatter3A_526 = tpu.memref_slice %arg8[%add3A_453] : memref<16384xf32, #tpu.memory_space<vmem>> -> memref<496xf32, #tpu.memory_space<vmem>>
        tpu.vector_store_idx %scatter3A_526[%add3A_133], %gather3A_497 : memref<496xf32, #tpu.memory_space<vmem>>[vector<16xi32>], vector<16xf32>,
        %scatter3A_527 = tpu.memref_slice %arg8[%add3A_453] : memref<16384xf32, #tpu.memory_space<vmem>> -> memref<496xf32, #tpu.memory_space<vmem>>
        tpu.vector_store_idx %scatter3A_527[%add3A_137], %gather3A_501 : memref<496xf32, #tpu.memory_space<vmem>>[vector<16xi32>], vector<16xf32>,
        %scatter3A_528 = tpu.memref_slice %arg8[%add3A_453] : memref<16384xf32, #tpu.memory_space<vmem>> -> memref<496xf32, #tpu.memory_space<vmem>>
        tpu.vector_store_idx %scatter3A_528[%add3A_141], %gather3A_505 : memref<496xf32, #tpu.memory_space<vmem>>[vector<16xi32>], vector<16xf32>,
        %scatter3A_529 = tpu.memref_slice %arg8[%add3A_453] : memref<16384xf32, #tpu.memory_space<vmem>> -> memref<496xf32, #tpu.memory_space<vmem>>
        tpu.vector_store_idx %scatter3A_529[%add3A_145], %gather3A_509 : memref<496xf32, #tpu.memory_space<vmem>>[vector<16xi32>], vector<16xf32>,
        %scatter3A_530 = tpu.memref_slice %arg8[%add3A_453] : memref<16384xf32, #tpu.memory_space<vmem>> -> memref<496xf32, #tpu.memory_space<vmem>>
        tpu.vector_store_idx %scatter3A_530[%add3A_149], %gather3A_513 : memref<496xf32, #tpu.memory_space<vmem>>[vector<16xi32>], vector<16xf32>,
        %scatter3A_531 = tpu.memref_slice %arg8[%add3A_453] : memref<16384xf32, #tpu.memory_space<vmem>> -> memref<496xf32, #tpu.memory_space<vmem>>
        tpu.vector_store_idx %scatter3A_531[%add3A_153], %gather3A_517 : memref<496xf32, #tpu.memory_space<vmem>>[vector<16xi32>], vector<16xf32>,
        %scatter3A_532 = tpu.memref_slice %arg8[%add3A_453] : memref<16384xf32, #tpu.memory_space<vmem>> -> memref<496xf32, #tpu.memory_space<vmem>>
        tpu.vector_store_idx %scatter3A_532[%add3A_157], %gather3A_521 : memref<496xf32, #tpu.memory_space<vmem>>[vector<16xi32>], vector<16xf32>,
        %scatter3A_533 = tpu.memref_slice %arg8[%add3A_453] : memref<16384xf32, #tpu.memory_space<vmem>> -> memref<496xf32, #tpu.memory_space<vmem>>
        tpu.vector_store_idx %scatter3A_533[%add3A_161], %gather3A_525 : memref<496xf32, #tpu.memory_space<vmem>>[vector<16xi32>], vector<16xf32>,
        %scan3A_534 = arith.constant 0 : i32
        scf.yield %scan3A_534 : i32
      }
      %scan3A_302 = arith.constant 32 : i32
      %add3A_303 = arith.constant 1 : i32
      %add3A_304 = arith.addi %mul3A_242, %add3A_303 : i32
      %sub3A_305 = arith.constant 1 : i32
      %sub3A_306 = arith.subi %select_n3A, %sub3A_305 : i32
      %min3A_307 = arith.minsi %add3A_304, %sub3A_306 : i32
      %mul3A_308 = arith.constant 32 : i32
      %mul3A_309 = arith.muli %min3A_307, %mul3A_308 : i32
      %add3A_310 = arith.addi %add3A, %mul3A_309 : i32
      %mul3A_311 = arith.constant 512 : i32
      %mul3A_312 = arith.muli %add3A_310, %mul3A_311 : i32
      %mul3A_313 = arith.constant 32 : i32
      %mul3A_314 = arith.muli %mul3A_312, %mul3A_313 : i32
      %dma_start3A_315 = tpu.memref_slice %arg4[%mul3A_314] : memref<32000000xf32, #tpu.memory_space<hbm>> -> memref<16384xf32, #tpu.memory_space<hbm>>
      %dma_start3A_316 = tpu.memref_slice %arg4[%mul3A_314] : memref<32000000xf32, #tpu.memory_space<hbm>> -> memref<16384xf32, #tpu.memory_space<hbm>>
      tpu.enqueue_dma source(%arg8 : memref<16384xf32, #tpu.memory_space<vmem>>) target(%dma_start3A_316 : memref<16384xf32, #tpu.memory_space<hbm>>) target_semaphore(%arg12 : memref<!tpu.dma_semaphore, #tpu.memory_space<semaphore_mem>>)
      %add3A_317 = arith.constant 3 : i32
      %add3A_318 = arith.addi %mul3A_242, %add3A_317 : i32
      %sub3A_319 = arith.constant 1 : i32
      %sub3A_320 = arith.subi %select_n3A, %sub3A_319 : i32
      %min3A_321 = arith.minsi %add3A_318, %sub3A_320 : i32
      %mul3A_322 = arith.constant 32 : i32
      %mul3A_323 = arith.muli %min3A_321, %mul3A_322 : i32
      %add3A_324 = arith.addi %add3A, %mul3A_323 : i32
      %mul3A_325 = arith.constant 512 : i32
      %mul3A_326 = arith.muli %add3A_324, %mul3A_325 : i32
      %dma_start3A_327 = arith.constant 0 : i32
      %dma_start3A_328 = tpu.memref_slice %arg2[%dma_start3A_327, %mul3A_326] : memref<32x1000000xf32, #tpu.memory_space<hbm>> -> memref<32x512xf32, #tpu.memory_space<hbm>>
      %dma_start3A_329 = arith.constant 0 : i32
      %dma_start3A_330 = tpu.memref_slice %arg2[%dma_start3A_329, %mul3A_326] : memref<32x1000000xf32, #tpu.memory_space<hbm>> -> memref<32x512xf32, #tpu.memory_space<hbm>>
      tpu.enqueue_dma source(%dma_start3A_330 : memref<32x512xf32, #tpu.memory_space<hbm>>) target(%arg6 : memref<32x512xf32, #tpu.memory_space<vmem>>) target_semaphore(%arg10 : memref<!tpu.dma_semaphore, #tpu.memory_space<semaphore_mem>>)
      %while3A_331 = arith.constant 0 : i32
      scf.yield %while3A_331 : i32
    }
    %dma_wait3A = arith.constant 0 : i32
    %dma_wait3A_218 = arith.constant 0 : i32
    %dma_wait3A_219 = tpu.memref_slice %arg2[%dma_wait3A, %dma_wait3A_218] : memref<32x1000000xf32, #tpu.memory_space<hbm>> -> memref<32x512xf32, #tpu.memory_space<hbm>>
    %dma_wait3A_220 = arith.constant 0 : i32
    %dma_wait3A_221 = arith.constant 0 : i32
    %dma_wait3A_222 = tpu.memref_slice %arg2[%dma_wait3A_220, %dma_wait3A_221] : memref<32x1000000xf32, #tpu.memory_space<hbm>> -> memref<32x512xf32, #tpu.memory_space<hbm>>
    tpu.wait_dma2 semaphore(%arg9 : memref<!tpu.dma_semaphore, #tpu.memory_space<semaphore_mem>>) src(%dma_wait3A_222 : memref<32x512xf32, #tpu.memory_space<hbm>>) dst(%arg5 : memref<32x512xf32, #tpu.memory_space<vmem>>)
    %dma_wait3A_223 = arith.constant 0 : i32
    %dma_wait3A_224 = arith.constant 0 : i32
    %dma_wait3A_225 = tpu.memref_slice %arg2[%dma_wait3A_223, %dma_wait3A_224] : memref<32x1000000xf32, #tpu.memory_space<hbm>> -> memref<32x512xf32, #tpu.memory_space<hbm>>
    %dma_wait3A_226 = arith.constant 0 : i32
    %dma_wait3A_227 = arith.constant 0 : i32
    %dma_wait3A_228 = tpu.memref_slice %arg2[%dma_wait3A_226, %dma_wait3A_227] : memref<32x1000000xf32, #tpu.memory_space<hbm>> -> memref<32x512xf32, #tpu.memory_space<hbm>>
    tpu.wait_dma2 semaphore(%arg10 : memref<!tpu.dma_semaphore, #tpu.memory_space<semaphore_mem>>) src(%dma_wait3A_228 : memref<32x512xf32, #tpu.memory_space<hbm>>) dst(%arg6 : memref<32x512xf32, #tpu.memory_space<vmem>>)
    %dma_wait3A_229 = arith.constant 0 : i32
    %dma_wait3A_230 = tpu.memref_slice %arg4[%dma_wait3A_229] : memref<32000000xf32, #tpu.memory_space<hbm>> -> memref<16384xf32, #tpu.memory_space<hbm>>
    %dma_wait3A_231 = arith.constant 0 : i32
    %dma_wait3A_232 = tpu.memref_slice %arg4[%dma_wait3A_231] : memref<32000000xf32, #tpu.memory_space<hbm>> -> memref<16384xf32, #tpu.memory_space<hbm>>
    tpu.wait_dma2 semaphore(%arg11 : memref<!tpu.dma_semaphore, #tpu.memory_space<semaphore_mem>>) src(%arg7 : memref<16384xf32, #tpu.memory_space<vmem>>) dst(%dma_wait3A_232 : memref<16384xf32, #tpu.memory_space<hbm>>)
    %dma_wait3A_233 = arith.constant 0 : i32
    %dma_wait3A_234 = tpu.memref_slice %arg4[%dma_wait3A_233] : memref<32000000xf32, #tpu.memory_space<hbm>> -> memref<16384xf32, #tpu.memory_space<hbm>>
    %dma_wait3A_235 = arith.constant 0 : i32
    %dma_wait3A_236 = tpu.memref_slice %arg4[%dma_wait3A_235] : memref<32000000xf32, #tpu.memory_space<hbm>> -> memref<16384xf32, #tpu.memory_space<hbm>>
    tpu.wait_dma2 semaphore(%arg12 : memref<!tpu.dma_semaphore, #tpu.memory_space<semaphore_mem>>) src(%arg8 : memref<16384xf32, #tpu.memory_space<vmem>>) dst(%dma_wait3A_236 : memref<16384xf32, #tpu.memory_space<hbm>>)
    %eq3A = arith.constant 17 : i32
    %eq3A_237 = arith.cmpi eq, %add3A, %eq3A : i32
    %convert_element_type3A = arith.extui %eq3A_237 : i1 to i32
    %cond3A = arith.constant 0 : i32
    %cond3A_238 = arith.cmpi ne, %convert_element_type3A, %cond3A : i32
    scf.if %cond3A_238 {
      "tpu.region"() ({
        %run_scoped3A = tpu.sem_alloc : memref<!tpu.dma_semaphore, #tpu.memory_space<semaphore_mem>>
        %dma_start3A_239 = arith.constant 31997952 : i32
        %dma_start3A_240 = tpu.memref_slice %arg4[%dma_start3A_239] : memref<32000000xf32, #tpu.memory_space<hbm>> -> memref<2048xf32, #tpu.memory_space<hbm>>
        tpu.enqueue_dma source(%arg3 : memref<2048xf32, #tpu.memory_space<hbm>>) target(%dma_start3A_240 : memref<2048xf32, #tpu.memory_space<hbm>>) target_semaphore(%run_scoped3A : memref<!tpu.dma_semaphore, #tpu.memory_space<semaphore_mem>>)
        %dma_wait3A_241 = arith.constant 31997952 : i32
        %dma_wait3A_242 = tpu.memref_slice %arg4[%dma_wait3A_241] : memref<32000000xf32, #tpu.memory_space<hbm>> -> memref<2048xf32, #tpu.memory_space<hbm>>
        tpu.wait_dma2 semaphore(%run_scoped3A : memref<!tpu.dma_semaphore, #tpu.memory_space<semaphore_mem>>) src(%arg3 : memref<2048xf32, #tpu.memory_space<hbm>>) dst(%dma_wait3A_242 : memref<2048xf32, #tpu.memory_space<hbm>>)
        tpu.yield
      }) : () -> ()
    } else {
    }
    return
  }
}

</mosaic_0001>

<sc_bundles>
// kernel: _encode.3.cloned.1.call-start
scs
__scs_entry_jumppad:
0x0: {  	(pc) =	sbr.rel $0x88, $3  }
0x1: {  	(tag) =	ssettag $0x0;
	lr =	simm.s32 $0x1  }
0x2: {  	[smem:$0x3F9E] =	sst lr;
	_ =	strace $0xD0000000  }
0x3: {  	_ = 	snop  }
0x4: {  	_ = 	snop  }
0x5: {  	_ = 	snop  }
0x6: {  	_ = 	snop  }
0x7: {  	_ = 	snop  }
__scs_overlays_trampoline_lowered:
0x8: {  	[smem:$0x3FAD] =	sst s0  }
0x9: {  	[smem:$0x3FAE] =	sst s1  }
0xa: {  	[smem:$0x3FAF] =	sst s2  }
0xb: {  	[smem:$0x3FB0] =	sst s3  }
0xc: {  	[smem:$0x3FB1] =	sst s4  }
0xd: {  	[smem:$0x3FB2] =	sst s5  }
0xe: {  	[smem:$0x3FB3] =	sst s6  }
0xf: {  	[smem:$0x3FB4] =	sst s7  }
0x10: {  	[smem:$0x3FB5] =	sst s8  }
0x11: {  	[smem:$0x3FB6] =	sst s9;
	s0 =	simm.s32 @!p0 $0x0  }
0x12: {  	s1 =	sld [smem:$0x3F9C];
	s0 =	simm.s32 @p0 $0x1  }
0x13: {  	[smem:$0x3FB7] =	sst s0;
	s0 =	simm.s32 @!p1 $0x0  }
0x14: {  	s2 =	sld [smem:$0x3F9B];
	s0 =	simm.s32 @p1 $0x1  }
0x15: {  	[smem:$0x3FB8] =	sst s0;
	s0 =	simm.s32 @!p2 $0x0  }
0x16: {  	s3 =	sld [smem:$0x3FDB];
	s0 =	simm.s32 @p2 $0x1  }
0x17: {  	s4 =	simm.s32 $0x1BF5;
	[smem:$0x3FBA] =	sst s0  }
0x18: {  	s0 =	sld [smem:$0x3F9D];
	_ =	swait.ge [sflag:s4], $0x0  }
0x19: {  	s7 =	sld [smem:$0x3F9E]  }
0x1a: {  	s8 =	sadd.s32 $0xFFFFE003, lr  }
0x1b: {  	s9 =	sadd.s32 $0xFFFFFEF7, lr;
	s5 =	simm.s32 $0xFFFFFFFF;
	p2 =	slt.u32 s8, $0xFFFFF086  }
0x1c: {  	p1 =	slt.u32 s9, $0xF7A;
	s5 =	simm.s32 @!p2 $0x0  }
0x1d: {  	s5 =	simm.s32 @p1 $0x1;
	p0 =	seq.s32 s7, s2  }
0x1e: {  	s7 =	smul.u32 @!p0 $0xF7A, s2;
	p2 =	seq.s32 @!p0 s5, $0x0  }
0x1f: {  	s9 =	smul.u32 $0xF7A, s1;
	s8 =	simm.s32 @!p0 $0x1BF5;
	p2 =	por !p2, p0  }
0x20: {  	[sflag:s8] =	ssyncset.s32 @!p0 $0xFFFFF086;
	s6 =	sadd.s32 @!p0 s3, s7;
	s7 =	simm.s32 @!p0 $0x108  }
0x21: {  	s3 =	sadd.s32 s3, s9;
	s6 =	sadd.s32 @!p0 $0x88, s6;
	s7 =	simm.s32 @p2 $0x1082  }
0x22: {  	[simem:s7], [sflag:s8] =	dma.local @!p0 [hbm:s6], $0xF7A  }
0x23: {  	s9 =	sor.u32 $0xD0000000, s2;
	s6 =	simm.s32 $0x108;
	_ =	swait.ge @!p0 [sflag:s8], $0x0  }
0x24: {  	s3 =	sadd.s32 $0x88, s3;
	s6 =	simm.s32 @!p1 $0x1082;
	[sflag:s4] =	ssyncset.s32 $0xFFFFF086  }
0x25: {  	[simem:s6], [sflag:s4] =	dma.local [hbm:s3], $0xF7A  }
0x26: {  	[smem:$0x3F9E] =	sst s1;
	(tag) =	ssettag s2;
	_ =	strace s9  }
0x27: {  	s1 =	sld [smem:$0x3FAE]  }
0x28: {  	s2 =	sld [smem:$0x3FAF]  }
0x29: {  	s4 =	sld [smem:$0x3FB1]  }
0x2a: {  	p0 =	seq.s32 s5, $0x0;
	s5 =	sld [smem:$0x3FB2]  }
0x2b: {  	s6 =	sld [smem:$0x3FB3]  }
0x2c: {  	s7 =	sld [smem:$0x3FB4]  }
0x2d: {  	s3 =	simm.s32 $0x108;
	s8 =	sld [smem:$0x3FB5]  }
0x2e: {  	s3 =	simm.s32 @!p0 $0x1082;
	s9 =	sld [smem:$0x3FB6]  }
0x2f: {  	lr =	sadd.s32 s0, s3;
	s0 =	sld [smem:$0x3FAD]  }
0x30: {  	s3 =	sld [smem:$0x3FB0]  }
0x31: {  	[smem:$0x3FB9] =	sst s10  }
0x32: {  	s10 =	sld [smem:$0x3FB7];
	_ =	sdelay $0x3  }
0x33: {  	p0 =	seq.s32 s10, $0x1;
	s10 =	sld [smem:$0x3FB9];
	_ =	sdelay $0x3  }
0x34: {  	[smem:$0x3FB9] =	sst s10  }
0x35: {  	s10 =	sld [smem:$0x3FB8];
	_ =	sdelay $0x3  }
0x36: {  	p1 =	seq.s32 s10, $0x1;
	s10 =	sld [smem:$0x3FB9];
	_ =	sdelay $0x3  }
0x37: {  	[smem:$0x3FB9] =	sst s10  }
0x38: {  	s10 =	sld [smem:$0x3FBA]  }
0x39: {  	_ = 	snop;
	(pc) =	sbr.ind lr, $3  }
0x3a: {  	_ = 	snop  }
0x3b: {  	_ = 	snop  }
0x3c: {  	p2 =	seq.s32 s10, $0x1;
	s10 =	sld [smem:$0x3FB9]  }
0x3d: {  	_ =	shalt  }
0x3e: {  	_ =	shalt  }
0x3f: {  	_ =	shalt  }
0x40: {  	_ =	shalt  }
0x41: {  	_ =	shalt  }
0x42: {  	_ =	shalt  }
0x43: {  	_ =	shalt  }
0x44: {  	_ =	shalt  }
0x45: {  	_ =	shalt  }
0x46: {  	_ =	shalt  }
0x47: {  	_ =	shalt  }
0x48: {  	_ =	shalt  }
0x49: {  	_ =	shalt  }
0x4a: {  	_ =	shalt  }
0x4b: {  	_ =	shalt  }
0x4c: {  	_ =	shalt  }
0x4d: {  	_ =	shalt  }
0x4e: {  	_ =	shalt  }
0x4f: {  	_ =	shalt  }
0x50: {  	_ =	shalt  }
0x51: {  	_ =	shalt  }
0x52: {  	_ =	shalt  }
0x53: {  	_ =	shalt  }
0x54: {  	_ =	shalt  }
0x55: {  	_ =	shalt  }
0x56: {  	_ =	shalt  }
0x57: {  	_ =	shalt  }
0x58: {  	_ =	shalt  }
0x59: {  	_ =	shalt  }
0x5a: {  	_ =	shalt  }
0x5b: {  	_ =	shalt  }
0x5c: {  	_ =	shalt  }
0x5d: {  	_ =	shalt  }
0x5e: {  	_ =	shalt  }
0x5f: {  	_ =	shalt  }
0x60: {  	_ =	shalt  }
0x61: {  	_ =	shalt  }
0x62: {  	_ =	shalt  }
0x63: {  	_ =	shalt  }
0x64: {  	_ =	shalt  }
0x65: {  	_ =	shalt  }
0x66: {  	_ =	shalt  }
0x67: {  	_ =	shalt  }
0x68: {  	_ =	shalt  }
0x69: {  	_ =	shalt  }
0x6a: {  	_ =	shalt  }
0x6b: {  	_ =	shalt  }
0x6c: {  	_ =	shalt  }
0x6d: {  	_ =	shalt  }
0x6e: {  	_ =	shalt  }
0x6f: {  	_ =	shalt  }
0x70: {  	_ =	shalt  }
0x71: {  	_ =	shalt  }
0x72: {  	_ =	shalt  }
0x73: {  	_ =	shalt  }
0x74: {  	_ =	shalt  }
0x75: {  	_ =	shalt  }
0x76: {  	_ =	shalt  }
0x77: {  	_ =	shalt  }
0x78: {  	_ =	shalt  }
0x79: {  	_ =	shalt  }
0x7a: {  	_ =	shalt  }
0x7b: {  	_ =	shalt  }
0x7c: {  	_ =	shalt  }
0x7d: {  	_ =	shalt  }
0x7e: {  	_ =	shalt  }
0x7f: {  	_ =	shalt  }
0x80: {  	_ =	shalt  }
0x81: {  	_ =	shalt  }
0x82: {  	_ =	shalt  }
0x83: {  	_ =	shalt  }
0x84: {  	_ =	shalt  }
0x85: {  	_ =	shalt  }
0x86: {  	_ =	shalt  }
0x87: {  	_ =	shalt  }
.Lfunc_end0:
.L_simem_size_0:
called_computation.1_lowered:
.L_overlay_start_0:
0x88: {  	s2 =	sld [smem:$0x3FD9]  }
0x89: {  	s3 =	sld [smem:$0x3FFE];
	_ =	sdelay $0x1  }
0x8a: {  	s1 =	srdreg.scid  }
0x8b: {  	s0 =	sand.u32 $0x1, s1  }
0x8c: {  	s17 =	sshll.u32 s0, $0xA;
	s2 =	sadd.s32 s3, s2  }
0x8d: {  	s2 =	sadd.s32 s2, s17  }
0x8e: {  	[smem:$0x3FC5] =	sst s2  }
0x8f: {  	_ = 	snop  }
0x90: {  	s2 =	sld [smem:$0x3FC9]  }
0x91: {  	s18 =	sld [smem:$0x3FD0];
	(tm) =	ssettm $0x1  }
0x92: {  	s4 =	sld [smem:$0x3FFB];
	_ =	sdelay $0x3  }
0x93: {  	_ =	strace s4  }
0x94: {  	s4 =	sld [smem:$0x3FFC];
	_ =	sdelay $0x3  }
0x95: {  	_ =	strace s4  }
0x96: {  	s4 =	sld [smem:$0x3FFD];
	_ =	sdelay $0x3  }
0x97: {  	_ =	strace s4  }
0x98: {  	_ =	strace $0x8FFFFFFF  }
0x99: {  	s19 =	sld [smem:$0x3FDB];
	_ =	sdelay $0x1  }
0x9a: {  	s5 =	simm.s32 $_scs_section_size  }
0x9b: {  	s6 =	simm.s32 $_size__tile_overlayer_lowered;
	s7 =	simm.s32 $_tile_overlayer_lowered  }
0x9c: {  	s22 =	simm.s32 $0x1BFF;
	s21 =	sshll.u32 s7, $0x1;
	s4 =	sadd.s32 s5, s19  }
0x9d: {  	s8 =	simm.s32 $0x0;
	s20 =	sshll.u32 s6, $0x1;
	s6 =	sadd.s32 s21, s4  }
0x9e: {  	[timem:s8], [sflag:s22] =	dma.local [hbm:s6], s20  }
0x9f: {  	_ =	swait.ge [sflag:s22], s20  }
0xa0: {  	s5 =	ssub.s32 $0x0, s20;
	[sflag:s22] =	ssyncset.done $0x0  }
0xa1: {  	[sflag:s22] =	ssyncadd.s32 s5;
	_ =	sdelay $0x1  }
0xa2: {  	s23 =	simm.s32 $0x1B8B  }
0xa3: {  	_ =	swait.ge [sflag:s23], $0x1  }
0xa4: {  	[sflag:s23] =	ssyncset.done $0x0  }
0xa5: {  	s25 =	simm.s32 $0x1B8E;
	s24 =	sld [smem:$0x3FFE];
	[sflag:s23] =	ssyncadd.s32 $0xFFFFFFFF  }
0xa6: {  	s26 =	simm.s32 $execute0_lowered;
	[smem:$0x3FD2] =	sst s25  }
0xa7: {  	s6 =	sshll.u32 s26, $0x1;
	_ =	strace $0x80000049;
	[dreg:$0x1] =	wrdreg $0xFFFFFFFF  }
0xa8: {  	s28 =	simm.s32 $_size_execute0_lowered;
	s4 =	sadd.s32 s4, s6;
	[dreg:$0x0] =	wrdreg $0x0  }
0xa9: {  	s6 =	sshll.u32 s28, $0x1;
	[dreg:$0x2] =	wrdreg s4  }
0xaa: {  	[dreg:$0x3] =	wrdreg s6  }
0xab: {  	[dreg:$0x4] =	wrdreg $0xC0  }
0xac: {  	_ =	task [dreg:s8], $0x5FFFF  }
0xad: {  	[dreg:$0x1] =	wrdreg $0xFFFFFFFF  }
0xae: {  	[dreg:$0x0] =	wrdreg $0x60  }
0xaf: {  	[dreg:$0x2] =	wrdreg s2  }
0xb0: {  	[dreg:$0x3] =	wrdreg s24  }
0xb1: {  	[dreg:$0x4] =	wrdreg s18  }
0xb2: {  	[dreg:$0x5] =	wrdreg $0x9  }
0xb3: {  	_ =	task.clear_ibuf [dreg:s8], $0x6FFFF;
	_ =	strace $0x90000049  }
0xb4: {  	s29 =	simm.s32 $0x9;
	_ =	strace $0x8000004B  }
0xb5: {  	_ =	swait.ge [sflag:s29], $0x1  }
0xb6: {  	[sflag:s29] =	ssyncadd.s32 $0xFFFFFFFF  }
0xb7: {  	_ =	strace $0x9000004B  }
0xb8: {  	_ =	sfence  }
0xb9: {  	s30 =	sld [smem:$0x0];
	_ =	sdelay $0x2  }
0xba: {  	s31 =	sshll.u32 s1, $0xD;
	s1 =	sshrl.u32 s1, $0x2  }
0xbb: {  	s3 =	sand.u32 $0x4000, s31;
	s1 =	sadd.s32 s1, s30  }
0xbc: {  	s0 =	sor.u32 s3, s0;
	s1 =	sshll.u32 s1, $0x11  }
0xbd: {  	s0 =	sor.u32 s1, s0  }
0xbe: {  	s0 =	sadd.s32 $0x8F2B, s0  }
0xbf: {  	[sflag:s0] =	ssyncadd.remote.s32 $0x1  }
0xc0: {  	_ =	sfence.sel $0xFFFF  }
0xc1: {  	[dreg:$0x0] =	wrdreg $0xFFFFFFFF;
	(pc) =	sbr.abs _section_cstart, $3  }
0xc2: {  	[dreg:$0x1] =	wrdreg $0xFFFFFFFF  }
0xc3: {  	_ =	task.clear_ibuf [dreg:s8], $0x2FFFF;
	_ =	strace $0x9FFFFFFF  }
0xc4: {  	(tm) =	ssettm $0x7FFFFFFF  }
0xc5: {  	_ =	shalt  }
tec
execute0_lowered:
.L_overlay_start_1:
0x0: {  	(tag) =	ssettag $0x1  }
0x1: {  	s4 =	rddreg [dreg:$0x0]  }
0x2: {  	s3 =	rddreg [dreg:$0x1]  }
0x3: {  	s1 =	srdreg.scid;
	s0 =	stileid.u32  }
0x4: {  	s5 =	rddreg [dreg:$0x2];
	s2 =	simm.s32 $0x0;
	s10 =	simm.s32 $0x68  }
0x5: {  	s11 =	simm.s32 $0x7000;
	s12 =	simm.s32 $0xC8;
	s13 =	simm.s32 $0x7D00  }
0x6: {  	s14 =	simm.s32 $0x128;
	s15 =	simm.s32 $0x8900;
	s16 =	simm.s32 $0x1  }
0x7: {  	s17 =	simm.s32 $0x2;
	s18 =	simm.s32 $0x9600;
	s19 =	simm.s32 $0x0  }
0x8: {  	s6 =	sand.u32 $0x1, s1;
	s7 =	sshll.u32 s0, $0x1;
	s1 =	rddreg [dreg:$0x3]  }
0x9: {  	[smem:$0x7FF] =	sst s2;
	s7 =	sor.u32 s6, s7;
	s6 =	ssub.s32 $0x2, s6  }
0xa: {  	s3 =	sadd.s32 $0x800, s3;
	_ =	strace $0x8000004A;
	s9 =	sshrl.u32 s6, $0x1  }
0xb: {  	s8 =	smul.u32 $0xC80, s7;
	s7 =	sshll.u32 s7, $0x9;
	s6 =	ssub.s32 s6, s9  }
0xc: {  	s5 =	sadd.s32 s5, s7;
	s7 =	simm.s32 $0x3;
	s9 =	simm.s32 $0x6400  }
0xd: {  	s4 =	sadd.s32 s4, s8;
	s6 =	smax.u32 s6, $0x1;
	s8 =	simm.s32 $0x60  }
.LBB2_1:
0xe: {  	[tilespmem:s2], [sflag:$0x3] =	stream.linear.gather [hbm4b:s4+s2], $0x6400, $0x38;
	[tilespmem:$0xA600] =	vst v63  }
0xf: {  	_ =	swait.ge [sflag:s7], $0x6400  }
0x10: {  	[sflag:s7] =	ssyncset.done $0x0  }
0x11: {  	[sflag:s7] =	ssyncadd.s32 $0xFFFF9C00  }
0x12: {  	[tilespmem:s9], [sflag:$0x1] =	stream.indirect.gather [hbm4b:s3+s8], $0x20, s2, s8, $0xb8;
	[tilespmem:$0xA600] =	vst v63  }
0x13: {  	_ = 	snop  }
0x14: {  	[tilespmem:s11], [sflag:$0x1] =	stream.indirect.gather [hbm4b:s3+s10], $0x20, s8, s10, $0xb8;
	[tilespmem:$0xA600] =	vst v63  }
0x15: {  	_ = 	snop  }
0x16: {  	[tilespmem:s13], [sflag:$0x2] =	stream.indirect.gather [hbm4b:s3+s8], $0x20, s12, s8, $0xb8;
	[tilespmem:$0xA600] =	vst v63  }
0x17: {  	s20 =	simm.s32 $0x0  }
0x18: {  	[tilespmem:s15], [sflag:$0x2] =	stream.indirect.gather [hbm4b:s3+s10], $0x20, s14, s10, $0xb8;
	[tilespmem:$0xA600] =	vst v63  }
.LBB2_2:
0x19: {  	_ =	swait.ge [sflag:s16], $0x1900  }
0x1a: {  	[sflag:s16] =	ssyncset.done $0x0  }
0x1b: {  	s22 =	simm.s32 $0x6480;
	[sflag:s16] =	ssyncadd.s32 $0xFFFFE700  }
0x1c: {  	v0 =	vld [tilespmem:s22+$0xFFFFFF80]  }
0x1d: {  	v1 =	vld [tilespmem:s22+$0xFFFFFF90]  }
0x1e: {  	v2 =	vld [tilespmem:s22+$0xFFFFFFA0]  }
0x1f: {  	v3 =	vld [tilespmem:s22+$0xFFFFFFB0]  }
0x20: {  	v4 =	vld [tilespmem:s22+$0xFFFFFFC0]  }
0x21: {  	v6 =	vimm.f32 $0.0e+00;
	v5 =	vld [tilespmem:s22+$0xFFFFFFD0]  }
0x22: {  	v7 =	vld [tilespmem:s22+$0xFFFFFFE0];
	v0 =	vadd.f32 v0, v6;
	v1 =	vadd.f32 v1, v6  }
0x23: {  	v6 =	vld [tilespmem:s22+$0xFFFFFFF0]  }
0x24: {  	v8 =	vld [tilespmem:s22+$0x0];
	v2 =	vadd.f32 v2, v0;
	v1 =	vadd.f32 v3, v1  }
0x25: {  	v9 =	vld [tilespmem:s22+$0x10]  }
0x26: {  	v0 =	vld [tilespmem:s22+$0x20];
	v2 =	vadd.f32 v4, v2;
	v3 =	vadd.f32 v5, v1  }
0x27: {  	v5 =	vld [tilespmem:s22+$0x30]  }
0x28: {  	v1 =	vld [tilespmem:s22+$0x40];
	v4 =	vadd.f32 v7, v2;
	v7 =	vadd.f32 v6, v3  }
0x29: {  	v3 =	vld [tilespmem:s22+$0x50]  }
0x2a: {  	v2 =	vld [tilespmem:s22+$0x60];
	v6 =	vadd.f32 v8, v4;
	v7 =	vadd.f32 v9, v7  }
0x2b: {  	s21 =	simm.s32 $0x0;
	v4 =	vld [tilespmem:s22+$0x70];
	s22 =	simm.s32 $0x6580  }
.LBB2_3:
0x2c: {  	v8 =	vld [tilespmem:s22+$0xFFFFFF80];
	v0 =	vadd.f32 v0, v6;
	v5 =	vadd.f32 v5, v7  }
0x2d: {  	s21 =	sadd.s32 $0x8, s21;
	v6 =	vld [tilespmem:s22+$0xFFFFFF90]  }
0x2e: {  	p0 =	slt.u32 s21, $0xC0;
	v7 =	vld [tilespmem:s22+$0xFFFFFFA0];
	v0 =	vadd.f32 v1, v0;
	v1 =	vadd.f32 v3, v5  }
0x2f: {  	v3 =	vld [tilespmem:s22+$0xFFFFFFB0]  }
0x30: {  	v5 =	vld [tilespmem:s22+$0xFFFFFFC0];
	v0 =	vadd.f32 v2, v0;
	v1 =	vadd.f32 v4, v1  }
0x31: {  	v2 =	vld [tilespmem:s22+$0xFFFFFFD0]  }
0x32: {  	v0 =	vadd.f32 v8, v0;
	v1 =	vadd.f32 v6, v1;
	v4 =	vld [tilespmem:s22+$0xFFFFFFE0]  }
0x33: {  	v6 =	vld [tilespmem:s22+$0xFFFFFFF0]  }
0x34: {  	v0 =	vadd.f32 v7, v0;
	v1 =	vadd.f32 v3, v1;
	v7 =	vld [tilespmem:s22+$0x0]  }
0x35: {  	v8 =	vld [tilespmem:s22+$0x10]  }
0x36: {  	v3 =	vadd.f32 v5, v0;
	v1 =	vadd.f32 v2, v1;
	v0 =	vld [tilespmem:s22+$0x20]  }
.Ltmp0:
0x37: {  	v5 =	vld [tilespmem:s22+$0x30];
	(pc) =	sbr.rel @p0 .LBB2_3-.Ltmp0, $4  }
0x38: {  	v2 =	vadd.f32 v4, v3;
	v4 =	vadd.f32 v6, v1;
	v1 =	vld [tilespmem:s22+$0x40]  }
0x39: {  	v3 =	vld [tilespmem:s22+$0x50]  }
0x3a: {  	v6 =	vadd.f32 v7, v2;
	v7 =	vadd.f32 v8, v4;
	v2 =	vld [tilespmem:s22+$0x60]  }
0x3b: {  	v4 =	vld [tilespmem:s22+$0x70];
	s22 =	sadd.s32 $0x100, s22  }
0x3c: {  	v0 =	vadd.f32 v0, v6  }
0x3d: {  	v5 =	vadd.f32 v5, v7  }
0x3e: {  	s21 =	sshll.u32 s20, $0x1;
	v0 =	vadd.f32 v1, v0  }
0x3f: {  	s22 =	smin.u32 s21, $0x7D;
	v1 =	vadd.f32 v3, v5  }
0x40: {  	s23 =	sshll.u32 s20, $0x6;
	s24 =	smul.u32 $0x320, s22;
	v0 =	vadd.f32 v2, v0  }
0x41: {  	s22 =	sand.u32 $0x3FFFFFC0, s23;
	v1 =	vadd.f32 v4, v1  }
0x42: {  	s30 =	sshrl.u32 s24, $0x2;
	[tilespmem:s22+$0x9600] =	vst v0  }
0x43: {  	s24 =	sadd.s32 $0x190, s30;
	[tilespmem:s22+$0x9610] =	vst v1  }
0x44: {  	[tilespmem:s9], [sflag:$0x1] =	stream.indirect.gather [hbm4b:s3+s8], $0x20, s24, s8, $0xb8;
	[tilespmem:$0xA600] =	vst v63  }
0x45: {  	s23 =	sadd.s32 $0x1F0, s30  }
0x46: {  	[tilespmem:s11], [sflag:$0x1] =	stream.indirect.gather [hbm4b:s3+s10], $0x20, s23, s10, $0xb8;
	[tilespmem:$0xA600] =	vst v63  }
0x47: {  	_ =	swait.ge [sflag:s17], $0x1900  }
0x48: {  	[sflag:s17] =	ssyncset.done $0x0  }
0x49: {  	s31 =	simm.s32 $0x7D80;
	[sflag:s17] =	ssyncadd.s32 $0xFFFFE700  }
0x4a: {  	v0 =	vld [tilespmem:s31+$0xFFFFFF80]  }
0x4b: {  	v1 =	vld [tilespmem:s31+$0xFFFFFF90]  }
0x4c: {  	v2 =	vld [tilespmem:s31+$0xFFFFFFA0]  }
0x4d: {  	v3 =	vld [tilespmem:s31+$0xFFFFFFB0]  }
0x4e: {  	v4 =	vld [tilespmem:s31+$0xFFFFFFC0]  }
0x4f: {  	v6 =	vimm.f32 $0.0e+00;
	v5 =	vld [tilespmem:s31+$0xFFFFFFD0]  }
0x50: {  	v7 =	vld [tilespmem:s31+$0xFFFFFFE0];
	v0 =	vadd.f32 v0, v6;
	v1 =	vadd.f32 v1, v6  }
0x51: {  	v6 =	vld [tilespmem:s31+$0xFFFFFFF0]  }
0x52: {  	v8 =	vld [tilespmem:s31+$0x0];
	v2 =	vadd.f32 v2, v0;
	v1 =	vadd.f32 v3, v1  }
0x53: {  	v9 =	vld [tilespmem:s31+$0x10]  }
0x54: {  	v0 =	vld [tilespmem:s31+$0x20];
	v2 =	vadd.f32 v4, v2;
	v4 =	vadd.f32 v5, v1  }
0x55: {  	v3 =	vld [tilespmem:s31+$0x30]  }
0x56: {  	v1 =	vld [tilespmem:s31+$0x40];
	v5 =	vadd.f32 v7, v2;
	v7 =	vadd.f32 v6, v4  }
0x57: {  	v4 =	vld [tilespmem:s31+$0x50]  }
0x58: {  	v2 =	vld [tilespmem:s31+$0x60];
	v6 =	vadd.f32 v8, v5;
	v7 =	vadd.f32 v9, v7  }
0x59: {  	s24 =	simm.s32 $0x7E80;
	s23 =	simm.s32 $0x0;
	v5 =	vld [tilespmem:s31+$0x70]  }
.LBB2_5:
0x5a: {  	v8 =	vld [tilespmem:s24+$0xFFFFFF80];
	v0 =	vadd.f32 v0, v6;
	v3 =	vadd.f32 v3, v7  }
0x5b: {  	s23 =	sadd.s32 $0x8, s23;
	v6 =	vld [tilespmem:s24+$0xFFFFFF90]  }
0x5c: {  	p0 =	slt.u32 s23, $0xC0;
	v7 =	vld [tilespmem:s24+$0xFFFFFFA0];
	v0 =	vadd.f32 v1, v0;
	v1 =	vadd.f32 v4, v3  }
0x5d: {  	v3 =	vld [tilespmem:s24+$0xFFFFFFB0]  }
0x5e: {  	v4 =	vld [tilespmem:s24+$0xFFFFFFC0];
	v0 =	vadd.f32 v2, v0;
	v1 =	vadd.f32 v5, v1  }
0x5f: {  	v2 =	vld [tilespmem:s24+$0xFFFFFFD0]  }
0x60: {  	v0 =	vadd.f32 v8, v0;
	v1 =	vadd.f32 v6, v1;
	v5 =	vld [tilespmem:s24+$0xFFFFFFE0]  }
0x61: {  	v6 =	vld [tilespmem:s24+$0xFFFFFFF0]  }
0x62: {  	v0 =	vadd.f32 v7, v0;
	v1 =	vadd.f32 v3, v1;
	v7 =	vld [tilespmem:s24+$0x0]  }
0x63: {  	v8 =	vld [tilespmem:s24+$0x10]  }
0x64: {  	v4 =	vadd.f32 v4, v0;
	v1 =	vadd.f32 v2, v1;
	v0 =	vld [tilespmem:s24+$0x20]  }
.Ltmp1:
0x65: {  	v3 =	vld [tilespmem:s24+$0x30];
	(pc) =	sbr.rel @p0 .LBB2_5-.Ltmp1, $4  }
0x66: {  	v2 =	vadd.f32 v5, v4;
	v5 =	vadd.f32 v6, v1;
	v1 =	vld [tilespmem:s24+$0x40]  }
0x67: {  	v4 =	vld [tilespmem:s24+$0x50]  }
0x68: {  	v6 =	vadd.f32 v7, v2;
	v7 =	vadd.f32 v8, v5;
	v2 =	vld [tilespmem:s24+$0x60]  }
0x69: {  	v5 =	vld [tilespmem:s24+$0x70];
	s24 =	sadd.s32 $0x100, s24  }
0x6a: {  	v0 =	vadd.f32 v0, v6  }
0x6b: {  	v3 =	vadd.f32 v3, v7  }
0x6c: {  	v0 =	vadd.f32 v1, v0  }
0x6d: {  	s21 =	smin.u32 s21, $0x7C;
	v63 =	vadd.f32 v4, v3  }
0x6e: {  	s20 =	sadd.s32 $0x1, s20;
	s21 =	smul.u32 $0x320, s21;
	v0 =	vadd.f32 v2, v0  }
0x6f: {  	p0 =	sne.s32 s20, $0x40;
	v1 =	vadd.f32 v5, v63  }
.Ltmp2:
0x70: {  	s21 =	sshrl.u32 s21, $0x2;
	[tilespmem:s22+$0x9620] =	vst v0;
	(pc) =	sbr.rel @p0 .LBB2_2-.Ltmp2, $4  }
0x71: {  	s31 =	sadd.s32 $0x258, s21;
	[tilespmem:s22+$0x9630] =	vst v1  }
0x72: {  	[tilespmem:s13], [sflag:$0x2] =	stream.indirect.gather [hbm4b:s3+s8], $0x20, s31, s8, $0xb8;
	[tilespmem:$0xA600] =	vst v63  }
0x73: {  	s21 =	sadd.s32 $0x2B8, s21  }
0x74: {  	[tilespmem:s15], [sflag:$0x2] =	stream.indirect.gather [hbm4b:s3+s10], $0x20, s21, s10, $0xb8;
	[tilespmem:$0xA600] =	vst v63  }
0x75: {  	_ =	swait.ge [sflag:s16], $0x1900  }
0x76: {  	[sflag:s16] =	ssyncset.done $0x0  }
0x77: {  	[sflag:s16] =	ssyncadd.s32 $0xFFFFE700  }
0x78: {  	s19 =	sadd.s32 $0x1, s19;
	_ =	swait.ge [sflag:s17], $0x1900  }
0x79: {  	p0 =	sne.s32 s19, s6;
	[sflag:s17] =	ssyncset.done $0x0  }
.Ltmp3:
0x7a: {  	[sflag:s17] =	ssyncadd.s32 $0xFFFFE700;
	(pc) =	sbr.rel @p0 .LBB2_1-.Ltmp3, $4  }
0x7b: {  	[hbm4b:s5+s2] =	stream.linear.scatter [tilespmem:s18], [sflag:$0x3], $0x1000, $0x38;
	[tilespmem:$0xA600] =	vst v63  }
0x7c: {  	_ =	swait.ge [sflag:s7], $0x1000  }
0x7d: {  	[sflag:s7] =	ssyncset.done $0x0  }
0x7e: {  	[sflag:s7] =	ssyncadd.s32 $0xFFFFF000  }
0x7f: {  	_ =	sfence.sel $0x180000  }
0x80: {  	[bflag:$0x0] =	sbarrier.arrive $0xFFFF  }
0x81: {  	p0 =	sne.s32 s0, $0x0;
	_ =	strace $0x9000004A  }
0x82: {  	s0 =	sadd.s32 @!p0 $0x100000, s1;
	[bflag:$0x2] =	sbarrier.arrive $0xFFFF  }
0x83: {  	[sflag:s0] =	ssyncadd.tile.s32 @!p0 $0x1;
	_ =	shalt  }
.Lfunc_end2:
_tile_overlayer_lowered:
.L_overlay_start_2:
0x84: {  	(tag) =	ssettag $0x2  }
0x85: {  	s0 =	rddreg [dreg:$0x0];
	s2 =	stileid.u32  }
0x86: {  	s1 =	rddreg [dreg:$0x1];
	p0 =	sne.s32 s2, $0x0  }
0x87: {  	s3 =	rddreg [dreg:$0x2];
	[bflag:$0x3] =	sbarrier.arrive $0xFFFF;
	s2 =	simm.s32 @!p0 $0x1C03  }
0x88: {  	[timem:s3], [sflag:s2] =	dma.local @!p0 [hbm:s0], s1  }
0x89: {  	s0 =	simm.s32 @!p0 $0x3  }
0x8a: {  	_ =	swait.ge @!p0 [sflag:s0], s1  }
0x8b: {  	s1 =	ssub.s32 @!p0 $0x0, s1;
	[sflag:s0] =	ssyncset.done @!p0 $0x0  }
0x8c: {  	[sflag:s0] =	ssyncadd.s32 @!p0 s1  }
0x8d: {  	[bflag:$0x3] =	sbarrier.arrive $0xFFFF  }
0x8e: {  	_ =	shalt  }

// kernel: repack.3.cloned.1.call-start
scs
__scs_entry_jumppad:
0x0: {  	(pc) =	sbr.rel $0x88, $3  }
0x1: {  	(tag) =	ssettag $0x0;
	lr =	simm.s32 $0x1  }
0x2: {  	[smem:$0x3F9E] =	sst lr;
	_ =	strace $0xD0000000  }
0x3: {  	_ = 	snop  }
0x4: {  	_ = 	snop  }
0x5: {  	_ = 	snop  }
0x6: {  	_ = 	snop  }
0x7: {  	_ = 	snop  }
__scs_overlays_trampoline_lowered:
0x8: {  	[smem:$0x3FAD] =	sst s0  }
0x9: {  	[smem:$0x3FAE] =	sst s1  }
0xa: {  	[smem:$0x3FAF] =	sst s2  }
0xb: {  	[smem:$0x3FB0] =	sst s3  }
0xc: {  	[smem:$0x3FB1] =	sst s4  }
0xd: {  	[smem:$0x3FB2] =	sst s5  }
0xe: {  	[smem:$0x3FB3] =	sst s6  }
0xf: {  	[smem:$0x3FB4] =	sst s7  }
0x10: {  	[smem:$0x3FB5] =	sst s8  }
0x11: {  	[smem:$0x3FB6] =	sst s9;
	s0 =	simm.s32 @!p0 $0x0  }
0x12: {  	s1 =	sld [smem:$0x3F9C];
	s0 =	simm.s32 @p0 $0x1  }
0x13: {  	[smem:$0x3FB7] =	sst s0;
	s0 =	simm.s32 @!p1 $0x0  }
0x14: {  	s2 =	sld [smem:$0x3F9B];
	s0 =	simm.s32 @p1 $0x1  }
0x15: {  	[smem:$0x3FB8] =	sst s0;
	s0 =	simm.s32 @!p2 $0x0  }
0x16: {  	s3 =	sld [smem:$0x3FDB];
	s0 =	simm.s32 @p2 $0x1  }
0x17: {  	s4 =	simm.s32 $0x1BF5;
	[smem:$0x3FBA] =	sst s0  }
0x18: {  	s0 =	sld [smem:$0x3F9D];
	_ =	swait.ge [sflag:s4], $0x0  }
0x19: {  	s7 =	sld [smem:$0x3F9E]  }
0x1a: {  	s8 =	sadd.s32 $0xFFFFE003, lr  }
0x1b: {  	s9 =	sadd.s32 $0xFFFFFEF7, lr;
	s5 =	simm.s32 $0xFFFFFFFF;
	p2 =	slt.u32 s8, $0xFFFFF086  }
0x1c: {  	p1 =	slt.u32 s9, $0xF7A;
	s5 =	simm.s32 @!p2 $0x0  }
0x1d: {  	s5 =	simm.s32 @p1 $0x1;
	p0 =	seq.s32 s7, s2  }
0x1e: {  	s7 =	smul.u32 @!p0 $0xF7A, s2;
	p2 =	seq.s32 @!p0 s5, $0x0  }
0x1f: {  	s9 =	smul.u32 $0xF7A, s1;
	s8 =	simm.s32 @!p0 $0x1BF5;
	p2 =	por !p2, p0  }
0x20: {  	[sflag:s8] =	ssyncset.s32 @!p0 $0xFFFFF086;
	s6 =	sadd.s32 @!p0 s3, s7;
	s7 =	simm.s32 @!p0 $0x108  }
0x21: {  	s3 =	sadd.s32 s3, s9;
	s6 =	sadd.s32 @!p0 $0x88, s6;
	s7 =	simm.s32 @p2 $0x1082  }
0x22: {  	[simem:s7], [sflag:s8] =	dma.local @!p0 [hbm:s6], $0xF7A  }
0x23: {  	s9 =	sor.u32 $0xD0000000, s2;
	s6 =	simm.s32 $0x108;
	_ =	swait.ge @!p0 [sflag:s8], $0x0  }
0x24: {  	s3 =	sadd.s32 $0x88, s3;
	s6 =	simm.s32 @!p1 $0x1082;
	[sflag:s4] =	ssyncset.s32 $0xFFFFF086  }
0x25: {  	[simem:s6], [sflag:s4] =	dma.local [hbm:s3], $0xF7A  }
0x26: {  	[smem:$0x3F9E] =	sst s1;
	(tag) =	ssettag s2;
	_ =	strace s9  }
0x27: {  	s1 =	sld [smem:$0x3FAE]  }
0x28: {  	s2 =	sld [smem:$0x3FAF]  }
0x29: {  	s4 =	sld [smem:$0x3FB1]  }
0x2a: {  	p0 =	seq.s32 s5, $0x0;
	s5 =	sld [smem:$0x3FB2]  }
0x2b: {  	s6 =	sld [smem:$0x3FB3]  }
0x2c: {  	s7 =	sld [smem:$0x3FB4]  }
0x2d: {  	s3 =	simm.s32 $0x108;
	s8 =	sld [smem:$0x3FB5]  }
0x2e: {  	s3 =	simm.s32 @!p0 $0x1082;
	s9 =	sld [smem:$0x3FB6]  }
0x2f: {  	lr =	sadd.s32 s0, s3;
	s0 =	sld [smem:$0x3FAD]  }
0x30: {  	s3 =	sld [smem:$0x3FB0]  }
0x31: {  	[smem:$0x3FB9] =	sst s10  }
0x32: {  	s10 =	sld [smem:$0x3FB7];
	_ =	sdelay $0x3  }
0x33: {  	p0 =	seq.s32 s10, $0x1;
	s10 =	sld [smem:$0x3FB9];
	_ =	sdelay $0x3  }
0x34: {  	[smem:$0x3FB9] =	sst s10  }
0x35: {  	s10 =	sld [smem:$0x3FB8];
	_ =	sdelay $0x3  }
0x36: {  	p1 =	seq.s32 s10, $0x1;
	s10 =	sld [smem:$0x3FB9];
	_ =	sdelay $0x3  }
0x37: {  	[smem:$0x3FB9] =	sst s10  }
0x38: {  	s10 =	sld [smem:$0x3FBA]  }
0x39: {  	_ = 	snop;
	(pc) =	sbr.ind lr, $3  }
0x3a: {  	_ = 	snop  }
0x3b: {  	_ = 	snop  }
0x3c: {  	p2 =	seq.s32 s10, $0x1;
	s10 =	sld [smem:$0x3FB9]  }
0x3d: {  	_ =	shalt  }
0x3e: {  	_ =	shalt  }
0x3f: {  	_ =	shalt  }
0x40: {  	_ =	shalt  }
0x41: {  	_ =	shalt  }
0x42: {  	_ =	shalt  }
0x43: {  	_ =	shalt  }
0x44: {  	_ =	shalt  }
0x45: {  	_ =	shalt  }
0x46: {  	_ =	shalt  }
0x47: {  	_ =	shalt  }
0x48: {  	_ =	shalt  }
0x49: {  	_ =	shalt  }
0x4a: {  	_ =	shalt  }
0x4b: {  	_ =	shalt  }
0x4c: {  	_ =	shalt  }
0x4d: {  	_ =	shalt  }
0x4e: {  	_ =	shalt  }
0x4f: {  	_ =	shalt  }
0x50: {  	_ =	shalt  }
0x51: {  	_ =	shalt  }
0x52: {  	_ =	shalt  }
0x53: {  	_ =	shalt  }
0x54: {  	_ =	shalt  }
0x55: {  	_ =	shalt  }
0x56: {  	_ =	shalt  }
0x57: {  	_ =	shalt  }
0x58: {  	_ =	shalt  }
0x59: {  	_ =	shalt  }
0x5a: {  	_ =	shalt  }
0x5b: {  	_ =	shalt  }
0x5c: {  	_ =	shalt  }
0x5d: {  	_ =	shalt  }
0x5e: {  	_ =	shalt  }
0x5f: {  	_ =	shalt  }
0x60: {  	_ =	shalt  }
0x61: {  	_ =	shalt  }
0x62: {  	_ =	shalt  }
0x63: {  	_ =	shalt  }
0x64: {  	_ =	shalt  }
0x65: {  	_ =	shalt  }
0x66: {  	_ =	shalt  }
0x67: {  	_ =	shalt  }
0x68: {  	_ =	shalt  }
0x69: {  	_ =	shalt  }
0x6a: {  	_ =	shalt  }
0x6b: {  	_ =	shalt  }
0x6c: {  	_ =	shalt  }
0x6d: {  	_ =	shalt  }
0x6e: {  	_ =	shalt  }
0x6f: {  	_ =	shalt  }
0x70: {  	_ =	shalt  }
0x71: {  	_ =	shalt  }
0x72: {  	_ =	shalt  }
0x73: {  	_ =	shalt  }
0x74: {  	_ =	shalt  }
0x75: {  	_ =	shalt  }
0x76: {  	_ =	shalt  }
0x77: {  	_ =	shalt  }
0x78: {  	_ =	shalt  }
0x79: {  	_ =	shalt  }
0x7a: {  	_ =	shalt  }
0x7b: {  	_ =	shalt  }
0x7c: {  	_ =	shalt  }
0x7d: {  	_ =	shalt  }
0x7e: {  	_ =	shalt  }
0x7f: {  	_ =	shalt  }
0x80: {  	_ =	shalt  }
0x81: {  	_ =	shalt  }
0x82: {  	_ =	shalt  }
0x83: {  	_ =	shalt  }
0x84: {  	_ =	shalt  }
0x85: {  	_ =	shalt  }
0x86: {  	_ =	shalt  }
0x87: {  	_ =	shalt  }
.Lfunc_end0:
.L_simem_size_0:
called_computation_lowered:
.L_overlay_start_0:
0x88: {  	s2 =	sld [smem:$0x3FD9]  }
0x89: {  	s3 =	sld [smem:$0x3FFE];
	_ =	sdelay $0x1  }
0x8a: {  	s1 =	srdreg.scid  }
0x8b: {  	s0 =	sand.u32 $0x1, s1  }
0x8c: {  	s17 =	sshll.u32 s0, $0xA;
	s2 =	sadd.s32 s3, s2  }
0x8d: {  	s2 =	sadd.s32 s2, s17  }
0x8e: {  	[smem:$0x3FC5] =	sst s2  }
0x8f: {  	_ = 	snop  }
0x90: {  	s2 =	sld [smem:$0x3FC8]  }
0x91: {  	s18 =	sld [smem:$0x3FC7];
	(tm) =	ssettm $0x1  }
0x92: {  	s4 =	sld [smem:$0x3FFB];
	_ =	sdelay $0x3  }
0x93: {  	_ =	strace s4  }
0x94: {  	s4 =	sld [smem:$0x3FFC];
	_ =	sdelay $0x3  }
0x95: {  	_ =	strace s4  }
0x96: {  	s4 =	sld [smem:$0x3FFD];
	_ =	sdelay $0x3  }
0x97: {  	_ =	strace s4  }
0x98: {  	_ =	strace $0x8FFFFFFF  }
0x99: {  	s19 =	sld [smem:$0x3FDB];
	_ =	sdelay $0x1  }
0x9a: {  	s5 =	simm.s32 $_scs_section_size  }
0x9b: {  	s6 =	simm.s32 $_size__tile_overlayer_lowered;
	s7 =	simm.s32 $_tile_overlayer_lowered  }
0x9c: {  	s22 =	simm.s32 $0x1BFF;
	s21 =	sshll.u32 s7, $0x1;
	s4 =	sadd.s32 s5, s19  }
0x9d: {  	s8 =	simm.s32 $0x0;
	s20 =	sshll.u32 s6, $0x1;
	s6 =	sadd.s32 s21, s4  }
0x9e: {  	[timem:s8], [sflag:s22] =	dma.local [hbm:s6], s20  }
0x9f: {  	_ =	swait.ge [sflag:s22], s20  }
0xa0: {  	s5 =	ssub.s32 $0x0, s20;
	[sflag:s22] =	ssyncset.done $0x0  }
0xa1: {  	[sflag:s22] =	ssyncadd.s32 s5;
	_ =	sdelay $0x1  }
0xa2: {  	s23 =	simm.s32 $0x1B8B  }
0xa3: {  	_ =	swait.ge [sflag:s23], $0x1  }
0xa4: {  	[sflag:s23] =	ssyncset.done $0x0  }
0xa5: {  	s25 =	simm.s32 $0x1B8E;
	s24 =	sld [smem:$0x3FFE];
	[sflag:s23] =	ssyncadd.s32 $0xFFFFFFFF  }
0xa6: {  	s26 =	simm.s32 $execute0_lowered;
	[smem:$0x3FD2] =	sst s25  }
0xa7: {  	s6 =	sshll.u32 s26, $0x1;
	_ =	strace $0x80000046;
	[dreg:$0x1] =	wrdreg $0xFFFFFFFF  }
0xa8: {  	s28 =	simm.s32 $_size_execute0_lowered;
	s4 =	sadd.s32 s4, s6;
	[dreg:$0x0] =	wrdreg $0x0  }
0xa9: {  	s6 =	sshll.u32 s28, $0x1;
	[dreg:$0x2] =	wrdreg s4  }
0xaa: {  	[dreg:$0x3] =	wrdreg s6  }
0xab: {  	[dreg:$0x4] =	wrdreg $0xC0  }
0xac: {  	_ =	task [dreg:s8], $0x5FFFF  }
0xad: {  	[dreg:$0x1] =	wrdreg $0xFFFFFFFF  }
0xae: {  	[dreg:$0x0] =	wrdreg $0x60  }
0xaf: {  	[dreg:$0x2] =	wrdreg s2  }
0xb0: {  	[dreg:$0x3] =	wrdreg s18  }
0xb1: {  	[dreg:$0x4] =	wrdreg s24  }
0xb2: {  	[dreg:$0x5] =	wrdreg $0x9  }
0xb3: {  	_ =	task.clear_ibuf [dreg:s8], $0x6FFFF;
	_ =	strace $0x90000046  }
0xb4: {  	s29 =	simm.s32 $0x9;
	_ =	strace $0x80000048  }
0xb5: {  	_ =	swait.ge [sflag:s29], $0x1  }
0xb6: {  	[sflag:s29] =	ssyncadd.s32 $0xFFFFFFFF  }
0xb7: {  	_ =	strace $0x90000048  }
0xb8: {  	_ =	sfence  }
0xb9: {  	s30 =	sld [smem:$0x0];
	_ =	sdelay $0x2  }
0xba: {  	s31 =	sshll.u32 s1, $0xD;
	s1 =	sshrl.u32 s1, $0x2  }
0xbb: {  	s3 =	sand.u32 $0x4000, s31;
	s1 =	sadd.s32 s1, s30  }
0xbc: {  	s0 =	sor.u32 s3, s0;
	s1 =	sshll.u32 s1, $0x11  }
0xbd: {  	s0 =	sor.u32 s1, s0  }
0xbe: {  	s0 =	sadd.s32 $0x8F2B, s0  }
0xbf: {  	[sflag:s0] =	ssyncadd.remote.s32 $0x1  }
0xc0: {  	_ =	sfence.sel $0xFFFF  }
0xc1: {  	[dreg:$0x0] =	wrdreg $0xFFFFFFFF;
	(pc) =	sbr.abs _section_cstart, $3  }
0xc2: {  	[dreg:$0x1] =	wrdreg $0xFFFFFFFF  }
0xc3: {  	_ =	task.clear_ibuf [dreg:s8], $0x2FFFF;
	_ =	strace $0x9FFFFFFF  }
0xc4: {  	(tm) =	ssettm $0x7FFFFFFF  }
0xc5: {  	_ =	shalt  }
tec
execute0_lowered:
.L_overlay_start_1:
0x0: {  	(tag) =	ssettag $0x1  }
0x1: {  	v0 =	vimm.s32 $0x1380  }
0x2: {  	vm1 =	vcmask $0x300;
	vm2 =	vcmask $0x704;
	vm4 =	vcmask $0xB08  }
0x3: {  	vm5 =	vcmask $0xF0C;
	vm6 =	vcmask $0x1310;
	vm7 =	vcmask $0x1714  }
0x4: {  	vm8 =	vcmask $0x1B18;
	v1 =	vimm.s32 $0x83624120;
	vm9 =	vcmask $0x1F1C  }
0x5: {  	vm10 =	vcmask $0x2320;
	v2 =	vimm.s32 $0xE6C5A4;
	vm0 =	vcmask $0xF00  }
0x6: {  	v4 =	vimm.s32 $0xA3826140;
	vm3 =	vcmask $0x1B10;
	v5 =	vimm.s32 $0xE2C1A0  }
0x7: {  	vm12 =	vcmask $0x1F14;
	vm13 =	vcmask $0xB00;
	v8 =	vimm.s32 $0xB6E4D2C  }
0x8: {  	vm14 =	vcmask $0x3B2C;
	v10 =	vimm.s32 $0x2B0A6D4C;
	v12 =	vimm.s32 $0x8BEECDAC  }
0x9: {  	vm11 =	vcmask $0x3728;
	vm15 =	vcmask $0x1F10;
	v13 =	vimm.s32 $0x14F  }
0xa: {  	v17 =	vimm.s32 $0x87654321;
	v18 =	vimm.s32 $0x1CF;
	v19 =	vimm.s32 $0x210FEDCB  }
0xb: {  	v20 =	vimm.s32 $0xA9876543;
	v23 =	vimm.s32 $0xBA987654;
	v24 =	vimm.s32 $0xFEDCBA98  }
0xc: {  	v25 =	vimm.s32 $0x76543210;
	v29 =	vimm.s32 $0xCBA98765;
	v34 =	vimm.s32 $0x543210FE  }
0xd: {  	v0 =	vsel vm1, $0x0, v0;
	v1 =	vunpack.c.0.s8.s32 v1;
	v3 =	vunpack.c.0.s8.s32 v2  }
0xe: {  	v5 =	vunpack.c.0.s8.s32 v5;
	v8 =	vunpack.c.0.s8.s32 v8;
	v0 =	vsel vm2, $0x80, v0  }
0xf: {  	v10 =	vunpack.c.0.s8.s32 v10;
	v18 =	vsel vm1, $0x1E0, v18;
	v0 =	vsel vm4, $0x100, v0  }
0x10: {  	v17 =	vunpack.c.l.s4.s8 v17;
	v23 =	vunpack.c.l.s4.s8 v23;
	v0 =	vsel vm5, $0x180, v0  }
0x11: {  	v24 =	vunpack.c.l.s4.s8 v24;
	v25 =	vunpack.c.l.s4.s8 v25;
	v0 =	vsel vm6, $0x200, v0  }
0x12: {  	v29 =	vunpack.c.l.s4.s8 v29;
	v34 =	vunpack.c.l.s4.s8 v34;
	v0 =	vsel vm7, $0x280, v0  }
0x13: {  	v1 =	vand.u32 $0xFF, v1;
	v3 =	vand.u32 $0xFF, v3;
	v0 =	vsel vm8, $0x300, v0  }
0x14: {  	v8 =	vand.u32 $0xFF, v8;
	v17 =	vunpack.c.0.s8.s32 v17;
	v0 =	vsel vm9, $0x380, v0  }
0x15: {  	v23 =	vunpack.c.0.s8.s32 v23;
	v25 =	vunpack.c.0.s8.s32 v25;
	v2 =	vsel vm10, $0x1000, v0  }
0x16: {  	v0 =	vnsel vm0, $0xF, v1;
	v1 =	vunpack.c.0.s8.s32 v4;
	v4 =	vimm.s32 $0x168  }
0x17: {  	v0 =	vsel vm3, v3, v0;
	v3 =	vsel vm2, $0x189, v4;
	v4 =	vimm.s32 $0x4F2E0D00  }
0x18: {  	vm3 =	vcmask $0x2724;
	v1 =	vand.u32 $0xFF, v1;
	v3 =	vsel vm4, $0x1AA, v3  }
0x19: {  	v4 =	vunpack.c.0.s8.s32 v4;
	v0 =	vsel vm9, $0x107, v0;
	v21 =	vsel vm3, $0x1080, v2  }
0x1a: {  	v2 =	vunpack.c.l.s4.s8 v19;
	v19 =	vunpack.c.l.s4.s8 v20;
	v3 =	vsel vm5, $0x1CB, v3  }
0x1b: {  	v1 =	vnsel vm0, $0x2F, v1;
	vm0 =	vcmask $0x2B28;
	v3 =	vsel vm6, $0x1EC, v3  }
0x1c: {  	v1 =	vsel vm6, $0xC4, v1;
	v22 =	vunpack.c.0.s8.s32 v2;
	v19 =	vunpack.c.0.s8.s32 v19  }
0x1d: {  	v2 =	vimm.s32 $0x3210FEDC;
	v14 =	vsel vm12, v4, v3;
	v3 =	vimm.s32 $0xC3A28160  }
0x1e: {  	v4 =	vand.u32 $0xFF, v5;
	vm12 =	vcmask $0x2718;
	v2 =	vunpack.c.l.s4.s8 v2  }
0x1f: {  	v5 =	vunpack.c.0.s8.s32 v3;
	v6 =	vnsel vm13, $0x8F, v4;
	v3 =	vsel vm10, $0x128, v0  }
0x20: {  	v0 =	vsel vm7, $0xE5, v1;
	v4 =	vimm.s32 $0xE3C2A180;
	vm13 =	vcmask $0x3324  }
0x21: {  	v27 =	vcombine.low v19, v22;
	v37 =	vcombine.low v22, v19;
	v0 =	vsel vm8, $0x106, v0  }
0x22: {  	v3 =	vsel vm3, $0x149, v3;
	v28 =	vunpack.c.0.s8.s32 v2;
	v2 =	vunpack.c.0.s8.s32 v24  }
0x23: {  	v24 =	vimm.s32 $0x43210FED;
	v1 =	vand.u32 $0xFF, v5;
	v0 =	vsel vm9, $0x127, v0  }
0x24: {  	v5 =	vunpack.c.0.s8.s32 v4;
	v24 =	vunpack.c.l.s4.s8 v24;
	v3 =	vsel vm0, $0x16A, v3  }
0x25: {  	v1 =	vsel vm6, $0xE4, v1;
	v4 =	vsel vm10, $0x148, v0;
	v2 =	vand.u32 $0xF, v2  }
0x26: {  	v36 =	vcombine.low v23, v28;
	v28 =	vcombine.low v28, v23;
	v0 =	vsel vm7, $0x105, v1  }
0x27: {  	v1 =	vimm.s32 $0x188;
	v5 =	vand.u32 $0xFF, v5;
	v4 =	vsel vm3, $0x169, v4  }
0x28: {  	v2 =	vcombine.low v2, v25;
	v25 =	vimm.s32 $0xDCBA9876;
	v0 =	vsel vm8, $0x126, v0  }
0x29: {  	v1 =	vsel vm2, $0x1A9, v1;
	v25 =	vunpack.c.l.s4.s8 v25;
	v4 =	vsel vm0, $0x18A, v4  }
0x2a: {  	v15 =	vsel vm9, $0x147, v0;
	v0 =	vsel vm4, $0x1CA, v1;
	v1 =	vsel vm6, $0x104, v5  }
0x2b: {  	v5 =	vsel vm5, $0x1EB, v0;
	v0 =	vimm.s32 $0x6F4E2D0C;
	v1 =	vsel vm7, $0x125, v1  }
0x2c: {  	v25 =	vunpack.c.0.s8.s32 v25;
	v14 =	vcombine.low v15, v14;
	v15 =	vlaneseq.u32  }
0x2d: {  	v7 =	vunpack.c.0.s8.s32 v0;
	v0 =	vsel vm8, $0x146, v1;
	v1 =	vsel vm5, $0x103, v6  }
0x2e: {  	v6 =	vimm.s32 $0xCF;
	v30 =	vsel vm9, $0x167, v0;
	v0 =	vsel vm6, $0x124, v1  }
0x2f: {  	v1 =	vimm.s32 $0xAF;
	v6 =	vsel vm1, $0xE0, v6;
	v0 =	vsel vm7, $0x145, v0  }
0x30: {  	v1 =	vsel vm1, $0xC0, v1;
	v6 =	vsel vm2, $0x101, v6;
	v31 =	vsel vm15, v7, v5  }
0x31: {  	v0 =	vsel vm8, $0x166, v0;
	v1 =	vsel vm2, $0xE1, v1;
	v6 =	vsel vm4, $0x122, v6  }
0x32: {  	v30 =	vcombine.low v30, v31;
	v31 =	vmul.u32 $0x21, v15;
	v6 =	vsel vm5, $0x143, v6  }
0x33: {  	v0 =	vsel vm9, $0x187, v0;
	v1 =	vsel vm4, $0x102, v1;
	v6 =	vsel vm6, $0x164, v6  }
0x34: {  	v0 =	vsel vm10, $0x1A8, v0;
	v1 =	vsel vm5, $0x123, v1;
	v6 =	vsel vm7, $0x185, v6  }
0x35: {  	v0 =	vsel vm3, $0x1C9, v0;
	v1 =	vsel vm6, $0x144, v1;
	v6 =	vsel vm8, $0x1A6, v6  }
0x36: {  	v1 =	vsel vm7, $0x165, v1;
	v0 =	vsel vm0, $0x1EA, v0;
	v6 =	vsel vm9, $0x1C7, v6  }
0x37: {  	v1 =	vsel vm8, $0x186, v1;
	v9 =	vsel vm10, $0x1E8, v6;
	v6 =	vimm.s32 $0x100  }
0x38: {  	v0 =	vsel vm14, v8, v0;
	v8 =	vimm.s32 $0x10F;
	v6 =	vsel vm2, $0x121, v6  }
0x39: {  	v1 =	vsel vm9, $0x1A7, v1;
	v8 =	vsel vm1, $0x120, v8;
	v6 =	vsel vm4, $0x142, v6  }
0x3a: {  	v1 =	vsel vm10, $0x1C8, v1;
	v8 =	vsel vm2, $0x141, v8;
	v6 =	vsel vm5, $0x163, v6  }
0x3b: {  	v11 =	vsel vm3, $0x1E9, v1;
	v1 =	vsel vm6, $0x184, v6;
	v6 =	vsel vm4, $0x162, v8  }
0x3c: {  	vm10 =	vcmask $0x1708;
	v8 =	vand.u32 $0xFF, v10;
	v6 =	vsel vm5, $0x183, v6  }
0x3d: {  	v10 =	vimm.s32 $0x76A4928;
	v1 =	vsel vm7, $0x1A5, v1;
	v6 =	vsel vm6, $0x1A4, v6  }
0x3e: {  	v10 =	vunpack.c.0.s8.s32 v10;
	v1 =	vsel vm8, $0x1C6, v1;
	v6 =	vsel vm7, $0x1C5, v6  }
0x3f: {  	v32 =	vsel vm9, $0x1E7, v1;
	v1 =	vsel vm8, $0x1E6, v6;
	v6 =	vunpack.c.0.s8.s32 v12  }
0x40: {  	v10 =	vand.u32 $0xFF, v10;
	vm8 =	vcmask $0x2B1C;
	v12 =	vimm.s32 $0x12F  }
0x41: {  	v1 =	vsel vm8, v10, v1;
	v10 =	vsel vm1, $0x140, v12;
	v6 =	vand.u32 $0xFF, v6  }
0x42: {  	vm9 =	vcmask $0x1B0C;
	v10 =	vsel vm2, $0x161, v10;
	v1 =	vsel vm14, v6, v1  }
0x43: {  	v6 =	vsel vm11, v8, v11;
	v8 =	vsel vm4, $0x182, v10;
	v11 =	vimm.s32 $0x27066948  }
0x44: {  	v12 =	vimm.s32 $0xAB8AEDCC;
	v8 =	vsel vm5, $0x1A3, v8;
	v11 =	vunpack.c.0.s8.s32 v11  }
0x45: {  	v12 =	vunpack.c.0.s8.s32 v12;
	v10 =	vimm.s32 $0x4B2A096C;
	v8 =	vsel vm6, $0x1C4, v8  }
0x46: {  	v10 =	vunpack.c.0.s8.s32 v10;
	v8 =	vsel vm7, $0x1E5, v8;
	v11 =	vand.u32 $0xFF, v11  }
0x47: {  	v8 =	vsel vm12, v11, v8;
	v11 =	vand.u32 $0xFF, v12;
	v12 =	vsel vm1, $0x160, v13  }
0x48: {  	v7 =	vand.u32 $0xFF, v10;
	v10 =	vimm.s32 $0x6B4A2908;
	v5 =	vsel vm2, $0x181, v12  }
0x49: {  	vm14 =	vcmask $0x2314;
	v10 =	vunpack.c.0.s8.s32 v10;
	v5 =	vsel vm4, $0x1A2, v5  }
0x4a: {  	v8 =	vsel vm11, v11, v8;
	v11 =	vimm.s32 $0xEFCEAD8C;
	v5 =	vsel vm5, $0x1C3, v5  }
0x4b: {  	v13 =	vimm.s32 $0x16F;
	v12 =	vsel vm6, $0x1E4, v5;
	v5 =	vunpack.c.0.s8.s32 v11  }
0x4c: {  	v13 =	vsel vm1, $0x180, v13;
	vm11 =	vcmask $0x1304;
	v11 =	vimm.s32 $0x47260568  }
0x4d: {  	v10 =	vand.u32 $0xFF, v10;
	v11 =	vunpack.c.0.s8.s32 v11;
	v16 =	vand.u32 $0xFF, v5  }
0x4e: {  	v5 =	vsel vm13, v7, v9;
	v7 =	vsel vm2, $0x1A1, v13;
	v13 =	vimm.s32 $0xEBCAA988  }
0x4f: {  	v33 =	vsel vm15, v16, v10;
	v9 =	vand.u32 $0xFF, v11;
	v7 =	vsel vm4, $0x1C2, v7  }
0x50: {  	v10 =	vimm.s32 $0x67462504;
	v11 =	vimm.s32 $0xCBAA89EC;
	v16 =	vimm.s32 $0xA786E9C8  }
0x51: {  	v7 =	vsel vm5, $0x1E3, v7;
	v10 =	vunpack.c.0.s8.s32 v10;
	v11 =	vunpack.c.0.s8.s32 v11  }
0x52: {  	v9 =	vsel vm14, v9, v12;
	v12 =	vunpack.c.0.s8.s32 v13;
	v13 =	vimm.s32 $0x3664524  }
0x53: {  	v16 =	vunpack.c.0.s8.s32 v16;
	v32 =	vcombine.low v32, v33;
	v13 =	vunpack.c.0.s8.s32 v13  }
0x54: {  	v10 =	vand.u32 $0xFF, v10;
	v11 =	vand.u32 $0xFF, v11;
	v12 =	vand.u32 $0xFF, v12  }
0x55: {  	v7 =	vsel vm15, v10, v7;
	v10 =	vimm.s32 $0x18F;
	vm15 =	vcmask $0x2F20  }
0x56: {  	v9 =	vsel vm13, v11, v9;
	v11 =	vand.u32 $0xFF, v13;
	v10 =	vsel vm1, $0x1A0, v10  }
0x57: {  	v13 =	vimm.s32 $0x1AF;
	vm13 =	vcmask $0x3330;
	v10 =	vsel vm2, $0x1C1, v10  }
0x58: {  	v7 =	vsel vm15, v12, v7;
	v12 =	vimm.s32 $0x87EAC9A8;
	v10 =	vsel vm4, $0x1E2, v10  }
0x59: {  	v10 =	vsel vm9, v11, v10;
	v11 =	vunpack.c.0.s8.s32 v12;
	v12 =	vimm.s32 $0x23026544  }
0x5a: {  	v13 =	vsel vm1, $0x1C0, v13;
	vm15 =	vcmask $0x3B38;
	v12 =	vunpack.c.0.s8.s32 v12  }
0x5b: {  	v13 =	vsel vm2, $0x1E1, v13;
	v7 =	vsel vm13, $0x10C, v7;
	v6 =	vsel vm15, $0x8E, v6  }
0x5c: {  	v8 =	vsel vm15, $0x10E, v8;
	v11 =	vand.u32 $0xFF, v11;
	v12 =	vand.u32 $0xFF, v12  }
0x5d: {  	v10 =	vsel vm8, v11, v10;
	v11 =	vsel vm10, v12, v13;
	v12 =	vand.u32 $0xFF, v16  }
0x5e: {  	v13 =	vimm.s32 $0x43220164;
	v16 =	vimm.s32 $0xC7A685E8;
	v11 =	vsel vm12, v12, v11  }
0x5f: {  	v12 =	vimm.s32 $0xFEDCBA9;
	v13 =	vunpack.c.0.s8.s32 v13;
	v16 =	vunpack.c.0.s8.s32 v16  }
0x60: {  	vm12 =	vcmask $0x2F2C;
	v12 =	vunpack.c.l.s4.s8 v12;
	v11 =	vsel vm0, $0x10A, v11  }
0x61: {  	v3 =	vsel vm12, $0x18B, v3;
	v4 =	vsel vm12, $0x1AB, v4;
	v10 =	vsel vm12, $0x10B, v10  }
0x62: {  	v13 =	vand.u32 $0xFF, v13;
	v16 =	vand.u32 $0xFF, v16;
	v11 =	vsel vm12, $0x12B, v11  }
0x63: {  	v3 =	vsel vm13, $0x1AC, v3;
	v4 =	vsel vm13, $0x1CC, v4;
	v10 =	vsel vm13, $0x12C, v10  }
0x64: {  	v13 =	vsel vm11, v13, v18;
	v12 =	vunpack.c.0.s8.s32 v12;
	v18 =	vimm.s32 $0x98765432  }
0x65: {  	v11 =	vsel vm13, $0x14C, v11;
	v13 =	vsel vm14, v16, v13;
	v16 =	vimm.s32 $0x10FEDCBA  }
0x66: {  	v18 =	vunpack.c.l.s4.s8 v18;
	vm14 =	vcmask $0x3734;
	v16 =	vunpack.c.l.s4.s8 v16  }
0x67: {  	v13 =	vsel vm3, $0x109, v13;
	v20 =	vcombine.low v17, v12;
	v35 =	vcombine.low v12, v17  }
0x68: {  	v12 =	vunpack.c.0.s8.s32 v24;
	v17 =	vunpack.c.0.s8.s32 v29;
	v24 =	vunpack.c.0.s8.s32 v34  }
0x69: {  	v19 =	vsel vm14, $0x1ED, v4;
	v9 =	vsel vm14, $0x10D, v9;
	v23 =	vsel vm14, $0x12D, v7  }
0x6a: {  	v39 =	vsel vm14, $0x14D, v10;
	v40 =	vsel vm14, $0x16D, v11;
	v18 =	vunpack.c.0.s8.s32 v18  }
0x6b: {  	s5 =	rddreg [dreg:$0x0];
	v13 =	vsel vm0, $0x12A, v13;
	v9 =	vsel vm15, $0x12E, v9;
	v10 =	vsel vm15, $0x14E, v23  }
0x6c: {  	s0 =	rddreg [dreg:$0x1];
	v11 =	vsel vm15, $0x16E, v39;
	v16 =	vunpack.c.0.s8.s32 v16;
	v62 =	vcombine.low v17, v12  }
0x6d: {  	s8 =	rddreg [dreg:$0x2];
	v22 =	vcombine.low v25, v24;
	v38 =	vcombine.low v12, v17;
	v12 =	vimm.s32 $0xEDCBA987  }
0x6e: {  	s1 =	rddreg [dreg:$0x3];
	v13 =	vsel vm12, $0x14B, v13;
	v41 =	vcombine.low v24, v25;
	v23 =	vand.u32 $0xF, v35  }
0x6f: {  	s4 =	srdreg.scid;
	s2 =	stileid.u32;
	v25 =	vand.u32 $0xF, v37;
	v12 =	vunpack.c.l.s4.s8 v12;
	v13 =	vsel vm13, $0x16C, v13  }
0x70: {  	s3 =	simm.s32 $0x0;
	s11 =	simm.s32 $0x7A1400;
	s12 =	simm.s32 $0x4000;
	v26 =	vcombine.low v18, v16;
	v29 =	vcombine.low v16, v18;
	v16 =	vimm.s32 $0x6543210F  }
0x71: {  	s13 =	simm.s32 $0x1;
	s14 =	simm.s32 $0x2000;
	s15 =	simm.s32 $0x8000;
	v18 =	vsel vm0, $0x1100, v21;
	v21 =	vsel vm14, $0x8D, v5;
	v13 =	vsel vm14, $0x18D, v13  }
0x72: {  	s16 =	simm.s32 $0x2;
	s17 =	simm.s32 $0x6000;
	s18 =	simm.s32 $0xC000;
	v5 =	vsel vm15, $0xE, v19;
	v19 =	vand.u32 $0xF, v36;
	v16 =	vunpack.c.l.s4.s8 v16  }
0x73: {  	s20 =	simm.s32 $0x4;
	s4 =	sand.u32 $0x1, s4;
	s6 =	sshll.u32 s2, $0x1;
	v17 =	vsel vm12, $0x1180, v18;
	v18 =	vunpack.c.0.s8.s32 v12;
	v7 =	vsel vm15, $0xAE, v21  }
0x74: {  	s21 =	simm.s32 $0x0;
	[smem:$0x7FF] =	sst s3;
	s19 =	sor.u32 s4, s6;
	v13 =	vsel vm15, $0x1AE, v13;
	v21 =	vand.u32 $0xF, v22;
	v17 =	vsel vm13, $0x1200, v17  }
0x75: {  	s4 =	ssub.s32 $0x2, s4;
	_ =	strace $0x80000047;
	s6 =	sshll.u32 s19, $0xB;
	v16 =	vunpack.c.0.s8.s32 v16;
	v12 =	vsel vm14, $0x1280, v17;
	v17 =	vsel vm14, $0x1CD, v3  }
0x76: {  	s7 =	sshrl.u32 s4, $0x1;
	s31 =	sshll.u32 s19, $0x9;
	p0 =	seq.s32 s19, $0x0;
	v3 =	vsel vm15, $0x1300, v12;
	v4 =	vsel vm15, $0x1EE, v17;
	v12 =	vsel vm15, $0x18E, v40  }
0x77: {  	s9 =	sadd.s32 s6, s8;
	s10 =	ssub.s32 s4, s7;
	s4 =	simm.s32 $0x3D;
	v17 =	vand.u32 $0xF, v26;
	v26 =	vand.u32 $0xF, v28;
	v28 =	vand.u32 $0xF, v41  }
0x78: {  	s5 =	sadd.s32 s5, s31;
	s8 =	sadd.s32 $0x3D1000, s8;
	s4 =	simm.s32 @!p0 $0x3C;
	v24 =	vcombine.low v18, v16;
	v63 =	vcombine.low v16, v18;
	v16 =	vand.u32 $0xF, v20  }
0x79: {  	s6 =	sadd.s32 $0x4000, s5;
	s7 =	sadd.s32 $0x800, s9;
	s9 =	smax.u32 s10, $0x1;
	v18 =	vand.u32 $0xF, v27;
	v20 =	vand.u32 $0xF, v62;
	v27 =	vand.u32 $0xF, v38  }
0x7a: {  	s10 =	simm.s32 $0x1000;
	p0 =	sne.s32 s19, $0x11;
	s19 =	simm.s32 $0x3;
	v22 =	vand.u32 $0xF, v24;
	v24 =	vand.u32 $0xF, v29;
	v29 =	vand.u32 $0xF, v63  }
.LBB2_1:
0x7b: {  	[tilespmem:s3], [sflag:$0x1] =	stream.strided.gather [hbm4b:s5+s10], $0x4000, s11, s10, $0x38;
	[tilespmem:$0x10000] =	vst v63  }
0x7c: {  	s22 =	simm.s32 $0x0  }
0x7d: {  	[tilespmem:s12], [sflag:$0x2] =	stream.strided.gather [hbm4b:s6+s10], $0x4000, s11, s10, $0x38;
	[tilespmem:$0x10000] =	vst v63  }
.LBB2_2:
0x7e: {  	s23 =	simm.s32 $0x0  }
0x7f: {  	v33 =	vmov s23  }
0x80: {  	v33 =	vshll.u32 v33, $0x3  }
0x81: {  	v34 =	vor.u32 s23, v16;
	v33 =	vand.u32 $0xC00, v33  }
0x82: {  	_ =	swait.ge [sflag:s13], $0x4000;
	v35 =	vor.u32 s23, v18;
	v54 =	vand.u32 $0x7F, v34;
	v36 =	vor.u32 v3, v33  }
0x83: {  	p1 =	seq.s32 s22, $0x0;
	[sflag:s13] =	ssyncset.done $0x0;
	v55 =	vor.u32 s23, v15;
	v56 =	vand.u32 $0x7F, v35;
	v37 =	vor.u32 v54, v36  }
0x84: {  	s24 =	simm.s32 @!p1 $0x3;
	v57 =	vor.u32 s23, v17;
	[sflag:s13] =	ssyncadd.s32 $0xFFFFC000;
	v34 =	vand.u32 $0x7F, v55;
	v38 =	vor.u32 v56, v36  }
0x85: {  	v58 =	vor.u32 s23, v19;
	v35 =	vand.u32 $0x7F, v57;
	_ =	swait.ge @!p1 [sflag:s24], $0x4000;
	v34 =	vor.u32 v34, v36  }
0x86: {  	v39 =	vor.u32 s23, v20;
	[sflag:s24] =	ssyncset.done @!p1 $0x0;
	v33 =	vand.u32 $0x7F, v58;
	v35 =	vor.u32 v35, v36  }
0x87: {  	v40 =	vor.u32 s23, v22;
	v59 =	vand.u32 $0x7F, v39;
	[sflag:s24] =	ssyncadd.s32 @!p1 $0xFFFFC000;
	v41 =	vor.u32 v33, v36  }
0x88: {  	v60 =	vor.u32 s23, v21;
	v40 =	vand.u32 $0x7F, v40;
	v43 =	vor.u32 v59, v36;
	v42 =	vld.idx.msk [tilespmem:v37+s3+$0x0], $0xffff  }
0x89: {  	v61 =	vand.u32 $0x7F, v60;
	v39 =	vor.u32 v40, v36;
	v62 =	vld.idx.msk [tilespmem:v38+s3+$0x0], $0xffff  }
0x8a: {  	v44 =	vor.u32 v61, v36;
	v63 =	vld.idx.msk [tilespmem:v34+s3+$0x0], $0xffff  }
0x8b: {  	v45 =	vld.idx.msk [tilespmem:v35+s3+$0x0], $0xffff  }
0x8c: {  	v46 =	vld.idx.msk [tilespmem:v41+s3+$0x0], $0xffff  }
0x8d: {  	v47 =	vld.idx.msk [tilespmem:v43+s3+$0x0], $0xffff  }
0x8e: {  	s24 =	simm.s32 $0x8000;
	v48 =	vld.idx.msk [tilespmem:v39+s3+$0x0], $0xffff  }
0x8f: {  	v49 =	vld.idx.msk [tilespmem:v44+s3+$0x0], $0xffff;
	[tilespmem:v31+s24+$0x0] =	vst.idx.msk $0xffff, v63  }
0x90: {  	v51 =	vor.u32 s23, v24;
	[tilespmem:v4+s24+$0x0] =	vst.idx.msk $0xffff, v42  }
0x91: {  	v52 =	vor.u32 s23, v23;
	v33 =	vand.u32 $0x7F, v51;
	[tilespmem:v5+s24+$0x0] =	vst.idx.msk $0xffff, v45  }
0x92: {  	v53 =	vor.u32 s23, v2;
	v54 =	vand.u32 $0x7F, v52;
	v42 =	vor.u32 v33, v36;
	[tilespmem:v14+s24+$0x0] =	vst.idx.msk $0xffff, v62  }
0x93: {  	v56 =	vor.u32 s23, v29;
	v40 =	vor.u32 v54, v36;
	v45 =	vand.u32 $0x7F, v53;
	[tilespmem:v30+s24+$0x0] =	vst.idx.msk $0xffff, v46  }
0x94: {  	v55 =	vor.u32 s23, v26;
	v58 =	vand.u32 $0x7F, v56;
	v45 =	vor.u32 v45, v36;
	[tilespmem:v0+s24+$0x0] =	vst.idx.msk $0xffff, v47  }
0x95: {  	v57 =	vor.u32 s23, v25;
	v60 =	vor.u32 v58, v36;
	v33 =	vand.u32 $0x7F, v55;
	[tilespmem:v6+s24+$0x0] =	vst.idx.msk $0xffff, v49  }
0x96: {  	v59 =	vor.u32 s23, v28;
	v47 =	vand.u32 $0x7F, v57;
	v49 =	vor.u32 v33, v36;
	[tilespmem:v7+s24+$0x0] =	vst.idx.msk $0xffff, v48  }
0x97: {  	v61 =	vor.u32 s23, v27;
	v46 =	vand.u32 $0x7F, v59;
	v47 =	vor.u32 v47, v36;
	v50 =	vld.idx.msk [tilespmem:v42+s3+$0x0], $0xffff  }
0x98: {  	v52 =	vand.u32 $0x7F, v61;
	v33 =	vor.u32 v46, v36;
	v51 =	vld.idx.msk [tilespmem:v40+s3+$0x0], $0xffff  }
0x99: {  	v36 =	vor.u32 v52, v36;
	v62 =	vld.idx.msk [tilespmem:v45+s3+$0x0], $0xffff  }
0x9a: {  	v53 =	vld.idx.msk [tilespmem:v60+s3+$0x0], $0xffff  }
0x9b: {  	v63 =	vld.idx.msk [tilespmem:v49+s3+$0x0], $0xffff  }
0x9c: {  	v54 =	vld.idx.msk [tilespmem:v47+s3+$0x0], $0xffff  }
0x9d: {  	v55 =	vld.idx.msk [tilespmem:v33+s3+$0x0], $0xffff  }
0x9e: {  	v56 =	vld.idx.msk [tilespmem:v36+s3+$0x0], $0xffff;
	[tilespmem:v32+s24+$0x0] =	vst.idx.msk $0xffff, v62  }
0x9f: {  	[tilespmem:v1+s24+$0x0] =	vst.idx.msk $0xffff, v51  }
0xa0: {  	[tilespmem:v8+s24+$0x0] =	vst.idx.msk $0xffff, v50  }
0xa1: {  	[tilespmem:v9+s24+$0x0] =	vst.idx.msk $0xffff, v54  }
0xa2: {  	[tilespmem:v10+s24+$0x0] =	vst.idx.msk $0xffff, v63  }
0xa3: {  	[tilespmem:v11+s24+$0x0] =	vst.idx.msk $0xffff, v56  }
0xa4: {  	[tilespmem:v12+s24+$0x0] =	vst.idx.msk $0xffff, v55  }
0xa5: {  	[tilespmem:v13+s24+$0x0] =	vst.idx.msk $0xffff, v53  }
0xa6: {  	v35 =	vld.idx.msk [tilespmem:v35+s14+$0x0], $0xffff  }
0xa7: {  	v37 =	vld.idx.msk [tilespmem:v37+s14+$0x0], $0xffff  }
0xa8: {  	v34 =	vld.idx.msk [tilespmem:v34+s14+$0x0], $0xffff  }
0xa9: {  	v38 =	vld.idx.msk [tilespmem:v38+s14+$0x0], $0xffff  }
0xaa: {  	v41 =	vld.idx.msk [tilespmem:v41+s14+$0x0], $0xffff  }
0xab: {  	v43 =	vld.idx.msk [tilespmem:v43+s14+$0x0], $0xffff  }
0xac: {  	v39 =	vld.idx.msk [tilespmem:v39+s14+$0x0], $0xffff  }
0xad: {  	v44 =	vld.idx.msk [tilespmem:v44+s14+$0x0], $0xffff;
	[tilespmem:v31+s24+$0x10] =	vst.idx.msk $0xffff, v34  }
0xae: {  	[tilespmem:v4+s24+$0x10] =	vst.idx.msk $0xffff, v37  }
0xaf: {  	[tilespmem:v5+s24+$0x10] =	vst.idx.msk $0xffff, v35  }
0xb0: {  	[tilespmem:v14+s24+$0x10] =	vst.idx.msk $0xffff, v38  }
0xb1: {  	[tilespmem:v30+s24+$0x10] =	vst.idx.msk $0xffff, v41  }
0xb2: {  	[tilespmem:v0+s24+$0x10] =	vst.idx.msk $0xffff, v43  }
0xb3: {  	[tilespmem:v6+s24+$0x10] =	vst.idx.msk $0xffff, v44  }
0xb4: {  	[tilespmem:v7+s24+$0x10] =	vst.idx.msk $0xffff, v39  }
0xb5: {  	v39 =	vld.idx.msk [tilespmem:v42+s14+$0x0], $0xffff  }
0xb6: {  	v41 =	vld.idx.msk [tilespmem:v40+s14+$0x0], $0xffff  }
0xb7: {  	v42 =	vld.idx.msk [tilespmem:v45+s14+$0x0], $0xffff  }
0xb8: {  	v40 =	vld.idx.msk [tilespmem:v47+s14+$0x0], $0xffff  }
0xb9: {  	v37 =	vld.idx.msk [tilespmem:v49+s14+$0x0], $0xffff  }
0xba: {  	s25 =	simm.s32 $0x10;
	v35 =	vld.idx.msk [tilespmem:v36+s14+$0x0], $0xffff  }
0xbb: {  	s28 =	simm.s32 $0x20;
	s26 =	simm.s32 $0x8000;
	s23 =	sshll.u32 s22, $0x1;
	v38 =	vor.u32 s25, v17;
	v43 =	vor.u32 s25, v22;
	v36 =	vor.u32 s25, v21;
	v34 =	vld.idx.msk [tilespmem:v60+s14+$0x0], $0xffff  }
.LBB2_3:
0xbc: {  	p2 =	sne.s32 s28, $0x1F0  }
0xbd: {  	v44 =	vmov s25;
	v45 =	vor.u32 s25, v16;
	v43 =	vand.u32 $0x7F, v43;
	v33 =	vld.idx.msk [tilespmem:v33+s14+$0x0], $0xffff;
	s24 =	sadd.s32 $0x200, s24;
	s29 =	smov.u32 s28;
	s28 =	sadd.s32 $0x10, s28  }
0xbe: {  	v46 =	vor.u32 s25, v18;
	v47 =	vor.u32 s25, v19;
	v44 =	vshll.u32 v44, $0x3;
	[tilespmem:v32+s26+$0x10] =	vst.idx.msk $0xffff, v42  }
0xbf: {  	v42 =	vor.u32 s25, v15;
	v47 =	vand.u32 $0x7F, v47;
	v44 =	vand.u32 $0xC00, v44;
	[tilespmem:v1+s26+$0x10] =	vst.idx.msk $0xffff, v41  }
0xc0: {  	v41 =	vand.u32 $0x7F, v42;
	v42 =	vor.u32 v3, v44;
	v44 =	vand.u32 $0x7F, v45;
	[tilespmem:v8+s26+$0x10] =	vst.idx.msk $0xffff, v39  }
0xc1: {  	v39 =	vor.u32 v41, v42;
	v41 =	vor.u32 v44, v42;
	v44 =	vand.u32 $0x7F, v46;
	[tilespmem:v9+s26+$0x10] =	vst.idx.msk $0xffff, v40  }
0xc2: {  	v36 =	vand.u32 $0x7F, v36;
	v40 =	vor.u32 v44, v42;
	v44 =	vor.u32 v47, v42;
	[tilespmem:v10+s26+$0x10] =	vst.idx.msk $0xffff, v37  }
0xc3: {  	v36 =	vor.u32 v36, v42;
	v37 =	vand.u32 $0x7F, v38;
	v38 =	vor.u32 v43, v42;
	[tilespmem:v11+s26+$0x10] =	vst.idx.msk $0xffff, v35  }
0xc4: {  	v35 =	vor.u32 s25, v20;
	v37 =	vor.u32 v37, v42;
	[tilespmem:v12+s26+$0x10] =	vst.idx.msk $0xffff, v33  }
0xc5: {  	v33 =	vand.u32 $0x7F, v35;
	[tilespmem:v13+s26+$0x10] =	vst.idx.msk $0xffff, v34;
	s26 =	smov.u32 s24  }
0xc6: {  	v35 =	vor.u32 v33, v42;
	v34 =	vld.idx.msk [tilespmem:v41+s3+$0x0], $0xffff  }
0xc7: {  	v33 =	vld.idx.msk [tilespmem:v40+s3+$0x0], $0xffff  }
0xc8: {  	v43 =	vld.idx.msk [tilespmem:v39+s3+$0x0], $0xffff  }
0xc9: {  	v45 =	vld.idx.msk [tilespmem:v37+s3+$0x0], $0xffff  }
0xca: {  	v46 =	vld.idx.msk [tilespmem:v44+s3+$0x0], $0xffff  }
0xcb: {  	v47 =	vld.idx.msk [tilespmem:v35+s3+$0x0], $0xffff  }
0xcc: {  	v48 =	vld.idx.msk [tilespmem:v38+s3+$0x0], $0xffff  }
0xcd: {  	v49 =	vld.idx.msk [tilespmem:v36+s3+$0x0], $0xffff  }
0xce: {  	[tilespmem:v31+s24+$0x0] =	vst.idx.msk $0xffff, v43  }
0xcf: {  	v43 =	vor.u32 s25, v24;
	[tilespmem:v4+s24+$0x0] =	vst.idx.msk $0xffff, v34  }
0xd0: {  	v34 =	vor.u32 s25, v23;
	v43 =	vand.u32 $0x7F, v43;
	[tilespmem:v5+s24+$0x0] =	vst.idx.msk $0xffff, v45  }
0xd1: {  	v45 =	vor.u32 s25, v2;
	[tilespmem:v14+s24+$0x0] =	vst.idx.msk $0xffff, v33;
	v33 =	vand.u32 $0x7F, v34;
	v34 =	vor.u32 v43, v42  }
0xd2: {  	v43 =	vor.u32 s25, v26;
	v45 =	vand.u32 $0x7F, v45;
	[tilespmem:v30+s24+$0x0] =	vst.idx.msk $0xffff, v46;
	v46 =	vor.u32 v33, v42  }
0xd3: {  	v33 =	vor.u32 s25, v29;
	v45 =	vor.u32 v45, v42;
	v43 =	vand.u32 $0x7F, v43;
	[tilespmem:v0+s24+$0x0] =	vst.idx.msk $0xffff, v47  }
0xd4: {  	v47 =	vor.u32 s25, v25;
	v43 =	vor.u32 v43, v42;
	v33 =	vand.u32 $0x7F, v33;
	[tilespmem:v6+s24+$0x0] =	vst.idx.msk $0xffff, v49  }
0xd5: {  	v49 =	vor.u32 s25, v28;
	v47 =	vand.u32 $0x7F, v47;
	[tilespmem:v7+s24+$0x0] =	vst.idx.msk $0xffff, v48;
	v48 =	vor.u32 v33, v42  }
0xd6: {  	v33 =	vor.u32 s25, v27;
	v47 =	vor.u32 v47, v42;
	v49 =	vand.u32 $0x7F, v49;
	s25 =	smov.u32 s29;
	v50 =	vld.idx.msk [tilespmem:v34+s3+$0x0], $0xffff  }
0xd7: {  	v52 =	vand.u32 $0x7F, v33;
	v33 =	vor.u32 v49, v42;
	v51 =	vld.idx.msk [tilespmem:v46+s3+$0x0], $0xffff  }
0xd8: {  	v52 =	vor.u32 v52, v42;
	v49 =	vld.idx.msk [tilespmem:v45+s3+$0x0], $0xffff  }
0xd9: {  	v42 =	vld.idx.msk [tilespmem:v43+s3+$0x0], $0xffff  }
0xda: {  	v53 =	vld.idx.msk [tilespmem:v48+s3+$0x0], $0xffff  }
0xdb: {  	v54 =	vld.idx.msk [tilespmem:v47+s3+$0x0], $0xffff  }
0xdc: {  	v55 =	vld.idx.msk [tilespmem:v33+s3+$0x0], $0xffff  }
0xdd: {  	v56 =	vld.idx.msk [tilespmem:v52+s3+$0x0], $0xffff  }
0xde: {  	[tilespmem:v32+s24+$0x0] =	vst.idx.msk $0xffff, v49  }
0xdf: {  	[tilespmem:v1+s24+$0x0] =	vst.idx.msk $0xffff, v51  }
0xe0: {  	[tilespmem:v8+s24+$0x0] =	vst.idx.msk $0xffff, v50  }
0xe1: {  	[tilespmem:v9+s24+$0x0] =	vst.idx.msk $0xffff, v54  }
0xe2: {  	[tilespmem:v10+s24+$0x0] =	vst.idx.msk $0xffff, v42  }
0xe3: {  	[tilespmem:v11+s24+$0x0] =	vst.idx.msk $0xffff, v56  }
0xe4: {  	[tilespmem:v12+s24+$0x0] =	vst.idx.msk $0xffff, v55  }
0xe5: {  	[tilespmem:v13+s24+$0x0] =	vst.idx.msk $0xffff, v53  }
0xe6: {  	v37 =	vld.idx.msk [tilespmem:v37+s14+$0x0], $0xffff  }
0xe7: {  	v41 =	vld.idx.msk [tilespmem:v41+s14+$0x0], $0xffff  }
0xe8: {  	v39 =	vld.idx.msk [tilespmem:v39+s14+$0x0], $0xffff  }
0xe9: {  	v40 =	vld.idx.msk [tilespmem:v40+s14+$0x0], $0xffff  }
0xea: {  	v42 =	vld.idx.msk [tilespmem:v44+s14+$0x0], $0xffff  }
0xeb: {  	v35 =	vld.idx.msk [tilespmem:v35+s14+$0x0], $0xffff  }
0xec: {  	v38 =	vld.idx.msk [tilespmem:v38+s14+$0x0], $0xffff  }
0xed: {  	v36 =	vld.idx.msk [tilespmem:v36+s14+$0x0], $0xffff  }
0xee: {  	[tilespmem:v31+s24+$0x10] =	vst.idx.msk $0xffff, v39  }
0xef: {  	[tilespmem:v4+s24+$0x10] =	vst.idx.msk $0xffff, v41  }
0xf0: {  	[tilespmem:v5+s24+$0x10] =	vst.idx.msk $0xffff, v37  }
0xf1: {  	[tilespmem:v14+s24+$0x10] =	vst.idx.msk $0xffff, v40  }
0xf2: {  	[tilespmem:v30+s24+$0x10] =	vst.idx.msk $0xffff, v42  }
0xf3: {  	[tilespmem:v0+s24+$0x10] =	vst.idx.msk $0xffff, v35  }
0xf4: {  	[tilespmem:v6+s24+$0x10] =	vst.idx.msk $0xffff, v36  }
0xf5: {  	[tilespmem:v7+s24+$0x10] =	vst.idx.msk $0xffff, v38  }
0xf6: {  	v39 =	vld.idx.msk [tilespmem:v34+s14+$0x0], $0xffff  }
0xf7: {  	v41 =	vld.idx.msk [tilespmem:v46+s14+$0x0], $0xffff  }
.Ltmp0:
0xf8: {  	v42 =	vld.idx.msk [tilespmem:v45+s14+$0x0], $0xffff;
	(pc) =	sbr.rel @p2 .LBB2_3-.Ltmp0, $4  }
0xf9: {  	v40 =	vld.idx.msk [tilespmem:v47+s14+$0x0], $0xffff  }
0xfa: {  	v37 =	vld.idx.msk [tilespmem:v43+s14+$0x0], $0xffff  }
0xfb: {  	v35 =	vld.idx.msk [tilespmem:v52+s14+$0x0], $0xffff  }
0xfc: {  	v36 =	vor.u32 s25, v21;
	v38 =	vor.u32 s25, v17;
	v43 =	vor.u32 s25, v22;
	v34 =	vld.idx.msk [tilespmem:v48+s14+$0x0], $0xffff  }
0xfd: {  	_ =	sdelay $0x2  }
0xfe: {  	v44 =	vmov s25  }
0xff: {  	v33 =	vld.idx.msk [tilespmem:v33+s14+$0x0], $0xffff;
	[tilespmem:v32+s26+$0x10] =	vst.idx.msk $0xffff, v42;
	v44 =	vshll.u32 v44, $0x3  }
0x100: {  	v50 =	vor.u32 s25, v16;
	[tilespmem:v1+s26+$0x10] =	vst.idx.msk $0xffff, v41;
	v44 =	vand.u32 $0xC00, v44  }
0x101: {  	v51 =	vor.u32 s25, v18;
	v42 =	vand.u32 $0x7F, v50;
	[tilespmem:v8+s26+$0x10] =	vst.idx.msk $0xffff, v39;
	v44 =	vor.u32 v3, v44  }
0x102: {  	v52 =	vor.u32 s25, v15;
	v41 =	vand.u32 $0x7F, v51;
	[tilespmem:v9+s26+$0x10] =	vst.idx.msk $0xffff, v40;
	v42 =	vor.u32 v42, v44  }
0x103: {  	v39 =	vand.u32 $0x7F, v52;
	v40 =	vor.u32 v41, v44;
	[tilespmem:v10+s26+$0x10] =	vst.idx.msk $0xffff, v37  }
0x104: {  	v38 =	vand.u32 $0x7F, v38;
	v39 =	vor.u32 v39, v44;
	[tilespmem:v11+s26+$0x10] =	vst.idx.msk $0xffff, v35  }
0x105: {  	v55 =	vor.u32 s25, v20;
	v36 =	vand.u32 $0x7F, v36;
	v38 =	vor.u32 v38, v44;
	[tilespmem:v12+s26+$0x10] =	vst.idx.msk $0xffff, v33  }
0x106: {  	v53 =	vor.u32 s25, v19;
	v56 =	vand.u32 $0x7F, v55;
	v36 =	vor.u32 v36, v44;
	[tilespmem:v13+s26+$0x10] =	vst.idx.msk $0xffff, v34  }
0x107: {  	v54 =	vand.u32 $0x7F, v53;
	v35 =	vor.u32 v56, v44;
	v58 =	vld.idx.msk [tilespmem:v42+s3+$0x0], $0xffff  }
0x108: {  	v57 =	vand.u32 $0x7F, v43;
	v33 =	vor.u32 v54, v44;
	v41 =	vld.idx.msk [tilespmem:v40+s3+$0x0], $0xffff  }
0x109: {  	v34 =	vor.u32 v57, v44;
	v59 =	vld.idx.msk [tilespmem:v39+s3+$0x0], $0xffff  }
0x10a: {  	v45 =	vld.idx.msk [tilespmem:v38+s3+$0x0], $0xffff  }
0x10b: {  	v49 =	vld.idx.msk [tilespmem:v36+s3+$0x0], $0xffff  }
0x10c: {  	v47 =	vld.idx.msk [tilespmem:v35+s3+$0x0], $0xffff  }
0x10d: {  	s24 =	sadd.s32 $0x200, s24;
	v46 =	vld.idx.msk [tilespmem:v33+s3+$0x0], $0xffff  }
0x10e: {  	v48 =	vld.idx.msk [tilespmem:v34+s3+$0x0], $0xffff;
	[tilespmem:v31+s24+$0x0] =	vst.idx.msk $0xffff, v59  }
0x10f: {  	v60 =	vor.u32 s25, v24;
	[tilespmem:v4+s24+$0x0] =	vst.idx.msk $0xffff, v58  }
0x110: {  	v61 =	vor.u32 s25, v23;
	v43 =	vand.u32 $0x7F, v60;
	[tilespmem:v5+s24+$0x0] =	vst.idx.msk $0xffff, v45  }
0x111: {  	v62 =	vor.u32 s25, v2;
	v37 =	vand.u32 $0x7F, v61;
	v63 =	vor.u32 v43, v44;
	[tilespmem:v14+s24+$0x0] =	vst.idx.msk $0xffff, v41  }
0x112: {  	v37 =	vor.u32 v37, v44;
	v57 =	vor.u32 s25, v26;
	v45 =	vand.u32 $0x7F, v62;
	[tilespmem:v30+s24+$0x0] =	vst.idx.msk $0xffff, v46  }
0x113: {  	v43 =	vand.u32 $0x7F, v57;
	v58 =	vor.u32 s25, v29;
	v45 =	vor.u32 v45, v44;
	[tilespmem:v0+s24+$0x0] =	vst.idx.msk $0xffff, v47  }
0x114: {  	v43 =	vor.u32 v43, v44;
	v59 =	vor.u32 s25, v25;
	v46 =	vand.u32 $0x7F, v58;
	[tilespmem:v6+s24+$0x0] =	vst.idx.msk $0xffff, v49  }
0x115: {  	v60 =	vor.u32 s25, v28;
	v47 =	vand.u32 $0x7F, v59;
	v46 =	vor.u32 v46, v44;
	[tilespmem:v7+s24+$0x0] =	vst.idx.msk $0xffff, v48  }
0x116: {  	v61 =	vor.u32 s25, v27;
	v47 =	vor.u32 v47, v44;
	v49 =	vand.u32 $0x7F, v60;
	v50 =	vld.idx.msk [tilespmem:v63+s3+$0x0], $0xffff  }
0x117: {  	v48 =	vand.u32 $0x7F, v61;
	v49 =	vor.u32 v49, v44;
	v51 =	vld.idx.msk [tilespmem:v37+s3+$0x0], $0xffff  }
0x118: {  	v52 =	vld.idx.msk [tilespmem:v45+s3+$0x0], $0xffff;
	v44 =	vor.u32 v48, v44  }
0x119: {  	v62 =	vld.idx.msk [tilespmem:v43+s3+$0x0], $0xffff  }
0x11a: {  	v53 =	vld.idx.msk [tilespmem:v46+s3+$0x0], $0xffff  }
0x11b: {  	v54 =	vld.idx.msk [tilespmem:v47+s3+$0x0], $0xffff  }
0x11c: {  	v55 =	vld.idx.msk [tilespmem:v49+s3+$0x0], $0xffff  }
0x11d: {  	v56 =	vld.idx.msk [tilespmem:v44+s3+$0x0], $0xffff;
	[tilespmem:v32+s24+$0x0] =	vst.idx.msk $0xffff, v52  }
0x11e: {  	[tilespmem:v1+s24+$0x0] =	vst.idx.msk $0xffff, v51  }
0x11f: {  	[tilespmem:v8+s24+$0x0] =	vst.idx.msk $0xffff, v50  }
0x120: {  	[tilespmem:v9+s24+$0x0] =	vst.idx.msk $0xffff, v54  }
0x121: {  	[tilespmem:v10+s24+$0x0] =	vst.idx.msk $0xffff, v62  }
0x122: {  	[tilespmem:v11+s24+$0x0] =	vst.idx.msk $0xffff, v56  }
0x123: {  	[tilespmem:v12+s24+$0x0] =	vst.idx.msk $0xffff, v55  }
0x124: {  	[tilespmem:v13+s24+$0x0] =	vst.idx.msk $0xffff, v53  }
0x125: {  	v38 =	vld.idx.msk [tilespmem:v38+s14+$0x0], $0xffff  }
0x126: {  	v42 =	vld.idx.msk [tilespmem:v42+s14+$0x0], $0xffff  }
0x127: {  	v39 =	vld.idx.msk [tilespmem:v39+s14+$0x0], $0xffff  }
0x128: {  	v40 =	vld.idx.msk [tilespmem:v40+s14+$0x0], $0xffff  }
0x129: {  	v33 =	vld.idx.msk [tilespmem:v33+s14+$0x0], $0xffff  }
0x12a: {  	v35 =	vld.idx.msk [tilespmem:v35+s14+$0x0], $0xffff  }
0x12b: {  	v34 =	vld.idx.msk [tilespmem:v34+s14+$0x0], $0xffff  }
0x12c: {  	v36 =	vld.idx.msk [tilespmem:v36+s14+$0x0], $0xffff;
	[tilespmem:v31+s24+$0x10] =	vst.idx.msk $0xffff, v39  }
0x12d: {  	[tilespmem:v4+s24+$0x10] =	vst.idx.msk $0xffff, v42  }
0x12e: {  	[tilespmem:v5+s24+$0x10] =	vst.idx.msk $0xffff, v38  }
0x12f: {  	[tilespmem:v14+s24+$0x10] =	vst.idx.msk $0xffff, v40  }
0x130: {  	[tilespmem:v30+s24+$0x10] =	vst.idx.msk $0xffff, v33  }
0x131: {  	[tilespmem:v0+s24+$0x10] =	vst.idx.msk $0xffff, v35  }
0x132: {  	[tilespmem:v6+s24+$0x10] =	vst.idx.msk $0xffff, v36  }
0x133: {  	[tilespmem:v7+s24+$0x10] =	vst.idx.msk $0xffff, v34  }
0x134: {  	v33 =	vld.idx.msk [tilespmem:v63+s14+$0x0], $0xffff  }
0x135: {  	v34 =	vld.idx.msk [tilespmem:v37+s14+$0x0], $0xffff  }
0x136: {  	v35 =	vld.idx.msk [tilespmem:v45+s14+$0x0], $0xffff  }
0x137: {  	v36 =	vld.idx.msk [tilespmem:v47+s14+$0x0], $0xffff  }
0x138: {  	v63 =	vld.idx.msk [tilespmem:v43+s14+$0x0], $0xffff  }
0x139: {  	v38 =	vld.idx.msk [tilespmem:v44+s14+$0x0], $0xffff  }
0x13a: {  	v39 =	vld.idx.msk [tilespmem:v46+s14+$0x0], $0xffff  }
0x13b: {  	v40 =	vld.idx.msk [tilespmem:v49+s14+$0x0], $0xffff;
	[tilespmem:v32+s24+$0x10] =	vst.idx.msk $0xffff, v35  }
0x13c: {  	[tilespmem:v1+s24+$0x10] =	vst.idx.msk $0xffff, v34  }
0x13d: {  	[tilespmem:v8+s24+$0x10] =	vst.idx.msk $0xffff, v33  }
0x13e: {  	[tilespmem:v9+s24+$0x10] =	vst.idx.msk $0xffff, v36  }
0x13f: {  	[tilespmem:v10+s24+$0x10] =	vst.idx.msk $0xffff, v63  }
0x140: {  	[tilespmem:v11+s24+$0x10] =	vst.idx.msk $0xffff, v38  }
0x141: {  	s30 =	sadd.s32 $0x2, s23;
	s26 =	sshll.u32 s22, $0x11;
	[tilespmem:v12+s24+$0x10] =	vst.idx.msk $0xffff, v40  }
0x142: {  	s31 =	simm.s32 $0x0;
	s29 =	sadd.s32 s26, s7;
	[tilespmem:v13+s24+$0x10] =	vst.idx.msk $0xffff, v39;
	s24 =	smin.u32 s30, s4  }
0x143: {  	[hbm4b:s29+s3] =	stream.linear.scatter [tilespmem:s15], [sflag:$0x3], $0x4000, $0x38;
	[tilespmem:$0x10000] =	vst v63  }
0x144: {  	v42 =	vmov s31;
	s24 =	sshll.u32 s24, $0xE  }
0x145: {  	v33 =	vshll.u32 v42, $0x3;
	s24 =	sadd.s32 s24, s5  }
0x146: {  	v43 =	vor.u32 s31, v16;
	v33 =	vand.u32 $0xC00, v33;
	[tilespmem:s3], [sflag:$0x1] =	stream.strided.gather [hbm4b:s24+s10], $0x4000, s11, s10, $0x38;
	[tilespmem:$0x10000] =	vst v63  }
0x147: {  	v44 =	vor.u32 s31, v18;
	v45 =	vand.u32 $0x7F, v43;
	v36 =	vor.u32 v3, v33;
	_ =	swait.ge [sflag:s16], $0x4000  }
0x148: {  	v46 =	vor.u32 s31, v15;
	v47 =	vand.u32 $0x7F, v44;
	v37 =	vor.u32 v45, v36;
	[sflag:s16] =	ssyncset.done $0x0  }
0x149: {  	v48 =	vor.u32 s31, v17;
	v34 =	vand.u32 $0x7F, v46;
	v38 =	vor.u32 v47, v36;
	s24 =	simm.s32 @!p1 $0x4;
	[sflag:s16] =	ssyncadd.s32 $0xFFFFC000  }
0x14a: {  	v49 =	vor.u32 s31, v19;
	v35 =	vand.u32 $0x7F, v48;
	v34 =	vor.u32 v34, v36;
	_ =	swait.ge @!p1 [sflag:s24], $0x4000  }
0x14b: {  	v50 =	vor.u32 s31, v20;
	v33 =	vand.u32 $0x7F, v49;
	v35 =	vor.u32 v35, v36;
	[sflag:s24] =	ssyncset.done @!p1 $0x0  }
0x14c: {  	v51 =	vor.u32 s31, v22;
	v52 =	vand.u32 $0x7F, v50;
	v41 =	vor.u32 v33, v36;
	[sflag:s24] =	ssyncadd.s32 @!p1 $0xFFFFC000  }
0x14d: {  	v53 =	vor.u32 s31, v21;
	v43 =	vor.u32 v52, v36;
	v40 =	vand.u32 $0x7F, v51;
	v54 =	vld.idx.msk [tilespmem:v37+s12+$0x0], $0xffff  }
0x14e: {  	v55 =	vand.u32 $0x7F, v53;
	v39 =	vor.u32 v40, v36;
	v56 =	vld.idx.msk [tilespmem:v38+s12+$0x0], $0xffff  }
0x14f: {  	v44 =	vor.u32 v55, v36;
	v57 =	vld.idx.msk [tilespmem:v34+s12+$0x0], $0xffff  }
0x150: {  	v58 =	vld.idx.msk [tilespmem:v35+s12+$0x0], $0xffff  }
0x151: {  	v59 =	vld.idx.msk [tilespmem:v41+s12+$0x0], $0xffff  }
0x152: {  	v60 =	vld.idx.msk [tilespmem:v43+s12+$0x0], $0xffff  }
0x153: {  	s24 =	simm.s32 $0xC000;
	v61 =	vld.idx.msk [tilespmem:v39+s12+$0x0], $0xffff  }
0x154: {  	v62 =	vld.idx.msk [tilespmem:v44+s12+$0x0], $0xffff;
	[tilespmem:v31+s24+$0x0] =	vst.idx.msk $0xffff, v57  }
0x155: {  	v63 =	vor.u32 s31, v24;
	[tilespmem:v4+s24+$0x0] =	vst.idx.msk $0xffff, v54  }
0x156: {  	v50 =	vor.u32 s31, v23;
	v33 =	vand.u32 $0x7F, v63;
	[tilespmem:v5+s24+$0x0] =	vst.idx.msk $0xffff, v58  }
0x157: {  	v52 =	vand.u32 $0x7F, v50;
	v51 =	vor.u32 s31, v2;
	v42 =	vor.u32 v33, v36;
	[tilespmem:v14+s24+$0x0] =	vst.idx.msk $0xffff, v56  }
0x158: {  	v53 =	vor.u32 s31, v26;
	v45 =	vand.u32 $0x7F, v51;
	v40 =	vor.u32 v52, v36;
	[tilespmem:v30+s24+$0x0] =	vst.idx.msk $0xffff, v59  }
0x159: {  	v55 =	vor.u32 s31, v25;
	v33 =	vand.u32 $0x7F, v53;
	v45 =	vor.u32 v45, v36;
	[tilespmem:v0+s24+$0x0] =	vst.idx.msk $0xffff, v60  }
0x15a: {  	v47 =	vand.u32 $0x7F, v55;
	v49 =	vor.u32 v33, v36;
	v57 =	vor.u32 s31, v28;
	[tilespmem:v6+s24+$0x0] =	vst.idx.msk $0xffff, v62  }
0x15b: {  	v47 =	vor.u32 v47, v36;
	v54 =	vor.u32 s31, v29;
	v46 =	vand.u32 $0x7F, v57;
	[tilespmem:v7+s24+$0x0] =	vst.idx.msk $0xffff, v61  }
0x15c: {  	v58 =	vor.u32 s31, v27;
	v33 =	vor.u32 v46, v36;
	v56 =	vand.u32 $0x7F, v54;
	v50 =	vld.idx.msk [tilespmem:v42+s12+$0x0], $0xffff  }
0x15d: {  	v48 =	vor.u32 v56, v36;
	v59 =	vand.u32 $0x7F, v58;
	v51 =	vld.idx.msk [tilespmem:v40+s12+$0x0], $0xffff  }
0x15e: {  	v36 =	vor.u32 v59, v36;
	v46 =	vld.idx.msk [tilespmem:v45+s12+$0x0], $0xffff  }
0x15f: {  	v52 =	vld.idx.msk [tilespmem:v49+s12+$0x0], $0xffff  }
0x160: {  	v61 =	vld.idx.msk [tilespmem:v47+s12+$0x0], $0xffff  }
0x161: {  	v62 =	vld.idx.msk [tilespmem:v33+s12+$0x0], $0xffff  }
0x162: {  	v60 =	vld.idx.msk [tilespmem:v48+s12+$0x0], $0xffff  }
0x163: {  	v63 =	vld.idx.msk [tilespmem:v36+s12+$0x0], $0xffff;
	[tilespmem:v32+s24+$0x0] =	vst.idx.msk $0xffff, v46  }
0x164: {  	[tilespmem:v1+s24+$0x0] =	vst.idx.msk $0xffff, v51  }
0x165: {  	[tilespmem:v8+s24+$0x0] =	vst.idx.msk $0xffff, v50  }
0x166: {  	[tilespmem:v9+s24+$0x0] =	vst.idx.msk $0xffff, v61  }
0x167: {  	[tilespmem:v10+s24+$0x0] =	vst.idx.msk $0xffff, v52  }
0x168: {  	[tilespmem:v11+s24+$0x0] =	vst.idx.msk $0xffff, v63  }
0x169: {  	[tilespmem:v12+s24+$0x0] =	vst.idx.msk $0xffff, v62  }
0x16a: {  	[tilespmem:v13+s24+$0x0] =	vst.idx.msk $0xffff, v60  }
0x16b: {  	v35 =	vld.idx.msk [tilespmem:v35+s17+$0x0], $0xffff  }
0x16c: {  	v37 =	vld.idx.msk [tilespmem:v37+s17+$0x0], $0xffff  }
0x16d: {  	v34 =	vld.idx.msk [tilespmem:v34+s17+$0x0], $0xffff  }
0x16e: {  	v38 =	vld.idx.msk [tilespmem:v38+s17+$0x0], $0xffff  }
0x16f: {  	v41 =	vld.idx.msk [tilespmem:v41+s17+$0x0], $0xffff  }
0x170: {  	v43 =	vld.idx.msk [tilespmem:v43+s17+$0x0], $0xffff  }
0x171: {  	v39 =	vld.idx.msk [tilespmem:v39+s17+$0x0], $0xffff  }
0x172: {  	v44 =	vld.idx.msk [tilespmem:v44+s17+$0x0], $0xffff;
	[tilespmem:v31+s24+$0x10] =	vst.idx.msk $0xffff, v34  }
0x173: {  	[tilespmem:v4+s24+$0x10] =	vst.idx.msk $0xffff, v37  }
0x174: {  	[tilespmem:v5+s24+$0x10] =	vst.idx.msk $0xffff, v35  }
0x175: {  	[tilespmem:v14+s24+$0x10] =	vst.idx.msk $0xffff, v38  }
0x176: {  	[tilespmem:v30+s24+$0x10] =	vst.idx.msk $0xffff, v41  }
0x177: {  	[tilespmem:v0+s24+$0x10] =	vst.idx.msk $0xffff, v43  }
0x178: {  	[tilespmem:v6+s24+$0x10] =	vst.idx.msk $0xffff, v44  }
0x179: {  	[tilespmem:v7+s24+$0x10] =	vst.idx.msk $0xffff, v39  }
0x17a: {  	v39 =	vld.idx.msk [tilespmem:v42+s17+$0x0], $0xffff  }
0x17b: {  	v41 =	vld.idx.msk [tilespmem:v40+s17+$0x0], $0xffff  }
0x17c: {  	v42 =	vld.idx.msk [tilespmem:v45+s17+$0x0], $0xffff  }
0x17d: {  	v40 =	vld.idx.msk [tilespmem:v47+s17+$0x0], $0xffff  }
0x17e: {  	v37 =	vld.idx.msk [tilespmem:v49+s17+$0x0], $0xffff  }
0x17f: {  	s25 =	simm.s32 $0x10;
	v35 =	vld.idx.msk [tilespmem:v36+s17+$0x0], $0xffff  }
0x180: {  	s28 =	simm.s32 $0x20;
	s26 =	simm.s32 $0xC000;
	v38 =	vor.u32 s25, v17;
	v43 =	vor.u32 s25, v22;
	v36 =	vor.u32 s25, v21;
	v34 =	vld.idx.msk [tilespmem:v48+s17+$0x0], $0xffff  }
.LBB2_5:
0x181: {  	p1 =	sne.s32 s28, $0x1F0  }
0x182: {  	v44 =	vmov s25;
	v45 =	vor.u32 s25, v16;
	v43 =	vand.u32 $0x7F, v43;
	v33 =	vld.idx.msk [tilespmem:v33+s17+$0x0], $0xffff;
	s24 =	sadd.s32 $0x200, s24;
	s29 =	smov.u32 s28;
	s28 =	sadd.s32 $0x10, s28  }
0x183: {  	v46 =	vor.u32 s25, v18;
	v47 =	vor.u32 s25, v19;
	v44 =	vshll.u32 v44, $0x3;
	[tilespmem:v32+s26+$0x10] =	vst.idx.msk $0xffff, v42  }
0x184: {  	v42 =	vor.u32 s25, v15;
	v47 =	vand.u32 $0x7F, v47;
	v44 =	vand.u32 $0xC00, v44;
	[tilespmem:v1+s26+$0x10] =	vst.idx.msk $0xffff, v41  }
0x185: {  	v41 =	vand.u32 $0x7F, v42;
	v42 =	vor.u32 v3, v44;
	v44 =	vand.u32 $0x7F, v45;
	[tilespmem:v8+s26+$0x10] =	vst.idx.msk $0xffff, v39  }
0x186: {  	v39 =	vor.u32 v41, v42;
	v41 =	vor.u32 v44, v42;
	v44 =	vand.u32 $0x7F, v46;
	[tilespmem:v9+s26+$0x10] =	vst.idx.msk $0xffff, v40  }
0x187: {  	v36 =	vand.u32 $0x7F, v36;
	v40 =	vor.u32 v44, v42;
	v44 =	vor.u32 v47, v42;
	[tilespmem:v10+s26+$0x10] =	vst.idx.msk $0xffff, v37  }
0x188: {  	v36 =	vor.u32 v36, v42;
	v37 =	vand.u32 $0x7F, v38;
	v38 =	vor.u32 v43, v42;
	[tilespmem:v11+s26+$0x10] =	vst.idx.msk $0xffff, v35  }
0x189: {  	v35 =	vor.u32 s25, v20;
	v37 =	vor.u32 v37, v42;
	[tilespmem:v12+s26+$0x10] =	vst.idx.msk $0xffff, v33  }
0x18a: {  	v33 =	vand.u32 $0x7F, v35;
	[tilespmem:v13+s26+$0x10] =	vst.idx.msk $0xffff, v34;
	s26 =	smov.u32 s24  }
0x18b: {  	v35 =	vor.u32 v33, v42;
	v34 =	vld.idx.msk [tilespmem:v41+s12+$0x0], $0xffff  }
0x18c: {  	v33 =	vld.idx.msk [tilespmem:v40+s12+$0x0], $0xffff  }
0x18d: {  	v43 =	vld.idx.msk [tilespmem:v39+s12+$0x0], $0xffff  }
0x18e: {  	v45 =	vld.idx.msk [tilespmem:v37+s12+$0x0], $0xffff  }
0x18f: {  	v46 =	vld.idx.msk [tilespmem:v44+s12+$0x0], $0xffff  }
0x190: {  	v47 =	vld.idx.msk [tilespmem:v35+s12+$0x0], $0xffff  }
0x191: {  	v48 =	vld.idx.msk [tilespmem:v38+s12+$0x0], $0xffff  }
0x192: {  	v49 =	vld.idx.msk [tilespmem:v36+s12+$0x0], $0xffff  }
0x193: {  	[tilespmem:v31+s24+$0x0] =	vst.idx.msk $0xffff, v43  }
0x194: {  	v43 =	vor.u32 s25, v24;
	[tilespmem:v4+s24+$0x0] =	vst.idx.msk $0xffff, v34  }
0x195: {  	v34 =	vor.u32 s25, v23;
	v43 =	vand.u32 $0x7F, v43;
	[tilespmem:v5+s24+$0x0] =	vst.idx.msk $0xffff, v45  }
0x196: {  	v45 =	vor.u32 s25, v2;
	[tilespmem:v14+s24+$0x0] =	vst.idx.msk $0xffff, v33;
	v33 =	vand.u32 $0x7F, v34;
	v34 =	vor.u32 v43, v42  }
0x197: {  	v43 =	vor.u32 s25, v26;
	v45 =	vand.u32 $0x7F, v45;
	[tilespmem:v30+s24+$0x0] =	vst.idx.msk $0xffff, v46;
	v46 =	vor.u32 v33, v42  }
0x198: {  	v33 =	vor.u32 s25, v29;
	v45 =	vor.u32 v45, v42;
	v43 =	vand.u32 $0x7F, v43;
	[tilespmem:v0+s24+$0x0] =	vst.idx.msk $0xffff, v47  }
0x199: {  	v47 =	vor.u32 s25, v25;
	v43 =	vor.u32 v43, v42;
	v33 =	vand.u32 $0x7F, v33;
	[tilespmem:v6+s24+$0x0] =	vst.idx.msk $0xffff, v49  }
0x19a: {  	v49 =	vor.u32 s25, v28;
	v47 =	vand.u32 $0x7F, v47;
	[tilespmem:v7+s24+$0x0] =	vst.idx.msk $0xffff, v48;
	v48 =	vor.u32 v33, v42  }
0x19b: {  	v33 =	vor.u32 s25, v27;
	v47 =	vor.u32 v47, v42;
	v49 =	vand.u32 $0x7F, v49;
	s25 =	smov.u32 s29;
	v50 =	vld.idx.msk [tilespmem:v34+s12+$0x0], $0xffff  }
0x19c: {  	v52 =	vand.u32 $0x7F, v33;
	v33 =	vor.u32 v49, v42;
	v51 =	vld.idx.msk [tilespmem:v46+s12+$0x0], $0xffff  }
0x19d: {  	v52 =	vor.u32 v52, v42;
	v49 =	vld.idx.msk [tilespmem:v45+s12+$0x0], $0xffff  }
0x19e: {  	v42 =	vld.idx.msk [tilespmem:v43+s12+$0x0], $0xffff  }
0x19f: {  	v53 =	vld.idx.msk [tilespmem:v48+s12+$0x0], $0xffff  }
0x1a0: {  	v54 =	vld.idx.msk [tilespmem:v47+s12+$0x0], $0xffff  }
0x1a1: {  	v55 =	vld.idx.msk [tilespmem:v33+s12+$0x0], $0xffff  }
0x1a2: {  	v56 =	vld.idx.msk [tilespmem:v52+s12+$0x0], $0xffff  }
0x1a3: {  	[tilespmem:v32+s24+$0x0] =	vst.idx.msk $0xffff, v49  }
0x1a4: {  	[tilespmem:v1+s24+$0x0] =	vst.idx.msk $0xffff, v51  }
0x1a5: {  	[tilespmem:v8+s24+$0x0] =	vst.idx.msk $0xffff, v50  }
0x1a6: {  	[tilespmem:v9+s24+$0x0] =	vst.idx.msk $0xffff, v54  }
0x1a7: {  	[tilespmem:v10+s24+$0x0] =	vst.idx.msk $0xffff, v42  }
0x1a8: {  	[tilespmem:v11+s24+$0x0] =	vst.idx.msk $0xffff, v56  }
0x1a9: {  	[tilespmem:v12+s24+$0x0] =	vst.idx.msk $0xffff, v55  }
0x1aa: {  	[tilespmem:v13+s24+$0x0] =	vst.idx.msk $0xffff, v53  }
0x1ab: {  	v37 =	vld.idx.msk [tilespmem:v37+s17+$0x0], $0xffff  }
0x1ac: {  	v41 =	vld.idx.msk [tilespmem:v41+s17+$0x0], $0xffff  }
0x1ad: {  	v39 =	vld.idx.msk [tilespmem:v39+s17+$0x0], $0xffff  }
0x1ae: {  	v40 =	vld.idx.msk [tilespmem:v40+s17+$0x0], $0xffff  }
0x1af: {  	v42 =	vld.idx.msk [tilespmem:v44+s17+$0x0], $0xffff  }
0x1b0: {  	v35 =	vld.idx.msk [tilespmem:v35+s17+$0x0], $0xffff  }
0x1b1: {  	v38 =	vld.idx.msk [tilespmem:v38+s17+$0x0], $0xffff  }
0x1b2: {  	v36 =	vld.idx.msk [tilespmem:v36+s17+$0x0], $0xffff  }
0x1b3: {  	[tilespmem:v31+s24+$0x10] =	vst.idx.msk $0xffff, v39  }
0x1b4: {  	[tilespmem:v4+s24+$0x10] =	vst.idx.msk $0xffff, v41  }
0x1b5: {  	[tilespmem:v5+s24+$0x10] =	vst.idx.msk $0xffff, v37  }
0x1b6: {  	[tilespmem:v14+s24+$0x10] =	vst.idx.msk $0xffff, v40  }
0x1b7: {  	[tilespmem:v30+s24+$0x10] =	vst.idx.msk $0xffff, v42  }
0x1b8: {  	[tilespmem:v0+s24+$0x10] =	vst.idx.msk $0xffff, v35  }
0x1b9: {  	[tilespmem:v6+s24+$0x10] =	vst.idx.msk $0xffff, v36  }
0x1ba: {  	[tilespmem:v7+s24+$0x10] =	vst.idx.msk $0xffff, v38  }
0x1bb: {  	v39 =	vld.idx.msk [tilespmem:v34+s17+$0x0], $0xffff  }
0x1bc: {  	v41 =	vld.idx.msk [tilespmem:v46+s17+$0x0], $0xffff  }
.Ltmp1:
0x1bd: {  	v42 =	vld.idx.msk [tilespmem:v45+s17+$0x0], $0xffff;
	(pc) =	sbr.rel @p1 .LBB2_5-.Ltmp1, $4  }
0x1be: {  	v40 =	vld.idx.msk [tilespmem:v47+s17+$0x0], $0xffff  }
0x1bf: {  	v37 =	vld.idx.msk [tilespmem:v43+s17+$0x0], $0xffff  }
0x1c0: {  	v35 =	vld.idx.msk [tilespmem:v52+s17+$0x0], $0xffff  }
0x1c1: {  	v36 =	vor.u32 s25, v21;
	v38 =	vor.u32 s25, v17;
	v43 =	vor.u32 s25, v22;
	v34 =	vld.idx.msk [tilespmem:v48+s17+$0x0], $0xffff  }
0x1c2: {  	_ =	sdelay $0x2  }
0x1c3: {  	v44 =	vmov s25  }
0x1c4: {  	v33 =	vld.idx.msk [tilespmem:v33+s17+$0x0], $0xffff;
	[tilespmem:v32+s26+$0x10] =	vst.idx.msk $0xffff, v42;
	v44 =	vshll.u32 v44, $0x3  }
0x1c5: {  	v50 =	vor.u32 s25, v16;
	[tilespmem:v1+s26+$0x10] =	vst.idx.msk $0xffff, v41;
	v44 =	vand.u32 $0xC00, v44  }
0x1c6: {  	v51 =	vor.u32 s25, v18;
	v42 =	vand.u32 $0x7F, v50;
	[tilespmem:v8+s26+$0x10] =	vst.idx.msk $0xffff, v39;
	v44 =	vor.u32 v3, v44  }
0x1c7: {  	v52 =	vor.u32 s25, v15;
	v41 =	vand.u32 $0x7F, v51;
	[tilespmem:v9+s26+$0x10] =	vst.idx.msk $0xffff, v40;
	v42 =	vor.u32 v42, v44  }
0x1c8: {  	v39 =	vand.u32 $0x7F, v52;
	v40 =	vor.u32 v41, v44;
	[tilespmem:v10+s26+$0x10] =	vst.idx.msk $0xffff, v37  }
0x1c9: {  	v38 =	vand.u32 $0x7F, v38;
	v39 =	vor.u32 v39, v44;
	[tilespmem:v11+s26+$0x10] =	vst.idx.msk $0xffff, v35  }
0x1ca: {  	v55 =	vor.u32 s25, v20;
	v36 =	vand.u32 $0x7F, v36;
	v38 =	vor.u32 v38, v44;
	[tilespmem:v12+s26+$0x10] =	vst.idx.msk $0xffff, v33  }
0x1cb: {  	v53 =	vor.u32 s25, v19;
	v56 =	vand.u32 $0x7F, v55;
	v36 =	vor.u32 v36, v44;
	[tilespmem:v13+s26+$0x10] =	vst.idx.msk $0xffff, v34  }
0x1cc: {  	v54 =	vand.u32 $0x7F, v53;
	v35 =	vor.u32 v56, v44;
	v58 =	vld.idx.msk [tilespmem:v42+s12+$0x0], $0xffff  }
0x1cd: {  	v57 =	vand.u32 $0x7F, v43;
	v33 =	vor.u32 v54, v44;
	v41 =	vld.idx.msk [tilespmem:v40+s12+$0x0], $0xffff  }
0x1ce: {  	v34 =	vor.u32 v57, v44;
	v59 =	vld.idx.msk [tilespmem:v39+s12+$0x0], $0xffff  }
0x1cf: {  	v45 =	vld.idx.msk [tilespmem:v38+s12+$0x0], $0xffff  }
0x1d0: {  	v49 =	vld.idx.msk [tilespmem:v36+s12+$0x0], $0xffff  }
0x1d1: {  	v47 =	vld.idx.msk [tilespmem:v35+s12+$0x0], $0xffff  }
0x1d2: {  	s24 =	sadd.s32 $0x200, s24;
	v46 =	vld.idx.msk [tilespmem:v33+s12+$0x0], $0xffff  }
0x1d3: {  	v48 =	vld.idx.msk [tilespmem:v34+s12+$0x0], $0xffff;
	[tilespmem:v31+s24+$0x0] =	vst.idx.msk $0xffff, v59  }
0x1d4: {  	v60 =	vor.u32 s25, v24;
	[tilespmem:v4+s24+$0x0] =	vst.idx.msk $0xffff, v58  }
0x1d5: {  	v61 =	vor.u32 s25, v23;
	v43 =	vand.u32 $0x7F, v60;
	[tilespmem:v5+s24+$0x0] =	vst.idx.msk $0xffff, v45  }
0x1d6: {  	v62 =	vor.u32 s25, v2;
	v37 =	vand.u32 $0x7F, v61;
	v63 =	vor.u32 v43, v44;
	[tilespmem:v14+s24+$0x0] =	vst.idx.msk $0xffff, v41  }
0x1d7: {  	v37 =	vor.u32 v37, v44;
	v57 =	vor.u32 s25, v26;
	v45 =	vand.u32 $0x7F, v62;
	[tilespmem:v30+s24+$0x0] =	vst.idx.msk $0xffff, v46  }
0x1d8: {  	v43 =	vand.u32 $0x7F, v57;
	v58 =	vor.u32 s25, v29;
	v45 =	vor.u32 v45, v44;
	[tilespmem:v0+s24+$0x0] =	vst.idx.msk $0xffff, v47  }
0x1d9: {  	v43 =	vor.u32 v43, v44;
	v59 =	vor.u32 s25, v25;
	v46 =	vand.u32 $0x7F, v58;
	[tilespmem:v6+s24+$0x0] =	vst.idx.msk $0xffff, v49  }
0x1da: {  	v60 =	vor.u32 s25, v28;
	v47 =	vand.u32 $0x7F, v59;
	v46 =	vor.u32 v46, v44;
	[tilespmem:v7+s24+$0x0] =	vst.idx.msk $0xffff, v48  }
0x1db: {  	v61 =	vor.u32 s25, v27;
	v47 =	vor.u32 v47, v44;
	v49 =	vand.u32 $0x7F, v60;
	v50 =	vld.idx.msk [tilespmem:v63+s12+$0x0], $0xffff  }
0x1dc: {  	v48 =	vand.u32 $0x7F, v61;
	v49 =	vor.u32 v49, v44;
	v51 =	vld.idx.msk [tilespmem:v37+s12+$0x0], $0xffff  }
0x1dd: {  	v52 =	vld.idx.msk [tilespmem:v45+s12+$0x0], $0xffff;
	v44 =	vor.u32 v48, v44  }
0x1de: {  	v62 =	vld.idx.msk [tilespmem:v43+s12+$0x0], $0xffff  }
0x1df: {  	v53 =	vld.idx.msk [tilespmem:v46+s12+$0x0], $0xffff  }
0x1e0: {  	v54 =	vld.idx.msk [tilespmem:v47+s12+$0x0], $0xffff  }
0x1e1: {  	v55 =	vld.idx.msk [tilespmem:v49+s12+$0x0], $0xffff  }
0x1e2: {  	v56 =	vld.idx.msk [tilespmem:v44+s12+$0x0], $0xffff;
	[tilespmem:v32+s24+$0x0] =	vst.idx.msk $0xffff, v52  }
0x1e3: {  	[tilespmem:v1+s24+$0x0] =	vst.idx.msk $0xffff, v51  }
0x1e4: {  	[tilespmem:v8+s24+$0x0] =	vst.idx.msk $0xffff, v50  }
0x1e5: {  	[tilespmem:v9+s24+$0x0] =	vst.idx.msk $0xffff, v54  }
0x1e6: {  	[tilespmem:v10+s24+$0x0] =	vst.idx.msk $0xffff, v62  }
0x1e7: {  	[tilespmem:v11+s24+$0x0] =	vst.idx.msk $0xffff, v56  }
0x1e8: {  	[tilespmem:v12+s24+$0x0] =	vst.idx.msk $0xffff, v55  }
0x1e9: {  	[tilespmem:v13+s24+$0x0] =	vst.idx.msk $0xffff, v53  }
0x1ea: {  	v38 =	vld.idx.msk [tilespmem:v38+s17+$0x0], $0xffff  }
0x1eb: {  	v42 =	vld.idx.msk [tilespmem:v42+s17+$0x0], $0xffff  }
0x1ec: {  	v39 =	vld.idx.msk [tilespmem:v39+s17+$0x0], $0xffff  }
0x1ed: {  	v40 =	vld.idx.msk [tilespmem:v40+s17+$0x0], $0xffff  }
0x1ee: {  	v33 =	vld.idx.msk [tilespmem:v33+s17+$0x0], $0xffff  }
0x1ef: {  	v35 =	vld.idx.msk [tilespmem:v35+s17+$0x0], $0xffff  }
0x1f0: {  	v34 =	vld.idx.msk [tilespmem:v34+s17+$0x0], $0xffff  }
0x1f1: {  	v36 =	vld.idx.msk [tilespmem:v36+s17+$0x0], $0xffff;
	[tilespmem:v31+s24+$0x10] =	vst.idx.msk $0xffff, v39  }
0x1f2: {  	[tilespmem:v4+s24+$0x10] =	vst.idx.msk $0xffff, v42  }
0x1f3: {  	[tilespmem:v5+s24+$0x10] =	vst.idx.msk $0xffff, v38  }
0x1f4: {  	[tilespmem:v14+s24+$0x10] =	vst.idx.msk $0xffff, v40  }
0x1f5: {  	[tilespmem:v30+s24+$0x10] =	vst.idx.msk $0xffff, v33  }
0x1f6: {  	[tilespmem:v0+s24+$0x10] =	vst.idx.msk $0xffff, v35  }
0x1f7: {  	[tilespmem:v6+s24+$0x10] =	vst.idx.msk $0xffff, v36  }
0x1f8: {  	[tilespmem:v7+s24+$0x10] =	vst.idx.msk $0xffff, v34  }
0x1f9: {  	v33 =	vld.idx.msk [tilespmem:v63+s17+$0x0], $0xffff  }
0x1fa: {  	v34 =	vld.idx.msk [tilespmem:v37+s17+$0x0], $0xffff  }
0x1fb: {  	v35 =	vld.idx.msk [tilespmem:v45+s17+$0x0], $0xffff  }
0x1fc: {  	v36 =	vld.idx.msk [tilespmem:v47+s17+$0x0], $0xffff  }
0x1fd: {  	v63 =	vld.idx.msk [tilespmem:v43+s17+$0x0], $0xffff  }
0x1fe: {  	v38 =	vld.idx.msk [tilespmem:v44+s17+$0x0], $0xffff  }
0x1ff: {  	v39 =	vld.idx.msk [tilespmem:v46+s17+$0x0], $0xffff  }
0x200: {  	v40 =	vld.idx.msk [tilespmem:v49+s17+$0x0], $0xffff;
	[tilespmem:v32+s24+$0x10] =	vst.idx.msk $0xffff, v35  }
0x201: {  	[tilespmem:v1+s24+$0x10] =	vst.idx.msk $0xffff, v34  }
0x202: {  	[tilespmem:v8+s24+$0x10] =	vst.idx.msk $0xffff, v33  }
0x203: {  	[tilespmem:v9+s24+$0x10] =	vst.idx.msk $0xffff, v36  }
0x204: {  	s29 =	sor.u32 $0x1, s23;
	s22 =	sadd.s32 $0x1, s22;
	[tilespmem:v10+s24+$0x10] =	vst.idx.msk $0xffff, v63  }
0x205: {  	s31 =	sadd.s32 $0x3, s23;
	p1 =	sne.s32 s22, $0x1F;
	s25 =	smin.u32 s29, s4;
	[tilespmem:v11+s24+$0x10] =	vst.idx.msk $0xffff, v38  }
.Ltmp2:
0x206: {  	s23 =	smin.u32 s31, s4;
	s25 =	sshll.u32 s25, $0x10;
	[tilespmem:v12+s24+$0x10] =	vst.idx.msk $0xffff, v40;
	(pc) =	sbr.rel @p1 .LBB2_2-.Ltmp2, $4  }
0x207: {  	s23 =	sshll.u32 s23, $0xE;
	s30 =	sadd.s32 s25, s7;
	[tilespmem:v13+s24+$0x10] =	vst.idx.msk $0xffff, v39  }
0x208: {  	[hbm4b:s30+s3] =	stream.linear.scatter [tilespmem:s18], [sflag:$0x4], $0x4000, $0x38;
	[tilespmem:$0x10000] =	vst v63  }
0x209: {  	s23 =	sadd.s32 s23, s5  }
0x20a: {  	[tilespmem:s12], [sflag:$0x2] =	stream.strided.gather [hbm4b:s23+s10], $0x4000, s11, s10, $0x38;
	[tilespmem:$0x10000] =	vst v63  }
0x20b: {  	_ =	swait.ge [sflag:s13], $0x4000  }
0x20c: {  	[sflag:s13] =	ssyncset.done $0x0  }
0x20d: {  	[sflag:s13] =	ssyncadd.s32 $0xFFFFC000  }
0x20e: {  	_ =	swait.ge [sflag:s16], $0x4000  }
0x20f: {  	[sflag:s16] =	ssyncset.done $0x0  }
0x210: {  	[sflag:s16] =	ssyncadd.s32 $0xFFFFC000  }
0x211: {  	_ =	swait.ge [sflag:s19], $0x4000  }
0x212: {  	[sflag:s19] =	ssyncset.done $0x0  }
0x213: {  	[sflag:s19] =	ssyncadd.s32 $0xFFFFC000  }
0x214: {  	_ =	swait.ge [sflag:s20], $0x4000  }
0x215: {  	s22 =	sshll.u32 @!p0 s2, $0x6;
	s21 =	sadd.s32 $0x1, s21;
	[sflag:s20] =	ssyncset.done $0x0  }
0x216: {  	s22 =	sor.u32 @!p0 $0x1C05, s22;
	p1 =	sne.s32 s21, s9;
	[sflag:s20] =	ssyncadd.s32 $0xFFFFC000  }
0x217: {  	[hbm:s8], [sflag:s22] =	dma.local @!p0 [hbm:s0], $0x100  }
.Ltmp3:
0x218: {  	_ = 	snop;
	(pc) =	sbr.rel @p1 .LBB2_1-.Ltmp3, $4  }
0x219: {  	s22 =	simm.s32 @!p0 $0x5  }
0x21a: {  	_ =	swait.ge @!p0 [sflag:s22], $0x100  }
0x21b: {  	[sflag:s22] =	ssyncset.done @!p0 $0x0  }
0x21c: {  	[sflag:s22] =	ssyncadd.s32 @!p0 $0xFFFFFF00  }
0x21d: {  	_ =	sfence.sel $0x180000  }
0x21e: {  	[bflag:$0x0] =	sbarrier.arrive $0xFFFF  }
0x21f: {  	p0 =	sne.s32 s2, $0x0;
	_ =	strace $0x90000047  }
0x220: {  	s0 =	sadd.s32 @!p0 $0x100000, s1;
	[bflag:$0x2] =	sbarrier.arrive $0xFFFF  }
0x221: {  	[sflag:s0] =	ssyncadd.tile.s32 @!p0 $0x1;
	_ =	shalt  }
.Lfunc_end2:
_tile_overlayer_lowered:
.L_overlay_start_2:
0x222: {  	(tag) =	ssettag $0x2  }
0x223: {  	s0 =	rddreg [dreg:$0x0];
	s2 =	stileid.u32  }
0x224: {  	s1 =	rddreg [dreg:$0x1];
	p0 =	sne.s32 s2, $0x0  }
0x225: {  	s3 =	rddreg [dreg:$0x2];
	[bflag:$0x3] =	sbarrier.arrive $0xFFFF;
	s2 =	simm.s32 @!p0 $0x1C05  }
0x226: {  	[timem:s3], [sflag:s2] =	dma.local @!p0 [hbm:s0], s1  }
0x227: {  	s0 =	simm.s32 @!p0 $0x5  }
0x228: {  	_ =	swait.ge @!p0 [sflag:s0], s1  }
0x229: {  	s1 =	ssub.s32 @!p0 $0x0, s1;
	[sflag:s0] =	ssyncset.done @!p0 $0x0  }
0x22a: {  	[sflag:s0] =	ssyncadd.s32 @!p0 s1  }
0x22b: {  	[bflag:$0x3] =	sbarrier.arrive $0xFFFF  }
0x22c: {  	_ =	shalt  }

</sc_bundles>
